<compile_context>
chip_gen: v7x
topology: tpu7x:2x2x1
jax: 0.10.2.dev20260603
libtpu: 0.0.44.dev20260713+nightly
codegen_flags: <defaults>
</compile_context>

<pallas_src>
import functools

import jax
import jax.numpy as jnp
from jax import lax
from jax.experimental import pallas as pl
from jax.experimental.pallas import tpu as pltpu
from jax.experimental.pallas import tpu_sc as plsc

_TOP_K = 8
_E = 64
_L = 16
_NW = 32


def _matmul_body(repeat, rpb, q_ref, w1_ref, w2_ref, x_ref, lt_ref, st_ref):
    i = pl.program_id(0)
    qbt = lax.dot_general(w2_ref[...], q_ref[...], (((1,), (1,)), ((), ())),
                          preferred_element_type=jnp.float32)
    col = lax.broadcasted_iota(jnp.int32, qbt.shape, 1)
    for r in range(rpb):
        x = x_ref[r].astype(jnp.bfloat16)
        lt = lax.dot_general(w1_ref[...], x, (((1,), (1,)), ((), ())),
                             preferred_element_type=jnp.float32)
        g = (i * rpb + r) // repeat
        qb = jnp.sum(jnp.where(col == g, qbt, 0.0), axis=1, keepdims=True)
        ltq = lt + qb
        lt_ref[r, 0] = ltq
        ex = jnp.exp(ltq)
        st_ref[r, 0] = ex * (1.0 / jnp.sum(ex, axis=0, keepdims=True))


def _router_sc_body(tpw, st_hbm, tks_hbm, tki_hbm,
                    st_v, tks_v, tki_v):
    wid = lax.axis_index("s") * 2 + lax.axis_index("c")
    wpr = st_hbm.shape[1]
    row = wid // wpr
    half = wid % wpr
    pltpu.sync_copy(st_hbm.at[row, half], st_v)

    def group(g, carry):
        sl = pl.ds(g * _L, _L)
        top = [jnp.zeros((_L,), jnp.int32) for _ in range(_TOP_K)]
        for e in range(_E):
            c = (plsc.bitcast(st_v[e, sl], jnp.int32) & ~0x3F) | (0x3F - e)
            for k in range(_TOP_K):
                hi = jnp.maximum(top[k], c)
                c = jnp.minimum(top[k], c)
                top[k] = hi
        for k in range(_TOP_K):
            tki_v[k, sl] = 0x3F - (top[k] & 0x3F)
            tks_v[k, sl] = plsc.bitcast(top[k] & ~0x3F, jnp.float32)
        return carry

    lax.fori_loop(0, tpw // _L, group, 0)
    pltpu.sync_copy(tks_v, tks_hbm.at[row, half])
    pltpu.sync_copy(tki_v, tki_hbm.at[row, half])


def kernel(vis_emb, query_emb, W):
    total, T, H = vis_emb.shape
    B = query_emb.shape[0]
    E = W.shape[0]
    repeat = total // B

    w1 = W[:, :H].astype(jnp.bfloat16)
    w2 = W[:, H:].astype(jnp.bfloat16)
    qb16 = query_emb.astype(jnp.bfloat16)

    tpw = T
    rpb = 4
    mesh = plsc.VectorSubcoreMesh(core_axis_name="c", subcore_axis_name="s")

    lt, st = pl.pallas_call(
        functools.partial(_matmul_body, repeat, rpb),
        grid=(total // rpb,),
        in_specs=[
            pl.BlockSpec((B, H), lambda i: (0, 0)),
            pl.BlockSpec((E, H), lambda i: (0, 0)),
            pl.BlockSpec((E, H), lambda i: (0, 0)),
            pl.BlockSpec((rpb, T, H), lambda i: (i, 0, 0)),
        ],
        out_specs=[
            pl.BlockSpec((rpb, 1, E, T), lambda i: (i, 0, 0, 0)),
            pl.BlockSpec((rpb, 1, E, T), lambda i: (i, 0, 0, 0)),
        ],
        out_shape=[
            jax.ShapeDtypeStruct((total, 1, E, T), jnp.float32),
            jax.ShapeDtypeStruct((total, 1, E, T), jnp.float32),
        ],
    )(qb16, w1, w2, vis_emb)

    tks_t, tki_t = pl.kernel(
        functools.partial(_router_sc_body, tpw),
        out_type=(
            jax.ShapeDtypeStruct((total, 1, _TOP_K, T), jnp.float32),
            jax.ShapeDtypeStruct((total, 1, _TOP_K, T), jnp.int32),
        ),
        mesh=mesh,
        compiler_params=pltpu.CompilerParams(needs_layout_passes=False),
        scratch_types=[
            pltpu.VMEM((E, tpw), jnp.float32),
            pltpu.VMEM((_TOP_K, tpw), jnp.float32),
            pltpu.VMEM((_TOP_K, tpw), jnp.int32),
        ],
    )(st)

    gate_logits = lt.reshape(total, E, T).transpose(0, 2, 1)
    gate_scores = st.reshape(total, E, T).transpose(0, 2, 1)
    tks = tks_t.reshape(total, _TOP_K, T).transpose(0, 2, 1)
    tki = tki_t.reshape(total, _TOP_K, T).transpose(0, 2, 1)
    return (tks, tki, gate_scores, gate_logits)

# --- scband reference (transcript-rebuilt; emitter-appended) ---
"""Pipeline reference for scband-query-conditioned-router-12824772346167 (READ-ONLY COPY).

The authoritative reference and input builder live on the scoring server;
editing this copy changes nothing except your own understanding.
"""

import jax, jax.numpy as jnp
import numpy as np

TOP_K = 8


def setup_inputs(seed: int = 0) -> dict:
    key = jax.random.key(seed)
    k1, k2, k3 = jax.random.split(key, 3)
    vis_emb = jax.random.normal(k1, (32, 576, 1024), dtype=jnp.float32)
    query_emb = jax.random.normal(k2, (4, 1024), dtype=jnp.float32)
    # gate: nn.Linear(hidden_size + query_size, num_experts, bias=False) -> W [64, 2048]
    W = jax.random.normal(k3, (64, 2048), dtype=jnp.float32) * (1.0 / np.sqrt(2048.0))
    return {"vis_emb": vis_emb, "query_emb": query_emb, "W": W}


def reference(vis_emb, query_emb, W):
    B = query_emb.shape[0]
    total = vis_emb.shape[0]
    repeat = total // B
    num_tokens = vis_emb.shape[1]
    # query_emb.unsqueeze(1).repeat_interleave(repeat, dim=0).expand(-1, num_tokens, -1)
    q = jnp.repeat(query_emb[:, None, :], repeat, axis=0)  # [total, 1, query_size]
    q = jnp.broadcast_to(q, (total, num_tokens, q.shape[-1]))
    gate_input = jnp.concatenate([vis_emb, q], axis=-1)  # [total, num_tokens, hidden+query]
    gate_logits = jnp.einsum('bnd,ed->bne', gate_input, W)  # [total, num_tokens, num_experts]
    gate_scores = jax.nn.softmax(gate_logits, axis=-1)
    topk_scores, topk_idx = jax.lax.top_k(gate_scores, TOP_K)
    return (topk_scores, topk_idx, gate_scores, gate_logits)

if __name__ == "__main__":
    import jax
    _d = setup_inputs()
    print(jax.jit(kernel)(*tuple(_d.values())))

</pallas_src>

<mosaic_0001>
#map = affine_map<(d0, d1) -> (0, 0, 0, 0)>
module attributes {stable_mosaic.version = 14 : i64} {
  func.func @_router_sc_body(%arg0: i32, %arg1: i32, %arg2: memref<32x1x64x576xf32, #tpu.memory_space<hbm>>, %arg3: memref<32x1x8x576xf32, #tpu.memory_space<hbm>>, %arg4: memref<32x1x8x576xi32, #tpu.memory_space<hbm>>, %arg5: memref<64x576xf32, #tpu.memory_space<vmem>>, %arg6: memref<8x576xf32, #tpu.memory_space<vmem>>, %arg7: memref<8x576xi32, #tpu.memory_space<vmem>>) attributes {dimension_semantics = [#tpu.dimension_semantics<core_parallel>, #tpu.dimension_semantics<subcore_parallel>], iteration_bounds = array<i64: 2, 16>, scalar_prefetch = 0 : i64, scratch_operands = 3 : i64, tpu.core_type = #tpu.core_type<sc_vector_subcore>, window_params = [{transform_indices = #map}, {transform_indices = #map}, {transform_indices = #map}]} {
    %mul3A = arith.constant 2 : i32
    %mul3A_0 = arith.muli %arg1, %mul3A : i32
    %add3A = arith.addi %mul3A_0, %arg0 : i32
    %jit3A = arith.constant 1 : i32
    %div3A = arith.divsi %add3A, %jit3A : i32
    %sign3A = arith.constant 0 : i32
    %sign3A_1 = arith.cmpi sgt, %add3A, %sign3A : i32
    %sign3A_2 = arith.extui %sign3A_1 : i1 to i32
    %sign3A_3 = arith.constant 0 : i32
    %sign3A_4 = arith.cmpi slt, %add3A, %sign3A_3 : i32
    %sign3A_5 = arith.extui %sign3A_4 : i1 to i32
    %sign3A_6 = arith.subi %sign3A_2, %sign3A_5 : i32
    %sign3A_7 = arith.constant 0 : i32
    %sign3A_8 = arith.cmpi sgt, %jit3A, %sign3A_7 : i32
    %sign3A_9 = arith.extui %sign3A_8 : i1 to i32
    %sign3A_10 = arith.constant 0 : i32
    %sign3A_11 = arith.cmpi slt, %jit3A, %sign3A_10 : i32
    %sign3A_12 = arith.extui %sign3A_11 : i1 to i32
    %sign3A_13 = arith.subi %sign3A_9, %sign3A_12 : i32
    %ne3A = arith.cmpi ne, %sign3A_6, %sign3A_13 : i32
    %rem3A = arith.remsi %add3A, %jit3A : i32
    %ne3A_14 = arith.constant 0 : i32
    %ne3A_15 = arith.cmpi ne, %rem3A, %ne3A_14 : i32
    %and3A = arith.andi %ne3A, %ne3A_15 : i1
    %sub3A = arith.constant 1 : i32
    %sub3A_16 = arith.subi %div3A, %sub3A : i32
    %select_n3A = arith.select %and3A, %sub3A_16, %div3A : i32
    %jit3A_17 = arith.constant 1 : i32
    %eq3A = arith.constant 0 : i32
    %eq3A_18 = arith.cmpi eq, %jit3A_17, %eq3A : i32
    %jit3A_19 = arith.constant 1 : i32
    %select_n3A_20 = arith.select %eq3A_18, %jit3A_19, %jit3A_17 : i32
    %rem3A_21 = arith.remsi %add3A, %select_n3A_20 : i32
    %ne3A_22 = arith.constant 0 : i32
    %ne3A_23 = arith.cmpi ne, %rem3A_21, %ne3A_22 : i32
    %lt3A = arith.constant 0 : i32
    %lt3A_24 = arith.cmpi slt, %rem3A_21, %lt3A : i32
    %lt3A_25 = arith.constant 0 : i32
    %lt3A_26 = arith.cmpi slt, %select_n3A_20, %lt3A_25 : i32
    %ne3A_27 = arith.xori %lt3A_24, %lt3A_26 : i1
    %and3A_28 = arith.andi %ne3A_27, %ne3A_23 : i1
    %add3A_29 = arith.addi %rem3A_21, %select_n3A_20 : i32
    %select_n3A_30 = arith.select %and3A_28, %add3A_29, %rem3A_21 : i32
    "tpu.region"() ({
      %run_scoped3A = tpu.sem_alloc : memref<!tpu.dma_semaphore, #tpu.memory_space<semaphore_mem>>
      %dma_start3A = arith.constant 0 : i32
      %dma_start3A_36 = arith.constant 0 : i32
      %dma_start3A_37 = tpu.memref_slice %arg2[%select_n3A, %select_n3A_30, %dma_start3A, %dma_start3A_36] : memref<32x1x64x576xf32, #tpu.memory_space<hbm>> -> memref<1x1x64x576xf32, #tpu.memory_space<hbm>>
      %dma_start3A_38 = tpu.memref_squeeze %dma_start3A_37 : memref<1x1x64x576xf32, #tpu.memory_space<hbm>> -> memref<64x576xf32, #tpu.memory_space<hbm>>
      %dma_start3A_39 = arith.constant 0 : i32
      %dma_start3A_40 = arith.constant 0 : i32
      %dma_start3A_41 = tpu.memref_slice %arg2[%select_n3A, %select_n3A_30, %dma_start3A_39, %dma_start3A_40] : memref<32x1x64x576xf32, #tpu.memory_space<hbm>> -> memref<1x1x64x576xf32, #tpu.memory_space<hbm>>
      %dma_start3A_42 = tpu.memref_squeeze %dma_start3A_41 : memref<1x1x64x576xf32, #tpu.memory_space<hbm>> -> memref<64x576xf32, #tpu.memory_space<hbm>>
      tpu.enqueue_dma source(%dma_start3A_42 : memref<64x576xf32, #tpu.memory_space<hbm>>) target(%arg5 : memref<64x576xf32, #tpu.memory_space<vmem>>) target_semaphore(%run_scoped3A : memref<!tpu.dma_semaphore, #tpu.memory_space<semaphore_mem>>)
      %dma_wait3A = arith.constant 0 : i32
      %dma_wait3A_43 = arith.constant 0 : i32
      %dma_wait3A_44 = tpu.memref_slice %arg2[%select_n3A, %select_n3A_30, %dma_wait3A, %dma_wait3A_43] : memref<32x1x64x576xf32, #tpu.memory_space<hbm>> -> memref<1x1x64x576xf32, #tpu.memory_space<hbm>>
      %dma_wait3A_45 = tpu.memref_squeeze %dma_wait3A_44 : memref<1x1x64x576xf32, #tpu.memory_space<hbm>> -> memref<64x576xf32, #tpu.memory_space<hbm>>
      %dma_wait3A_46 = arith.constant 0 : i32
      %dma_wait3A_47 = arith.constant 0 : i32
      %dma_wait3A_48 = tpu.memref_slice %arg2[%select_n3A, %select_n3A_30, %dma_wait3A_46, %dma_wait3A_47] : memref<32x1x64x576xf32, #tpu.memory_space<hbm>> -> memref<1x1x64x576xf32, #tpu.memory_space<hbm>>
      %dma_wait3A_49 = tpu.memref_squeeze %dma_wait3A_48 : memref<1x1x64x576xf32, #tpu.memory_space<hbm>> -> memref<64x576xf32, #tpu.memory_space<hbm>>
      tpu.wait_dma2 semaphore(%run_scoped3A : memref<!tpu.dma_semaphore, #tpu.memory_space<semaphore_mem>>) src(%dma_wait3A_49 : memref<64x576xf32, #tpu.memory_space<hbm>>) dst(%arg5 : memref<64x576xf32, #tpu.memory_space<vmem>>)
      tpu.yield
    }) : () -> ()
    %scan3A = arith.constant 0 : i32
    %scan3A_31 = arith.constant 0 : i32
    %scan3A_32 = arith.constant 36 : i32
    %scan3A_33 = arith.addi %scan3A_31, %scan3A_32 : i32
    %scan3A_34 = arith.constant 1 : i32
    scf.for %scan3A_36 = %scan3A_31 to %scan3A_33 step %scan3A_34  : i32 {
      %mul3A_37 = arith.constant 16 : i32
      %mul3A_38 = arith.muli %scan3A_36, %mul3A_37 : i32
      %broadcast_in_dim3A = arith.constant 0 : i32
      %broadcast_in_dim3A_39 = vector.broadcast %broadcast_in_dim3A : i32 to vector<16xi32>
      %broadcast_in_dim3A_40 = arith.constant 0 : i32
      %broadcast_in_dim3A_41 = vector.broadcast %broadcast_in_dim3A_40 : i32 to vector<16xi32>
      %broadcast_in_dim3A_42 = arith.constant 0 : i32
      %broadcast_in_dim3A_43 = vector.broadcast %broadcast_in_dim3A_42 : i32 to vector<16xi32>
      %broadcast_in_dim3A_44 = arith.constant 0 : i32
      %broadcast_in_dim3A_45 = vector.broadcast %broadcast_in_dim3A_44 : i32 to vector<16xi32>
      %broadcast_in_dim3A_46 = arith.constant 0 : i32
      %broadcast_in_dim3A_47 = vector.broadcast %broadcast_in_dim3A_46 : i32 to vector<16xi32>
      %broadcast_in_dim3A_48 = arith.constant 0 : i32
      %broadcast_in_dim3A_49 = vector.broadcast %broadcast_in_dim3A_48 : i32 to vector<16xi32>
      %broadcast_in_dim3A_50 = arith.constant 0 : i32
      %broadcast_in_dim3A_51 = vector.broadcast %broadcast_in_dim3A_50 : i32 to vector<16xi32>
      %broadcast_in_dim3A_52 = arith.constant 0 : i32
      %broadcast_in_dim3A_53 = vector.broadcast %broadcast_in_dim3A_52 : i32 to vector<16xi32>
      %get3A = arith.constant 0 : i32
      %get3A_54 = arith.index_cast %get3A : i32 to index
      %get3A_55 = arith.index_cast %mul3A_38 : i32 to index
      %get3A_56 = tpu.vector_load %arg5[%get3A_54, %get3A_55] {strides = array<i32>} : memref<64x576xf32, #tpu.memory_space<vmem>>, vector<16xf32>,
      %bitcast3A = vector.bitcast %get3A_56 : vector<16xf32> to vector<16xi32>
      %and3A_57 = arith.constant -64 : i32
      %and3A_58 = vector.broadcast %and3A_57 : i32 to vector<16xi32>
      %and3A_59 = arith.andi %bitcast3A, %and3A_58 : vector<16xi32>
      %or3A = arith.constant 63 : i32
      %or3A_60 = vector.broadcast %or3A : i32 to vector<16xi32>
      %or3A_61 = arith.ori %and3A_59, %or3A_60 : vector<16xi32>
      %max3A = arith.maxsi %broadcast_in_dim3A_39, %or3A_61 : vector<16xi32>
      %min3A = arith.minsi %broadcast_in_dim3A_39, %or3A_61 : vector<16xi32>
      %max3A_62 = arith.maxsi %broadcast_in_dim3A_41, %min3A : vector<16xi32>
      %min3A_63 = arith.minsi %broadcast_in_dim3A_41, %min3A : vector<16xi32>
      %max3A_64 = arith.maxsi %broadcast_in_dim3A_43, %min3A_63 : vector<16xi32>
      %min3A_65 = arith.minsi %broadcast_in_dim3A_43, %min3A_63 : vector<16xi32>
      %max3A_66 = arith.maxsi %broadcast_in_dim3A_45, %min3A_65 : vector<16xi32>
      %min3A_67 = arith.minsi %broadcast_in_dim3A_45, %min3A_65 : vector<16xi32>
      %max3A_68 = arith.maxsi %broadcast_in_dim3A_47, %min3A_67 : vector<16xi32>
      %min3A_69 = arith.minsi %broadcast_in_dim3A_47, %min3A_67 : vector<16xi32>
      %max3A_70 = arith.maxsi %broadcast_in_dim3A_49, %min3A_69 : vector<16xi32>
      %min3A_71 = arith.minsi %broadcast_in_dim3A_49, %min3A_69 : vector<16xi32>
      %max3A_72 = arith.maxsi %broadcast_in_dim3A_51, %min3A_71 : vector<16xi32>
      %min3A_73 = arith.minsi %broadcast_in_dim3A_51, %min3A_71 : vector<16xi32>
      %max3A_74 = arith.maxsi %broadcast_in_dim3A_53, %min3A_73 : vector<16xi32>
      %min3A_75 = arith.minsi %broadcast_in_dim3A_53, %min3A_73 : vector<16xi32>
      %get3A_76 = arith.constant 1 : i32
      %get3A_77 = arith.index_cast %get3A_76 : i32 to index
      %get3A_78 = arith.index_cast %mul3A_38 : i32 to index
      %get3A_79 = tpu.vector_load %arg5[%get3A_77, %get3A_78] {strides = array<i32>} : memref<64x576xf32, #tpu.memory_space<vmem>>, vector<16xf32>,
      %bitcast3A_80 = vector.bitcast %get3A_79 : vector<16xf32> to vector<16xi32>
      %and3A_81 = arith.constant -64 : i32
      %and3A_82 = vector.broadcast %and3A_81 : i32 to vector<16xi32>
      %and3A_83 = arith.andi %bitcast3A_80, %and3A_82 : vector<16xi32>
      %or3A_84 = arith.constant 62 : i32
      %or3A_85 = vector.broadcast %or3A_84 : i32 to vector<16xi32>
      %or3A_86 = arith.ori %and3A_83, %or3A_85 : vector<16xi32>
      %max3A_87 = arith.maxsi %max3A, %or3A_86 : vector<16xi32>
      %min3A_88 = arith.minsi %max3A, %or3A_86 : vector<16xi32>
      %max3A_89 = arith.maxsi %max3A_62, %min3A_88 : vector<16xi32>
      %min3A_90 = arith.minsi %max3A_62, %min3A_88 : vector<16xi32>
      %max3A_91 = arith.maxsi %max3A_64, %min3A_90 : vector<16xi32>
      %min3A_92 = arith.minsi %max3A_64, %min3A_90 : vector<16xi32>
      %max3A_93 = arith.maxsi %max3A_66, %min3A_92 : vector<16xi32>
      %min3A_94 = arith.minsi %max3A_66, %min3A_92 : vector<16xi32>
      %max3A_95 = arith.maxsi %max3A_68, %min3A_94 : vector<16xi32>
      %min3A_96 = arith.minsi %max3A_68, %min3A_94 : vector<16xi32>
      %max3A_97 = arith.maxsi %max3A_70, %min3A_96 : vector<16xi32>
      %min3A_98 = arith.minsi %max3A_70, %min3A_96 : vector<16xi32>
      %max3A_99 = arith.maxsi %max3A_72, %min3A_98 : vector<16xi32>
      %min3A_100 = arith.minsi %max3A_72, %min3A_98 : vector<16xi32>
      %max3A_101 = arith.maxsi %max3A_74, %min3A_100 : vector<16xi32>
      %min3A_102 = arith.minsi %max3A_74, %min3A_100 : vector<16xi32>
      %get3A_103 = arith.constant 2 : i32
      %get3A_104 = arith.index_cast %get3A_103 : i32 to index
      %get3A_105 = arith.index_cast %mul3A_38 : i32 to index
      %get3A_106 = tpu.vector_load %arg5[%get3A_104, %get3A_105] {strides = array<i32>} : memref<64x576xf32, #tpu.memory_space<vmem>>, vector<16xf32>,
      %bitcast3A_107 = vector.bitcast %get3A_106 : vector<16xf32> to vector<16xi32>
      %and3A_108 = arith.constant -64 : i32
      %and3A_109 = vector.broadcast %and3A_108 : i32 to vector<16xi32>
      %and3A_110 = arith.andi %bitcast3A_107, %and3A_109 : vector<16xi32>
      %or3A_111 = arith.constant 61 : i32
      %or3A_112 = vector.broadcast %or3A_111 : i32 to vector<16xi32>
      %or3A_113 = arith.ori %and3A_110, %or3A_112 : vector<16xi32>
      %max3A_114 = arith.maxsi %max3A_87, %or3A_113 : vector<16xi32>
      %min3A_115 = arith.minsi %max3A_87, %or3A_113 : vector<16xi32>
      %max3A_116 = arith.maxsi %max3A_89, %min3A_115 : vector<16xi32>
      %min3A_117 = arith.minsi %max3A_89, %min3A_115 : vector<16xi32>
      %max3A_118 = arith.maxsi %max3A_91, %min3A_117 : vector<16xi32>
      %min3A_119 = arith.minsi %max3A_91, %min3A_117 : vector<16xi32>
      %max3A_120 = arith.maxsi %max3A_93, %min3A_119 : vector<16xi32>
      %min3A_121 = arith.minsi %max3A_93, %min3A_119 : vector<16xi32>
      %max3A_122 = arith.maxsi %max3A_95, %min3A_121 : vector<16xi32>
      %min3A_123 = arith.minsi %max3A_95, %min3A_121 : vector<16xi32>
      %max3A_124 = arith.maxsi %max3A_97, %min3A_123 : vector<16xi32>
      %min3A_125 = arith.minsi %max3A_97, %min3A_123 : vector<16xi32>
      %max3A_126 = arith.maxsi %max3A_99, %min3A_125 : vector<16xi32>
      %min3A_127 = arith.minsi %max3A_99, %min3A_125 : vector<16xi32>
      %max3A_128 = arith.maxsi %max3A_101, %min3A_127 : vector<16xi32>
      %min3A_129 = arith.minsi %max3A_101, %min3A_127 : vector<16xi32>
      %get3A_130 = arith.constant 3 : i32
      %get3A_131 = arith.index_cast %get3A_130 : i32 to index
      %get3A_132 = arith.index_cast %mul3A_38 : i32 to index
      %get3A_133 = tpu.vector_load %arg5[%get3A_131, %get3A_132] {strides = array<i32>} : memref<64x576xf32, #tpu.memory_space<vmem>>, vector<16xf32>,
      %bitcast3A_134 = vector.bitcast %get3A_133 : vector<16xf32> to vector<16xi32>
      %and3A_135 = arith.constant -64 : i32
      %and3A_136 = vector.broadcast %and3A_135 : i32 to vector<16xi32>
      %and3A_137 = arith.andi %bitcast3A_134, %and3A_136 : vector<16xi32>
      %or3A_138 = arith.constant 60 : i32
      %or3A_139 = vector.broadcast %or3A_138 : i32 to vector<16xi32>
      %or3A_140 = arith.ori %and3A_137, %or3A_139 : vector<16xi32>
      %max3A_141 = arith.maxsi %max3A_114, %or3A_140 : vector<16xi32>
      %min3A_142 = arith.minsi %max3A_114, %or3A_140 : vector<16xi32>
      %max3A_143 = arith.maxsi %max3A_116, %min3A_142 : vector<16xi32>
      %min3A_144 = arith.minsi %max3A_116, %min3A_142 : vector<16xi32>
      %max3A_145 = arith.maxsi %max3A_118, %min3A_144 : vector<16xi32>
      %min3A_146 = arith.minsi %max3A_118, %min3A_144 : vector<16xi32>
      %max3A_147 = arith.maxsi %max3A_120, %min3A_146 : vector<16xi32>
      %min3A_148 = arith.minsi %max3A_120, %min3A_146 : vector<16xi32>
      %max3A_149 = arith.maxsi %max3A_122, %min3A_148 : vector<16xi32>
      %min3A_150 = arith.minsi %max3A_122, %min3A_148 : vector<16xi32>
      %max3A_151 = arith.maxsi %max3A_124, %min3A_150 : vector<16xi32>
      %min3A_152 = arith.minsi %max3A_124, %min3A_150 : vector<16xi32>
      %max3A_153 = arith.maxsi %max3A_126, %min3A_152 : vector<16xi32>
      %min3A_154 = arith.minsi %max3A_126, %min3A_152 : vector<16xi32>
      %max3A_155 = arith.maxsi %max3A_128, %min3A_154 : vector<16xi32>
      %min3A_156 = arith.minsi %max3A_128, %min3A_154 : vector<16xi32>
      %get3A_157 = arith.constant 4 : i32
      %get3A_158 = arith.index_cast %get3A_157 : i32 to index
      %get3A_159 = arith.index_cast %mul3A_38 : i32 to index
      %get3A_160 = tpu.vector_load %arg5[%get3A_158, %get3A_159] {strides = array<i32>} : memref<64x576xf32, #tpu.memory_space<vmem>>, vector<16xf32>,
      %bitcast3A_161 = vector.bitcast %get3A_160 : vector<16xf32> to vector<16xi32>
      %and3A_162 = arith.constant -64 : i32
      %and3A_163 = vector.broadcast %and3A_162 : i32 to vector<16xi32>
      %and3A_164 = arith.andi %bitcast3A_161, %and3A_163 : vector<16xi32>
      %or3A_165 = arith.constant 59 : i32
      %or3A_166 = vector.broadcast %or3A_165 : i32 to vector<16xi32>
      %or3A_167 = arith.ori %and3A_164, %or3A_166 : vector<16xi32>
      %max3A_168 = arith.maxsi %max3A_141, %or3A_167 : vector<16xi32>
      %min3A_169 = arith.minsi %max3A_141, %or3A_167 : vector<16xi32>
      %max3A_170 = arith.maxsi %max3A_143, %min3A_169 : vector<16xi32>
      %min3A_171 = arith.minsi %max3A_143, %min3A_169 : vector<16xi32>
      %max3A_172 = arith.maxsi %max3A_145, %min3A_171 : vector<16xi32>
      %min3A_173 = arith.minsi %max3A_145, %min3A_171 : vector<16xi32>
      %max3A_174 = arith.maxsi %max3A_147, %min3A_173 : vector<16xi32>
      %min3A_175 = arith.minsi %max3A_147, %min3A_173 : vector<16xi32>
      %max3A_176 = arith.maxsi %max3A_149, %min3A_175 : vector<16xi32>
      %min3A_177 = arith.minsi %max3A_149, %min3A_175 : vector<16xi32>
      %max3A_178 = arith.maxsi %max3A_151, %min3A_177 : vector<16xi32>
      %min3A_179 = arith.minsi %max3A_151, %min3A_177 : vector<16xi32>
      %max3A_180 = arith.maxsi %max3A_153, %min3A_179 : vector<16xi32>
      %min3A_181 = arith.minsi %max3A_153, %min3A_179 : vector<16xi32>
      %max3A_182 = arith.maxsi %max3A_155, %min3A_181 : vector<16xi32>
      %min3A_183 = arith.minsi %max3A_155, %min3A_181 : vector<16xi32>
      %get3A_184 = arith.constant 5 : i32
      %get3A_185 = arith.index_cast %get3A_184 : i32 to index
      %get3A_186 = arith.index_cast %mul3A_38 : i32 to index
      %get3A_187 = tpu.vector_load %arg5[%get3A_185, %get3A_186] {strides = array<i32>} : memref<64x576xf32, #tpu.memory_space<vmem>>, vector<16xf32>,
      %bitcast3A_188 = vector.bitcast %get3A_187 : vector<16xf32> to vector<16xi32>
      %and3A_189 = arith.constant -64 : i32
      %and3A_190 = vector.broadcast %and3A_189 : i32 to vector<16xi32>
      %and3A_191 = arith.andi %bitcast3A_188, %and3A_190 : vector<16xi32>
      %or3A_192 = arith.constant 58 : i32
      %or3A_193 = vector.broadcast %or3A_192 : i32 to vector<16xi32>
      %or3A_194 = arith.ori %and3A_191, %or3A_193 : vector<16xi32>
      %max3A_195 = arith.maxsi %max3A_168, %or3A_194 : vector<16xi32>
      %min3A_196 = arith.minsi %max3A_168, %or3A_194 : vector<16xi32>
      %max3A_197 = arith.maxsi %max3A_170, %min3A_196 : vector<16xi32>
      %min3A_198 = arith.minsi %max3A_170, %min3A_196 : vector<16xi32>
      %max3A_199 = arith.maxsi %max3A_172, %min3A_198 : vector<16xi32>
      %min3A_200 = arith.minsi %max3A_172, %min3A_198 : vector<16xi32>
      %max3A_201 = arith.maxsi %max3A_174, %min3A_200 : vector<16xi32>
      %min3A_202 = arith.minsi %max3A_174, %min3A_200 : vector<16xi32>
      %max3A_203 = arith.maxsi %max3A_176, %min3A_202 : vector<16xi32>
      %min3A_204 = arith.minsi %max3A_176, %min3A_202 : vector<16xi32>
      %max3A_205 = arith.maxsi %max3A_178, %min3A_204 : vector<16xi32>
      %min3A_206 = arith.minsi %max3A_178, %min3A_204 : vector<16xi32>
      %max3A_207 = arith.maxsi %max3A_180, %min3A_206 : vector<16xi32>
      %min3A_208 = arith.minsi %max3A_180, %min3A_206 : vector<16xi32>
      %max3A_209 = arith.maxsi %max3A_182, %min3A_208 : vector<16xi32>
      %min3A_210 = arith.minsi %max3A_182, %min3A_208 : vector<16xi32>
      %get3A_211 = arith.constant 6 : i32
      %get3A_212 = arith.index_cast %get3A_211 : i32 to index
      %get3A_213 = arith.index_cast %mul3A_38 : i32 to index
      %get3A_214 = tpu.vector_load %arg5[%get3A_212, %get3A_213] {strides = array<i32>} : memref<64x576xf32, #tpu.memory_space<vmem>>, vector<16xf32>,
      %bitcast3A_215 = vector.bitcast %get3A_214 : vector<16xf32> to vector<16xi32>
      %and3A_216 = arith.constant -64 : i32
      %and3A_217 = vector.broadcast %and3A_216 : i32 to vector<16xi32>
      %and3A_218 = arith.andi %bitcast3A_215, %and3A_217 : vector<16xi32>
      %or3A_219 = arith.constant 57 : i32
      %or3A_220 = vector.broadcast %or3A_219 : i32 to vector<16xi32>
      %or3A_221 = arith.ori %and3A_218, %or3A_220 : vector<16xi32>
      %max3A_222 = arith.maxsi %max3A_195, %or3A_221 : vector<16xi32>
      %min3A_223 = arith.minsi %max3A_195, %or3A_221 : vector<16xi32>
      %max3A_224 = arith.maxsi %max3A_197, %min3A_223 : vector<16xi32>
      %min3A_225 = arith.minsi %max3A_197, %min3A_223 : vector<16xi32>
      %max3A_226 = arith.maxsi %max3A_199, %min3A_225 : vector<16xi32>
      %min3A_227 = arith.minsi %max3A_199, %min3A_225 : vector<16xi32>
      %max3A_228 = arith.maxsi %max3A_201, %min3A_227 : vector<16xi32>
      %min3A_229 = arith.minsi %max3A_201, %min3A_227 : vector<16xi32>
      %max3A_230 = arith.maxsi %max3A_203, %min3A_229 : vector<16xi32>
      %min3A_231 = arith.minsi %max3A_203, %min3A_229 : vector<16xi32>
      %max3A_232 = arith.maxsi %max3A_205, %min3A_231 : vector<16xi32>
      %min3A_233 = arith.minsi %max3A_205, %min3A_231 : vector<16xi32>
      %max3A_234 = arith.maxsi %max3A_207, %min3A_233 : vector<16xi32>
      %min3A_235 = arith.minsi %max3A_207, %min3A_233 : vector<16xi32>
      %max3A_236 = arith.maxsi %max3A_209, %min3A_235 : vector<16xi32>
      %min3A_237 = arith.minsi %max3A_209, %min3A_235 : vector<16xi32>
      %get3A_238 = arith.constant 7 : i32
      %get3A_239 = arith.index_cast %get3A_238 : i32 to index
      %get3A_240 = arith.index_cast %mul3A_38 : i32 to index
      %get3A_241 = tpu.vector_load %arg5[%get3A_239, %get3A_240] {strides = array<i32>} : memref<64x576xf32, #tpu.memory_space<vmem>>, vector<16xf32>,
      %bitcast3A_242 = vector.bitcast %get3A_241 : vector<16xf32> to vector<16xi32>
      %and3A_243 = arith.constant -64 : i32
      %and3A_244 = vector.broadcast %and3A_243 : i32 to vector<16xi32>
      %and3A_245 = arith.andi %bitcast3A_242, %and3A_244 : vector<16xi32>
      %or3A_246 = arith.constant 56 : i32
      %or3A_247 = vector.broadcast %or3A_246 : i32 to vector<16xi32>
      %or3A_248 = arith.ori %and3A_245, %or3A_247 : vector<16xi32>
      %max3A_249 = arith.maxsi %max3A_222, %or3A_248 : vector<16xi32>
      %min3A_250 = arith.minsi %max3A_222, %or3A_248 : vector<16xi32>
      %max3A_251 = arith.maxsi %max3A_224, %min3A_250 : vector<16xi32>
      %min3A_252 = arith.minsi %max3A_224, %min3A_250 : vector<16xi32>
      %max3A_253 = arith.maxsi %max3A_226, %min3A_252 : vector<16xi32>
      %min3A_254 = arith.minsi %max3A_226, %min3A_252 : vector<16xi32>
      %max3A_255 = arith.maxsi %max3A_228, %min3A_254 : vector<16xi32>
      %min3A_256 = arith.minsi %max3A_228, %min3A_254 : vector<16xi32>
      %max3A_257 = arith.maxsi %max3A_230, %min3A_256 : vector<16xi32>
      %min3A_258 = arith.minsi %max3A_230, %min3A_256 : vector<16xi32>
      %max3A_259 = arith.maxsi %max3A_232, %min3A_258 : vector<16xi32>
      %min3A_260 = arith.minsi %max3A_232, %min3A_258 : vector<16xi32>
      %max3A_261 = arith.maxsi %max3A_234, %min3A_260 : vector<16xi32>
      %min3A_262 = arith.minsi %max3A_234, %min3A_260 : vector<16xi32>
      %max3A_263 = arith.maxsi %max3A_236, %min3A_262 : vector<16xi32>
      %min3A_264 = arith.minsi %max3A_236, %min3A_262 : vector<16xi32>
      %get3A_265 = arith.constant 8 : i32
      %get3A_266 = arith.index_cast %get3A_265 : i32 to index
      %get3A_267 = arith.index_cast %mul3A_38 : i32 to index
      %get3A_268 = tpu.vector_load %arg5[%get3A_266, %get3A_267] {strides = array<i32>} : memref<64x576xf32, #tpu.memory_space<vmem>>, vector<16xf32>,
      %bitcast3A_269 = vector.bitcast %get3A_268 : vector<16xf32> to vector<16xi32>
      %and3A_270 = arith.constant -64 : i32
      %and3A_271 = vector.broadcast %and3A_270 : i32 to vector<16xi32>
      %and3A_272 = arith.andi %bitcast3A_269, %and3A_271 : vector<16xi32>
      %or3A_273 = arith.constant 55 : i32
      %or3A_274 = vector.broadcast %or3A_273 : i32 to vector<16xi32>
      %or3A_275 = arith.ori %and3A_272, %or3A_274 : vector<16xi32>
      %max3A_276 = arith.maxsi %max3A_249, %or3A_275 : vector<16xi32>
      %min3A_277 = arith.minsi %max3A_249, %or3A_275 : vector<16xi32>
      %max3A_278 = arith.maxsi %max3A_251, %min3A_277 : vector<16xi32>
      %min3A_279 = arith.minsi %max3A_251, %min3A_277 : vector<16xi32>
      %max3A_280 = arith.maxsi %max3A_253, %min3A_279 : vector<16xi32>
      %min3A_281 = arith.minsi %max3A_253, %min3A_279 : vector<16xi32>
      %max3A_282 = arith.maxsi %max3A_255, %min3A_281 : vector<16xi32>
      %min3A_283 = arith.minsi %max3A_255, %min3A_281 : vector<16xi32>
      %max3A_284 = arith.maxsi %max3A_257, %min3A_283 : vector<16xi32>
      %min3A_285 = arith.minsi %max3A_257, %min3A_283 : vector<16xi32>
      %max3A_286 = arith.maxsi %max3A_259, %min3A_285 : vector<16xi32>
      %min3A_287 = arith.minsi %max3A_259, %min3A_285 : vector<16xi32>
      %max3A_288 = arith.maxsi %max3A_261, %min3A_287 : vector<16xi32>
      %min3A_289 = arith.minsi %max3A_261, %min3A_287 : vector<16xi32>
      %max3A_290 = arith.maxsi %max3A_263, %min3A_289 : vector<16xi32>
      %min3A_291 = arith.minsi %max3A_263, %min3A_289 : vector<16xi32>
      %get3A_292 = arith.constant 9 : i32
      %get3A_293 = arith.index_cast %get3A_292 : i32 to index
      %get3A_294 = arith.index_cast %mul3A_38 : i32 to index
      %get3A_295 = tpu.vector_load %arg5[%get3A_293, %get3A_294] {strides = array<i32>} : memref<64x576xf32, #tpu.memory_space<vmem>>, vector<16xf32>,
      %bitcast3A_296 = vector.bitcast %get3A_295 : vector<16xf32> to vector<16xi32>
      %and3A_297 = arith.constant -64 : i32
      %and3A_298 = vector.broadcast %and3A_297 : i32 to vector<16xi32>
      %and3A_299 = arith.andi %bitcast3A_296, %and3A_298 : vector<16xi32>
      %or3A_300 = arith.constant 54 : i32
      %or3A_301 = vector.broadcast %or3A_300 : i32 to vector<16xi32>
      %or3A_302 = arith.ori %and3A_299, %or3A_301 : vector<16xi32>
      %max3A_303 = arith.maxsi %max3A_276, %or3A_302 : vector<16xi32>
      %min3A_304 = arith.minsi %max3A_276, %or3A_302 : vector<16xi32>
      %max3A_305 = arith.maxsi %max3A_278, %min3A_304 : vector<16xi32>
      %min3A_306 = arith.minsi %max3A_278, %min3A_304 : vector<16xi32>
      %max3A_307 = arith.maxsi %max3A_280, %min3A_306 : vector<16xi32>
      %min3A_308 = arith.minsi %max3A_280, %min3A_306 : vector<16xi32>
      %max3A_309 = arith.maxsi %max3A_282, %min3A_308 : vector<16xi32>
      %min3A_310 = arith.minsi %max3A_282, %min3A_308 : vector<16xi32>
      %max3A_311 = arith.maxsi %max3A_284, %min3A_310 : vector<16xi32>
      %min3A_312 = arith.minsi %max3A_284, %min3A_310 : vector<16xi32>
      %max3A_313 = arith.maxsi %max3A_286, %min3A_312 : vector<16xi32>
      %min3A_314 = arith.minsi %max3A_286, %min3A_312 : vector<16xi32>
      %max3A_315 = arith.maxsi %max3A_288, %min3A_314 : vector<16xi32>
      %min3A_316 = arith.minsi %max3A_288, %min3A_314 : vector<16xi32>
      %max3A_317 = arith.maxsi %max3A_290, %min3A_316 : vector<16xi32>
      %min3A_318 = arith.minsi %max3A_290, %min3A_316 : vector<16xi32>
      %get3A_319 = arith.constant 10 : i32
      %get3A_320 = arith.index_cast %get3A_319 : i32 to index
      %get3A_321 = arith.index_cast %mul3A_38 : i32 to index
      %get3A_322 = tpu.vector_load %arg5[%get3A_320, %get3A_321] {strides = array<i32>} : memref<64x576xf32, #tpu.memory_space<vmem>>, vector<16xf32>,
      %bitcast3A_323 = vector.bitcast %get3A_322 : vector<16xf32> to vector<16xi32>
      %and3A_324 = arith.constant -64 : i32
      %and3A_325 = vector.broadcast %and3A_324 : i32 to vector<16xi32>
      %and3A_326 = arith.andi %bitcast3A_323, %and3A_325 : vector<16xi32>
      %or3A_327 = arith.constant 53 : i32
      %or3A_328 = vector.broadcast %or3A_327 : i32 to vector<16xi32>
      %or3A_329 = arith.ori %and3A_326, %or3A_328 : vector<16xi32>
      %max3A_330 = arith.maxsi %max3A_303, %or3A_329 : vector<16xi32>
      %min3A_331 = arith.minsi %max3A_303, %or3A_329 : vector<16xi32>
      %max3A_332 = arith.maxsi %max3A_305, %min3A_331 : vector<16xi32>
      %min3A_333 = arith.minsi %max3A_305, %min3A_331 : vector<16xi32>
      %max3A_334 = arith.maxsi %max3A_307, %min3A_333 : vector<16xi32>
      %min3A_335 = arith.minsi %max3A_307, %min3A_333 : vector<16xi32>
      %max3A_336 = arith.maxsi %max3A_309, %min3A_335 : vector<16xi32>
      %min3A_337 = arith.minsi %max3A_309, %min3A_335 : vector<16xi32>
      %max3A_338 = arith.maxsi %max3A_311, %min3A_337 : vector<16xi32>
      %min3A_339 = arith.minsi %max3A_311, %min3A_337 : vector<16xi32>
      %max3A_340 = arith.maxsi %max3A_313, %min3A_339 : vector<16xi32>
      %min3A_341 = arith.minsi %max3A_313, %min3A_339 : vector<16xi32>
      %max3A_342 = arith.maxsi %max3A_315, %min3A_341 : vector<16xi32>
      %min3A_343 = arith.minsi %max3A_315, %min3A_341 : vector<16xi32>
      %max3A_344 = arith.maxsi %max3A_317, %min3A_343 : vector<16xi32>
      %min3A_345 = arith.minsi %max3A_317, %min3A_343 : vector<16xi32>
      %get3A_346 = arith.constant 11 : i32
      %get3A_347 = arith.index_cast %get3A_346 : i32 to index
      %get3A_348 = arith.index_cast %mul3A_38 : i32 to index
      %get3A_349 = tpu.vector_load %arg5[%get3A_347, %get3A_348] {strides = array<i32>} : memref<64x576xf32, #tpu.memory_space<vmem>>, vector<16xf32>,
      %bitcast3A_350 = vector.bitcast %get3A_349 : vector<16xf32> to vector<16xi32>
      %and3A_351 = arith.constant -64 : i32
      %and3A_352 = vector.broadcast %and3A_351 : i32 to vector<16xi32>
      %and3A_353 = arith.andi %bitcast3A_350, %and3A_352 : vector<16xi32>
      %or3A_354 = arith.constant 52 : i32
      %or3A_355 = vector.broadcast %or3A_354 : i32 to vector<16xi32>
      %or3A_356 = arith.ori %and3A_353, %or3A_355 : vector<16xi32>
      %max3A_357 = arith.maxsi %max3A_330, %or3A_356 : vector<16xi32>
      %min3A_358 = arith.minsi %max3A_330, %or3A_356 : vector<16xi32>
      %max3A_359 = arith.maxsi %max3A_332, %min3A_358 : vector<16xi32>
      %min3A_360 = arith.minsi %max3A_332, %min3A_358 : vector<16xi32>
      %max3A_361 = arith.maxsi %max3A_334, %min3A_360 : vector<16xi32>
      %min3A_362 = arith.minsi %max3A_334, %min3A_360 : vector<16xi32>
      %max3A_363 = arith.maxsi %max3A_336, %min3A_362 : vector<16xi32>
      %min3A_364 = arith.minsi %max3A_336, %min3A_362 : vector<16xi32>
      %max3A_365 = arith.maxsi %max3A_338, %min3A_364 : vector<16xi32>
      %min3A_366 = arith.minsi %max3A_338, %min3A_364 : vector<16xi32>
      %max3A_367 = arith.maxsi %max3A_340, %min3A_366 : vector<16xi32>
      %min3A_368 = arith.minsi %max3A_340, %min3A_366 : vector<16xi32>
      %max3A_369 = arith.maxsi %max3A_342, %min3A_368 : vector<16xi32>
      %min3A_370 = arith.minsi %max3A_342, %min3A_368 : vector<16xi32>
      %max3A_371 = arith.maxsi %max3A_344, %min3A_370 : vector<16xi32>
      %min3A_372 = arith.minsi %max3A_344, %min3A_370 : vector<16xi32>
      %get3A_373 = arith.constant 12 : i32
      %get3A_374 = arith.index_cast %get3A_373 : i32 to index
      %get3A_375 = arith.index_cast %mul3A_38 : i32 to index
      %get3A_376 = tpu.vector_load %arg5[%get3A_374, %get3A_375] {strides = array<i32>} : memref<64x576xf32, #tpu.memory_space<vmem>>, vector<16xf32>,
      %bitcast3A_377 = vector.bitcast %get3A_376 : vector<16xf32> to vector<16xi32>
      %and3A_378 = arith.constant -64 : i32
      %and3A_379 = vector.broadcast %and3A_378 : i32 to vector<16xi32>
      %and3A_380 = arith.andi %bitcast3A_377, %and3A_379 : vector<16xi32>
      %or3A_381 = arith.constant 51 : i32
      %or3A_382 = vector.broadcast %or3A_381 : i32 to vector<16xi32>
      %or3A_383 = arith.ori %and3A_380, %or3A_382 : vector<16xi32>
      %max3A_384 = arith.maxsi %max3A_357, %or3A_383 : vector<16xi32>
      %min3A_385 = arith.minsi %max3A_357, %or3A_383 : vector<16xi32>
      %max3A_386 = arith.maxsi %max3A_359, %min3A_385 : vector<16xi32>
      %min3A_387 = arith.minsi %max3A_359, %min3A_385 : vector<16xi32>
      %max3A_388 = arith.maxsi %max3A_361, %min3A_387 : vector<16xi32>
      %min3A_389 = arith.minsi %max3A_361, %min3A_387 : vector<16xi32>
      %max3A_390 = arith.maxsi %max3A_363, %min3A_389 : vector<16xi32>
      %min3A_391 = arith.minsi %max3A_363, %min3A_389 : vector<16xi32>
      %max3A_392 = arith.maxsi %max3A_365, %min3A_391 : vector<16xi32>
      %min3A_393 = arith.minsi %max3A_365, %min3A_391 : vector<16xi32>
      %max3A_394 = arith.maxsi %max3A_367, %min3A_393 : vector<16xi32>
      %min3A_395 = arith.minsi %max3A_367, %min3A_393 : vector<16xi32>
      %max3A_396 = arith.maxsi %max3A_369, %min3A_395 : vector<16xi32>
      %min3A_397 = arith.minsi %max3A_369, %min3A_395 : vector<16xi32>
      %max3A_398 = arith.maxsi %max3A_371, %min3A_397 : vector<16xi32>
      %min3A_399 = arith.minsi %max3A_371, %min3A_397 : vector<16xi32>
      %get3A_400 = arith.constant 13 : i32
      %get3A_401 = arith.index_cast %get3A_400 : i32 to index
      %get3A_402 = arith.index_cast %mul3A_38 : i32 to index
      %get3A_403 = tpu.vector_load %arg5[%get3A_401, %get3A_402] {strides = array<i32>} : memref<64x576xf32, #tpu.memory_space<vmem>>, vector<16xf32>,
      %bitcast3A_404 = vector.bitcast %get3A_403 : vector<16xf32> to vector<16xi32>
      %and3A_405 = arith.constant -64 : i32
      %and3A_406 = vector.broadcast %and3A_405 : i32 to vector<16xi32>
      %and3A_407 = arith.andi %bitcast3A_404, %and3A_406 : vector<16xi32>
      %or3A_408 = arith.constant 50 : i32
      %or3A_409 = vector.broadcast %or3A_408 : i32 to vector<16xi32>
      %or3A_410 = arith.ori %and3A_407, %or3A_409 : vector<16xi32>
      %max3A_411 = arith.maxsi %max3A_384, %or3A_410 : vector<16xi32>
      %min3A_412 = arith.minsi %max3A_384, %or3A_410 : vector<16xi32>
      %max3A_413 = arith.maxsi %max3A_386, %min3A_412 : vector<16xi32>
      %min3A_414 = arith.minsi %max3A_386, %min3A_412 : vector<16xi32>
      %max3A_415 = arith.maxsi %max3A_388, %min3A_414 : vector<16xi32>
      %min3A_416 = arith.minsi %max3A_388, %min3A_414 : vector<16xi32>
      %max3A_417 = arith.maxsi %max3A_390, %min3A_416 : vector<16xi32>
      %min3A_418 = arith.minsi %max3A_390, %min3A_416 : vector<16xi32>
      %max3A_419 = arith.maxsi %max3A_392, %min3A_418 : vector<16xi32>
      %min3A_420 = arith.minsi %max3A_392, %min3A_418 : vector<16xi32>
      %max3A_421 = arith.maxsi %max3A_394, %min3A_420 : vector<16xi32>
      %min3A_422 = arith.minsi %max3A_394, %min3A_420 : vector<16xi32>
      %max3A_423 = arith.maxsi %max3A_396, %min3A_422 : vector<16xi32>
      %min3A_424 = arith.minsi %max3A_396, %min3A_422 : vector<16xi32>
      %max3A_425 = arith.maxsi %max3A_398, %min3A_424 : vector<16xi32>
      %min3A_426 = arith.minsi %max3A_398, %min3A_424 : vector<16xi32>
      %get3A_427 = arith.constant 14 : i32
      %get3A_428 = arith.index_cast %get3A_427 : i32 to index
      %get3A_429 = arith.index_cast %mul3A_38 : i32 to index
      %get3A_430 = tpu.vector_load %arg5[%get3A_428, %get3A_429] {strides = array<i32>} : memref<64x576xf32, #tpu.memory_space<vmem>>, vector<16xf32>,
      %bitcast3A_431 = vector.bitcast %get3A_430 : vector<16xf32> to vector<16xi32>
      %and3A_432 = arith.constant -64 : i32
      %and3A_433 = vector.broadcast %and3A_432 : i32 to vector<16xi32>
      %and3A_434 = arith.andi %bitcast3A_431, %and3A_433 : vector<16xi32>
      %or3A_435 = arith.constant 49 : i32
      %or3A_436 = vector.broadcast %or3A_435 : i32 to vector<16xi32>
      %or3A_437 = arith.ori %and3A_434, %or3A_436 : vector<16xi32>
      %max3A_438 = arith.maxsi %max3A_411, %or3A_437 : vector<16xi32>
      %min3A_439 = arith.minsi %max3A_411, %or3A_437 : vector<16xi32>
      %max3A_440 = arith.maxsi %max3A_413, %min3A_439 : vector<16xi32>
      %min3A_441 = arith.minsi %max3A_413, %min3A_439 : vector<16xi32>
      %max3A_442 = arith.maxsi %max3A_415, %min3A_441 : vector<16xi32>
      %min3A_443 = arith.minsi %max3A_415, %min3A_441 : vector<16xi32>
      %max3A_444 = arith.maxsi %max3A_417, %min3A_443 : vector<16xi32>
      %min3A_445 = arith.minsi %max3A_417, %min3A_443 : vector<16xi32>
      %max3A_446 = arith.maxsi %max3A_419, %min3A_445 : vector<16xi32>
      %min3A_447 = arith.minsi %max3A_419, %min3A_445 : vector<16xi32>
      %max3A_448 = arith.maxsi %max3A_421, %min3A_447 : vector<16xi32>
      %min3A_449 = arith.minsi %max3A_421, %min3A_447 : vector<16xi32>
      %max3A_450 = arith.maxsi %max3A_423, %min3A_449 : vector<16xi32>
      %min3A_451 = arith.minsi %max3A_423, %min3A_449 : vector<16xi32>
      %max3A_452 = arith.maxsi %max3A_425, %min3A_451 : vector<16xi32>
      %min3A_453 = arith.minsi %max3A_425, %min3A_451 : vector<16xi32>
      %get3A_454 = arith.constant 15 : i32
      %get3A_455 = arith.index_cast %get3A_454 : i32 to index
      %get3A_456 = arith.index_cast %mul3A_38 : i32 to index
      %get3A_457 = tpu.vector_load %arg5[%get3A_455, %get3A_456] {strides = array<i32>} : memref<64x576xf32, #tpu.memory_space<vmem>>, vector<16xf32>,
      %bitcast3A_458 = vector.bitcast %get3A_457 : vector<16xf32> to vector<16xi32>
      %and3A_459 = arith.constant -64 : i32
      %and3A_460 = vector.broadcast %and3A_459 : i32 to vector<16xi32>
      %and3A_461 = arith.andi %bitcast3A_458, %and3A_460 : vector<16xi32>
      %or3A_462 = arith.constant 48 : i32
      %or3A_463 = vector.broadcast %or3A_462 : i32 to vector<16xi32>
      %or3A_464 = arith.ori %and3A_461, %or3A_463 : vector<16xi32>
      %max3A_465 = arith.maxsi %max3A_438, %or3A_464 : vector<16xi32>
      %min3A_466 = arith.minsi %max3A_438, %or3A_464 : vector<16xi32>
      %max3A_467 = arith.maxsi %max3A_440, %min3A_466 : vector<16xi32>
      %min3A_468 = arith.minsi %max3A_440, %min3A_466 : vector<16xi32>
      %max3A_469 = arith.maxsi %max3A_442, %min3A_468 : vector<16xi32>
      %min3A_470 = arith.minsi %max3A_442, %min3A_468 : vector<16xi32>
      %max3A_471 = arith.maxsi %max3A_444, %min3A_470 : vector<16xi32>
      %min3A_472 = arith.minsi %max3A_444, %min3A_470 : vector<16xi32>
      %max3A_473 = arith.maxsi %max3A_446, %min3A_472 : vector<16xi32>
      %min3A_474 = arith.minsi %max3A_446, %min3A_472 : vector<16xi32>
      %max3A_475 = arith.maxsi %max3A_448, %min3A_474 : vector<16xi32>
      %min3A_476 = arith.minsi %max3A_448, %min3A_474 : vector<16xi32>
      %max3A_477 = arith.maxsi %max3A_450, %min3A_476 : vector<16xi32>
      %min3A_478 = arith.minsi %max3A_450, %min3A_476 : vector<16xi32>
      %max3A_479 = arith.maxsi %max3A_452, %min3A_478 : vector<16xi32>
      %min3A_480 = arith.minsi %max3A_452, %min3A_478 : vector<16xi32>
      %get3A_481 = arith.constant 16 : i32
      %get3A_482 = arith.index_cast %get3A_481 : i32 to index
      %get3A_483 = arith.index_cast %mul3A_38 : i32 to index
      %get3A_484 = tpu.vector_load %arg5[%get3A_482, %get3A_483] {strides = array<i32>} : memref<64x576xf32, #tpu.memory_space<vmem>>, vector<16xf32>,
      %bitcast3A_485 = vector.bitcast %get3A_484 : vector<16xf32> to vector<16xi32>
      %and3A_486 = arith.constant -64 : i32
      %and3A_487 = vector.broadcast %and3A_486 : i32 to vector<16xi32>
      %and3A_488 = arith.andi %bitcast3A_485, %and3A_487 : vector<16xi32>
      %or3A_489 = arith.constant 47 : i32
      %or3A_490 = vector.broadcast %or3A_489 : i32 to vector<16xi32>
      %or3A_491 = arith.ori %and3A_488, %or3A_490 : vector<16xi32>
      %max3A_492 = arith.maxsi %max3A_465, %or3A_491 : vector<16xi32>
      %min3A_493 = arith.minsi %max3A_465, %or3A_491 : vector<16xi32>
      %max3A_494 = arith.maxsi %max3A_467, %min3A_493 : vector<16xi32>
      %min3A_495 = arith.minsi %max3A_467, %min3A_493 : vector<16xi32>
      %max3A_496 = arith.maxsi %max3A_469, %min3A_495 : vector<16xi32>
      %min3A_497 = arith.minsi %max3A_469, %min3A_495 : vector<16xi32>
      %max3A_498 = arith.maxsi %max3A_471, %min3A_497 : vector<16xi32>
      %min3A_499 = arith.minsi %max3A_471, %min3A_497 : vector<16xi32>
      %max3A_500 = arith.maxsi %max3A_473, %min3A_499 : vector<16xi32>
      %min3A_501 = arith.minsi %max3A_473, %min3A_499 : vector<16xi32>
      %max3A_502 = arith.maxsi %max3A_475, %min3A_501 : vector<16xi32>
      %min3A_503 = arith.minsi %max3A_475, %min3A_501 : vector<16xi32>
      %max3A_504 = arith.maxsi %max3A_477, %min3A_503 : vector<16xi32>
      %min3A_505 = arith.minsi %max3A_477, %min3A_503 : vector<16xi32>
      %max3A_506 = arith.maxsi %max3A_479, %min3A_505 : vector<16xi32>
      %min3A_507 = arith.minsi %max3A_479, %min3A_505 : vector<16xi32>
      %get3A_508 = arith.constant 17 : i32
      %get3A_509 = arith.index_cast %get3A_508 : i32 to index
      %get3A_510 = arith.index_cast %mul3A_38 : i32 to index
      %get3A_511 = tpu.vector_load %arg5[%get3A_509, %get3A_510] {strides = array<i32>} : memref<64x576xf32, #tpu.memory_space<vmem>>, vector<16xf32>,
      %bitcast3A_512 = vector.bitcast %get3A_511 : vector<16xf32> to vector<16xi32>
      %and3A_513 = arith.constant -64 : i32
      %and3A_514 = vector.broadcast %and3A_513 : i32 to vector<16xi32>
      %and3A_515 = arith.andi %bitcast3A_512, %and3A_514 : vector<16xi32>
      %or3A_516 = arith.constant 46 : i32
      %or3A_517 = vector.broadcast %or3A_516 : i32 to vector<16xi32>
      %or3A_518 = arith.ori %and3A_515, %or3A_517 : vector<16xi32>
      %max3A_519 = arith.maxsi %max3A_492, %or3A_518 : vector<16xi32>
      %min3A_520 = arith.minsi %max3A_492, %or3A_518 : vector<16xi32>
      %max3A_521 = arith.maxsi %max3A_494, %min3A_520 : vector<16xi32>
      %min3A_522 = arith.minsi %max3A_494, %min3A_520 : vector<16xi32>
      %max3A_523 = arith.maxsi %max3A_496, %min3A_522 : vector<16xi32>
      %min3A_524 = arith.minsi %max3A_496, %min3A_522 : vector<16xi32>
      %max3A_525 = arith.maxsi %max3A_498, %min3A_524 : vector<16xi32>
      %min3A_526 = arith.minsi %max3A_498, %min3A_524 : vector<16xi32>
      %max3A_527 = arith.maxsi %max3A_500, %min3A_526 : vector<16xi32>
      %min3A_528 = arith.minsi %max3A_500, %min3A_526 : vector<16xi32>
      %max3A_529 = arith.maxsi %max3A_502, %min3A_528 : vector<16xi32>
      %min3A_530 = arith.minsi %max3A_502, %min3A_528 : vector<16xi32>
      %max3A_531 = arith.maxsi %max3A_504, %min3A_530 : vector<16xi32>
      %min3A_532 = arith.minsi %max3A_504, %min3A_530 : vector<16xi32>
      %max3A_533 = arith.maxsi %max3A_506, %min3A_532 : vector<16xi32>
      %min3A_534 = arith.minsi %max3A_506, %min3A_532 : vector<16xi32>
      %get3A_535 = arith.constant 18 : i32
      %get3A_536 = arith.index_cast %get3A_535 : i32 to index
      %get3A_537 = arith.index_cast %mul3A_38 : i32 to index
      %get3A_538 = tpu.vector_load %arg5[%get3A_536, %get3A_537] {strides = array<i32>} : memref<64x576xf32, #tpu.memory_space<vmem>>, vector<16xf32>,
      %bitcast3A_539 = vector.bitcast %get3A_538 : vector<16xf32> to vector<16xi32>
      %and3A_540 = arith.constant -64 : i32
      %and3A_541 = vector.broadcast %and3A_540 : i32 to vector<16xi32>
      %and3A_542 = arith.andi %bitcast3A_539, %and3A_541 : vector<16xi32>
      %or3A_543 = arith.constant 45 : i32
      %or3A_544 = vector.broadcast %or3A_543 : i32 to vector<16xi32>
      %or3A_545 = arith.ori %and3A_542, %or3A_544 : vector<16xi32>
      %max3A_546 = arith.maxsi %max3A_519, %or3A_545 : vector<16xi32>
      %min3A_547 = arith.minsi %max3A_519, %or3A_545 : vector<16xi32>
      %max3A_548 = arith.maxsi %max3A_521, %min3A_547 : vector<16xi32>
      %min3A_549 = arith.minsi %max3A_521, %min3A_547 : vector<16xi32>
      %max3A_550 = arith.maxsi %max3A_523, %min3A_549 : vector<16xi32>
      %min3A_551 = arith.minsi %max3A_523, %min3A_549 : vector<16xi32>
      %max3A_552 = arith.maxsi %max3A_525, %min3A_551 : vector<16xi32>
      %min3A_553 = arith.minsi %max3A_525, %min3A_551 : vector<16xi32>
      %max3A_554 = arith.maxsi %max3A_527, %min3A_553 : vector<16xi32>
      %min3A_555 = arith.minsi %max3A_527, %min3A_553 : vector<16xi32>
      %max3A_556 = arith.maxsi %max3A_529, %min3A_555 : vector<16xi32>
      %min3A_557 = arith.minsi %max3A_529, %min3A_555 : vector<16xi32>
      %max3A_558 = arith.maxsi %max3A_531, %min3A_557 : vector<16xi32>
      %min3A_559 = arith.minsi %max3A_531, %min3A_557 : vector<16xi32>
      %max3A_560 = arith.maxsi %max3A_533, %min3A_559 : vector<16xi32>
      %min3A_561 = arith.minsi %max3A_533, %min3A_559 : vector<16xi32>
      %get3A_562 = arith.constant 19 : i32
      %get3A_563 = arith.index_cast %get3A_562 : i32 to index
      %get3A_564 = arith.index_cast %mul3A_38 : i32 to index
      %get3A_565 = tpu.vector_load %arg5[%get3A_563, %get3A_564] {strides = array<i32>} : memref<64x576xf32, #tpu.memory_space<vmem>>, vector<16xf32>,
      %bitcast3A_566 = vector.bitcast %get3A_565 : vector<16xf32> to vector<16xi32>
      %and3A_567 = arith.constant -64 : i32
      %and3A_568 = vector.broadcast %and3A_567 : i32 to vector<16xi32>
      %and3A_569 = arith.andi %bitcast3A_566, %and3A_568 : vector<16xi32>
      %or3A_570 = arith.constant 44 : i32
      %or3A_571 = vector.broadcast %or3A_570 : i32 to vector<16xi32>
      %or3A_572 = arith.ori %and3A_569, %or3A_571 : vector<16xi32>
      %max3A_573 = arith.maxsi %max3A_546, %or3A_572 : vector<16xi32>
      %min3A_574 = arith.minsi %max3A_546, %or3A_572 : vector<16xi32>
      %max3A_575 = arith.maxsi %max3A_548, %min3A_574 : vector<16xi32>
      %min3A_576 = arith.minsi %max3A_548, %min3A_574 : vector<16xi32>
      %max3A_577 = arith.maxsi %max3A_550, %min3A_576 : vector<16xi32>
      %min3A_578 = arith.minsi %max3A_550, %min3A_576 : vector<16xi32>
      %max3A_579 = arith.maxsi %max3A_552, %min3A_578 : vector<16xi32>
      %min3A_580 = arith.minsi %max3A_552, %min3A_578 : vector<16xi32>
      %max3A_581 = arith.maxsi %max3A_554, %min3A_580 : vector<16xi32>
      %min3A_582 = arith.minsi %max3A_554, %min3A_580 : vector<16xi32>
      %max3A_583 = arith.maxsi %max3A_556, %min3A_582 : vector<16xi32>
      %min3A_584 = arith.minsi %max3A_556, %min3A_582 : vector<16xi32>
      %max3A_585 = arith.maxsi %max3A_558, %min3A_584 : vector<16xi32>
      %min3A_586 = arith.minsi %max3A_558, %min3A_584 : vector<16xi32>
      %max3A_587 = arith.maxsi %max3A_560, %min3A_586 : vector<16xi32>
      %min3A_588 = arith.minsi %max3A_560, %min3A_586 : vector<16xi32>
      %get3A_589 = arith.constant 20 : i32
      %get3A_590 = arith.index_cast %get3A_589 : i32 to index
      %get3A_591 = arith.index_cast %mul3A_38 : i32 to index
      %get3A_592 = tpu.vector_load %arg5[%get3A_590, %get3A_591] {strides = array<i32>} : memref<64x576xf32, #tpu.memory_space<vmem>>, vector<16xf32>,
      %bitcast3A_593 = vector.bitcast %get3A_592 : vector<16xf32> to vector<16xi32>
      %and3A_594 = arith.constant -64 : i32
      %and3A_595 = vector.broadcast %and3A_594 : i32 to vector<16xi32>
      %and3A_596 = arith.andi %bitcast3A_593, %and3A_595 : vector<16xi32>
      %or3A_597 = arith.constant 43 : i32
      %or3A_598 = vector.broadcast %or3A_597 : i32 to vector<16xi32>
      %or3A_599 = arith.ori %and3A_596, %or3A_598 : vector<16xi32>
      %max3A_600 = arith.maxsi %max3A_573, %or3A_599 : vector<16xi32>
      %min3A_601 = arith.minsi %max3A_573, %or3A_599 : vector<16xi32>
      %max3A_602 = arith.maxsi %max3A_575, %min3A_601 : vector<16xi32>
      %min3A_603 = arith.minsi %max3A_575, %min3A_601 : vector<16xi32>
      %max3A_604 = arith.maxsi %max3A_577, %min3A_603 : vector<16xi32>
      %min3A_605 = arith.minsi %max3A_577, %min3A_603 : vector<16xi32>
      %max3A_606 = arith.maxsi %max3A_579, %min3A_605 : vector<16xi32>
      %min3A_607 = arith.minsi %max3A_579, %min3A_605 : vector<16xi32>
      %max3A_608 = arith.maxsi %max3A_581, %min3A_607 : vector<16xi32>
      %min3A_609 = arith.minsi %max3A_581, %min3A_607 : vector<16xi32>
      %max3A_610 = arith.maxsi %max3A_583, %min3A_609 : vector<16xi32>
      %min3A_611 = arith.minsi %max3A_583, %min3A_609 : vector<16xi32>
      %max3A_612 = arith.maxsi %max3A_585, %min3A_611 : vector<16xi32>
      %min3A_613 = arith.minsi %max3A_585, %min3A_611 : vector<16xi32>
      %max3A_614 = arith.maxsi %max3A_587, %min3A_613 : vector<16xi32>
      %min3A_615 = arith.minsi %max3A_587, %min3A_613 : vector<16xi32>
      %get3A_616 = arith.constant 21 : i32
      %get3A_617 = arith.index_cast %get3A_616 : i32 to index
      %get3A_618 = arith.index_cast %mul3A_38 : i32 to index
      %get3A_619 = tpu.vector_load %arg5[%get3A_617, %get3A_618] {strides = array<i32>} : memref<64x576xf32, #tpu.memory_space<vmem>>, vector<16xf32>,
      %bitcast3A_620 = vector.bitcast %get3A_619 : vector<16xf32> to vector<16xi32>
      %and3A_621 = arith.constant -64 : i32
      %and3A_622 = vector.broadcast %and3A_621 : i32 to vector<16xi32>
      %and3A_623 = arith.andi %bitcast3A_620, %and3A_622 : vector<16xi32>
      %or3A_624 = arith.constant 42 : i32
      %or3A_625 = vector.broadcast %or3A_624 : i32 to vector<16xi32>
      %or3A_626 = arith.ori %and3A_623, %or3A_625 : vector<16xi32>
      %max3A_627 = arith.maxsi %max3A_600, %or3A_626 : vector<16xi32>
      %min3A_628 = arith.minsi %max3A_600, %or3A_626 : vector<16xi32>
      %max3A_629 = arith.maxsi %max3A_602, %min3A_628 : vector<16xi32>
      %min3A_630 = arith.minsi %max3A_602, %min3A_628 : vector<16xi32>
      %max3A_631 = arith.maxsi %max3A_604, %min3A_630 : vector<16xi32>
      %min3A_632 = arith.minsi %max3A_604, %min3A_630 : vector<16xi32>
      %max3A_633 = arith.maxsi %max3A_606, %min3A_632 : vector<16xi32>
      %min3A_634 = arith.minsi %max3A_606, %min3A_632 : vector<16xi32>
      %max3A_635 = arith.maxsi %max3A_608, %min3A_634 : vector<16xi32>
      %min3A_636 = arith.minsi %max3A_608, %min3A_634 : vector<16xi32>
      %max3A_637 = arith.maxsi %max3A_610, %min3A_636 : vector<16xi32>
      %min3A_638 = arith.minsi %max3A_610, %min3A_636 : vector<16xi32>
      %max3A_639 = arith.maxsi %max3A_612, %min3A_638 : vector<16xi32>
      %min3A_640 = arith.minsi %max3A_612, %min3A_638 : vector<16xi32>
      %max3A_641 = arith.maxsi %max3A_614, %min3A_640 : vector<16xi32>
      %min3A_642 = arith.minsi %max3A_614, %min3A_640 : vector<16xi32>
      %get3A_643 = arith.constant 22 : i32
      %get3A_644 = arith.index_cast %get3A_643 : i32 to index
      %get3A_645 = arith.index_cast %mul3A_38 : i32 to index
      %get3A_646 = tpu.vector_load %arg5[%get3A_644, %get3A_645] {strides = array<i32>} : memref<64x576xf32, #tpu.memory_space<vmem>>, vector<16xf32>,
      %bitcast3A_647 = vector.bitcast %get3A_646 : vector<16xf32> to vector<16xi32>
      %and3A_648 = arith.constant -64 : i32
      %and3A_649 = vector.broadcast %and3A_648 : i32 to vector<16xi32>
      %and3A_650 = arith.andi %bitcast3A_647, %and3A_649 : vector<16xi32>
      %or3A_651 = arith.constant 41 : i32
      %or3A_652 = vector.broadcast %or3A_651 : i32 to vector<16xi32>
      %or3A_653 = arith.ori %and3A_650, %or3A_652 : vector<16xi32>
      %max3A_654 = arith.maxsi %max3A_627, %or3A_653 : vector<16xi32>
      %min3A_655 = arith.minsi %max3A_627, %or3A_653 : vector<16xi32>
      %max3A_656 = arith.maxsi %max3A_629, %min3A_655 : vector<16xi32>
      %min3A_657 = arith.minsi %max3A_629, %min3A_655 : vector<16xi32>
      %max3A_658 = arith.maxsi %max3A_631, %min3A_657 : vector<16xi32>
      %min3A_659 = arith.minsi %max3A_631, %min3A_657 : vector<16xi32>
      %max3A_660 = arith.maxsi %max3A_633, %min3A_659 : vector<16xi32>
      %min3A_661 = arith.minsi %max3A_633, %min3A_659 : vector<16xi32>
      %max3A_662 = arith.maxsi %max3A_635, %min3A_661 : vector<16xi32>
      %min3A_663 = arith.minsi %max3A_635, %min3A_661 : vector<16xi32>
      %max3A_664 = arith.maxsi %max3A_637, %min3A_663 : vector<16xi32>
      %min3A_665 = arith.minsi %max3A_637, %min3A_663 : vector<16xi32>
      %max3A_666 = arith.maxsi %max3A_639, %min3A_665 : vector<16xi32>
      %min3A_667 = arith.minsi %max3A_639, %min3A_665 : vector<16xi32>
      %max3A_668 = arith.maxsi %max3A_641, %min3A_667 : vector<16xi32>
      %min3A_669 = arith.minsi %max3A_641, %min3A_667 : vector<16xi32>
      %get3A_670 = arith.constant 23 : i32
      %get3A_671 = arith.index_cast %get3A_670 : i32 to index
      %get3A_672 = arith.index_cast %mul3A_38 : i32 to index
      %get3A_673 = tpu.vector_load %arg5[%get3A_671, %get3A_672] {strides = array<i32>} : memref<64x576xf32, #tpu.memory_space<vmem>>, vector<16xf32>,
      %bitcast3A_674 = vector.bitcast %get3A_673 : vector<16xf32> to vector<16xi32>
      %and3A_675 = arith.constant -64 : i32
      %and3A_676 = vector.broadcast %and3A_675 : i32 to vector<16xi32>
      %and3A_677 = arith.andi %bitcast3A_674, %and3A_676 : vector<16xi32>
      %or3A_678 = arith.constant 40 : i32
      %or3A_679 = vector.broadcast %or3A_678 : i32 to vector<16xi32>
      %or3A_680 = arith.ori %and3A_677, %or3A_679 : vector<16xi32>
      %max3A_681 = arith.maxsi %max3A_654, %or3A_680 : vector<16xi32>
      %min3A_682 = arith.minsi %max3A_654, %or3A_680 : vector<16xi32>
      %max3A_683 = arith.maxsi %max3A_656, %min3A_682 : vector<16xi32>
      %min3A_684 = arith.minsi %max3A_656, %min3A_682 : vector<16xi32>
      %max3A_685 = arith.maxsi %max3A_658, %min3A_684 : vector<16xi32>
      %min3A_686 = arith.minsi %max3A_658, %min3A_684 : vector<16xi32>
      %max3A_687 = arith.maxsi %max3A_660, %min3A_686 : vector<16xi32>
      %min3A_688 = arith.minsi %max3A_660, %min3A_686 : vector<16xi32>
      %max3A_689 = arith.maxsi %max3A_662, %min3A_688 : vector<16xi32>
      %min3A_690 = arith.minsi %max3A_662, %min3A_688 : vector<16xi32>
      %max3A_691 = arith.maxsi %max3A_664, %min3A_690 : vector<16xi32>
      %min3A_692 = arith.minsi %max3A_664, %min3A_690 : vector<16xi32>
      %max3A_693 = arith.maxsi %max3A_666, %min3A_692 : vector<16xi32>
      %min3A_694 = arith.minsi %max3A_666, %min3A_692 : vector<16xi32>
      %max3A_695 = arith.maxsi %max3A_668, %min3A_694 : vector<16xi32>
      %min3A_696 = arith.minsi %max3A_668, %min3A_694 : vector<16xi32>
      %get3A_697 = arith.constant 24 : i32
      %get3A_698 = arith.index_cast %get3A_697 : i32 to index
      %get3A_699 = arith.index_cast %mul3A_38 : i32 to index
      %get3A_700 = tpu.vector_load %arg5[%get3A_698, %get3A_699] {strides = array<i32>} : memref<64x576xf32, #tpu.memory_space<vmem>>, vector<16xf32>,
      %bitcast3A_701 = vector.bitcast %get3A_700 : vector<16xf32> to vector<16xi32>
      %and3A_702 = arith.constant -64 : i32
      %and3A_703 = vector.broadcast %and3A_702 : i32 to vector<16xi32>
      %and3A_704 = arith.andi %bitcast3A_701, %and3A_703 : vector<16xi32>
      %or3A_705 = arith.constant 39 : i32
      %or3A_706 = vector.broadcast %or3A_705 : i32 to vector<16xi32>
      %or3A_707 = arith.ori %and3A_704, %or3A_706 : vector<16xi32>
      %max3A_708 = arith.maxsi %max3A_681, %or3A_707 : vector<16xi32>
      %min3A_709 = arith.minsi %max3A_681, %or3A_707 : vector<16xi32>
      %max3A_710 = arith.maxsi %max3A_683, %min3A_709 : vector<16xi32>
      %min3A_711 = arith.minsi %max3A_683, %min3A_709 : vector<16xi32>
      %max3A_712 = arith.maxsi %max3A_685, %min3A_711 : vector<16xi32>
      %min3A_713 = arith.minsi %max3A_685, %min3A_711 : vector<16xi32>
      %max3A_714 = arith.maxsi %max3A_687, %min3A_713 : vector<16xi32>
      %min3A_715 = arith.minsi %max3A_687, %min3A_713 : vector<16xi32>
      %max3A_716 = arith.maxsi %max3A_689, %min3A_715 : vector<16xi32>
      %min3A_717 = arith.minsi %max3A_689, %min3A_715 : vector<16xi32>
      %max3A_718 = arith.maxsi %max3A_691, %min3A_717 : vector<16xi32>
      %min3A_719 = arith.minsi %max3A_691, %min3A_717 : vector<16xi32>
      %max3A_720 = arith.maxsi %max3A_693, %min3A_719 : vector<16xi32>
      %min3A_721 = arith.minsi %max3A_693, %min3A_719 : vector<16xi32>
      %max3A_722 = arith.maxsi %max3A_695, %min3A_721 : vector<16xi32>
      %min3A_723 = arith.minsi %max3A_695, %min3A_721 : vector<16xi32>
      %get3A_724 = arith.constant 25 : i32
      %get3A_725 = arith.index_cast %get3A_724 : i32 to index
      %get3A_726 = arith.index_cast %mul3A_38 : i32 to index
      %get3A_727 = tpu.vector_load %arg5[%get3A_725, %get3A_726] {strides = array<i32>} : memref<64x576xf32, #tpu.memory_space<vmem>>, vector<16xf32>,
      %bitcast3A_728 = vector.bitcast %get3A_727 : vector<16xf32> to vector<16xi32>
      %and3A_729 = arith.constant -64 : i32
      %and3A_730 = vector.broadcast %and3A_729 : i32 to vector<16xi32>
      %and3A_731 = arith.andi %bitcast3A_728, %and3A_730 : vector<16xi32>
      %or3A_732 = arith.constant 38 : i32
      %or3A_733 = vector.broadcast %or3A_732 : i32 to vector<16xi32>
      %or3A_734 = arith.ori %and3A_731, %or3A_733 : vector<16xi32>
      %max3A_735 = arith.maxsi %max3A_708, %or3A_734 : vector<16xi32>
      %min3A_736 = arith.minsi %max3A_708, %or3A_734 : vector<16xi32>
      %max3A_737 = arith.maxsi %max3A_710, %min3A_736 : vector<16xi32>
      %min3A_738 = arith.minsi %max3A_710, %min3A_736 : vector<16xi32>
      %max3A_739 = arith.maxsi %max3A_712, %min3A_738 : vector<16xi32>
      %min3A_740 = arith.minsi %max3A_712, %min3A_738 : vector<16xi32>
      %max3A_741 = arith.maxsi %max3A_714, %min3A_740 : vector<16xi32>
      %min3A_742 = arith.minsi %max3A_714, %min3A_740 : vector<16xi32>
      %max3A_743 = arith.maxsi %max3A_716, %min3A_742 : vector<16xi32>
      %min3A_744 = arith.minsi %max3A_716, %min3A_742 : vector<16xi32>
      %max3A_745 = arith.maxsi %max3A_718, %min3A_744 : vector<16xi32>
      %min3A_746 = arith.minsi %max3A_718, %min3A_744 : vector<16xi32>
      %max3A_747 = arith.maxsi %max3A_720, %min3A_746 : vector<16xi32>
      %min3A_748 = arith.minsi %max3A_720, %min3A_746 : vector<16xi32>
      %max3A_749 = arith.maxsi %max3A_722, %min3A_748 : vector<16xi32>
      %min3A_750 = arith.minsi %max3A_722, %min3A_748 : vector<16xi32>
      %get3A_751 = arith.constant 26 : i32
      %get3A_752 = arith.index_cast %get3A_751 : i32 to index
      %get3A_753 = arith.index_cast %mul3A_38 : i32 to index
      %get3A_754 = tpu.vector_load %arg5[%get3A_752, %get3A_753] {strides = array<i32>} : memref<64x576xf32, #tpu.memory_space<vmem>>, vector<16xf32>,
      %bitcast3A_755 = vector.bitcast %get3A_754 : vector<16xf32> to vector<16xi32>
      %and3A_756 = arith.constant -64 : i32
      %and3A_757 = vector.broadcast %and3A_756 : i32 to vector<16xi32>
      %and3A_758 = arith.andi %bitcast3A_755, %and3A_757 : vector<16xi32>
      %or3A_759 = arith.constant 37 : i32
      %or3A_760 = vector.broadcast %or3A_759 : i32 to vector<16xi32>
      %or3A_761 = arith.ori %and3A_758, %or3A_760 : vector<16xi32>
      %max3A_762 = arith.maxsi %max3A_735, %or3A_761 : vector<16xi32>
      %min3A_763 = arith.minsi %max3A_735, %or3A_761 : vector<16xi32>
      %max3A_764 = arith.maxsi %max3A_737, %min3A_763 : vector<16xi32>
      %min3A_765 = arith.minsi %max3A_737, %min3A_763 : vector<16xi32>
      %max3A_766 = arith.maxsi %max3A_739, %min3A_765 : vector<16xi32>
      %min3A_767 = arith.minsi %max3A_739, %min3A_765 : vector<16xi32>
      %max3A_768 = arith.maxsi %max3A_741, %min3A_767 : vector<16xi32>
      %min3A_769 = arith.minsi %max3A_741, %min3A_767 : vector<16xi32>
      %max3A_770 = arith.maxsi %max3A_743, %min3A_769 : vector<16xi32>
      %min3A_771 = arith.minsi %max3A_743, %min3A_769 : vector<16xi32>
      %max3A_772 = arith.maxsi %max3A_745, %min3A_771 : vector<16xi32>
      %min3A_773 = arith.minsi %max3A_745, %min3A_771 : vector<16xi32>
      %max3A_774 = arith.maxsi %max3A_747, %min3A_773 : vector<16xi32>
      %min3A_775 = arith.minsi %max3A_747, %min3A_773 : vector<16xi32>
      %max3A_776 = arith.maxsi %max3A_749, %min3A_775 : vector<16xi32>
      %min3A_777 = arith.minsi %max3A_749, %min3A_775 : vector<16xi32>
      %get3A_778 = arith.constant 27 : i32
      %get3A_779 = arith.index_cast %get3A_778 : i32 to index
      %get3A_780 = arith.index_cast %mul3A_38 : i32 to index
      %get3A_781 = tpu.vector_load %arg5[%get3A_779, %get3A_780] {strides = array<i32>} : memref<64x576xf32, #tpu.memory_space<vmem>>, vector<16xf32>,
      %bitcast3A_782 = vector.bitcast %get3A_781 : vector<16xf32> to vector<16xi32>
      %and3A_783 = arith.constant -64 : i32
      %and3A_784 = vector.broadcast %and3A_783 : i32 to vector<16xi32>
      %and3A_785 = arith.andi %bitcast3A_782, %and3A_784 : vector<16xi32>
      %or3A_786 = arith.constant 36 : i32
      %or3A_787 = vector.broadcast %or3A_786 : i32 to vector<16xi32>
      %or3A_788 = arith.ori %and3A_785, %or3A_787 : vector<16xi32>
      %max3A_789 = arith.maxsi %max3A_762, %or3A_788 : vector<16xi32>
      %min3A_790 = arith.minsi %max3A_762, %or3A_788 : vector<16xi32>
      %max3A_791 = arith.maxsi %max3A_764, %min3A_790 : vector<16xi32>
      %min3A_792 = arith.minsi %max3A_764, %min3A_790 : vector<16xi32>
      %max3A_793 = arith.maxsi %max3A_766, %min3A_792 : vector<16xi32>
      %min3A_794 = arith.minsi %max3A_766, %min3A_792 : vector<16xi32>
      %max3A_795 = arith.maxsi %max3A_768, %min3A_794 : vector<16xi32>
      %min3A_796 = arith.minsi %max3A_768, %min3A_794 : vector<16xi32>
      %max3A_797 = arith.maxsi %max3A_770, %min3A_796 : vector<16xi32>
      %min3A_798 = arith.minsi %max3A_770, %min3A_796 : vector<16xi32>
      %max3A_799 = arith.maxsi %max3A_772, %min3A_798 : vector<16xi32>
      %min3A_800 = arith.minsi %max3A_772, %min3A_798 : vector<16xi32>
      %max3A_801 = arith.maxsi %max3A_774, %min3A_800 : vector<16xi32>
      %min3A_802 = arith.minsi %max3A_774, %min3A_800 : vector<16xi32>
      %max3A_803 = arith.maxsi %max3A_776, %min3A_802 : vector<16xi32>
      %min3A_804 = arith.minsi %max3A_776, %min3A_802 : vector<16xi32>
      %get3A_805 = arith.constant 28 : i32
      %get3A_806 = arith.index_cast %get3A_805 : i32 to index
      %get3A_807 = arith.index_cast %mul3A_38 : i32 to index
      %get3A_808 = tpu.vector_load %arg5[%get3A_806, %get3A_807] {strides = array<i32>} : memref<64x576xf32, #tpu.memory_space<vmem>>, vector<16xf32>,
      %bitcast3A_809 = vector.bitcast %get3A_808 : vector<16xf32> to vector<16xi32>
      %and3A_810 = arith.constant -64 : i32
      %and3A_811 = vector.broadcast %and3A_810 : i32 to vector<16xi32>
      %and3A_812 = arith.andi %bitcast3A_809, %and3A_811 : vector<16xi32>
      %or3A_813 = arith.constant 35 : i32
      %or3A_814 = vector.broadcast %or3A_813 : i32 to vector<16xi32>
      %or3A_815 = arith.ori %and3A_812, %or3A_814 : vector<16xi32>
      %max3A_816 = arith.maxsi %max3A_789, %or3A_815 : vector<16xi32>
      %min3A_817 = arith.minsi %max3A_789, %or3A_815 : vector<16xi32>
      %max3A_818 = arith.maxsi %max3A_791, %min3A_817 : vector<16xi32>
      %min3A_819 = arith.minsi %max3A_791, %min3A_817 : vector<16xi32>
      %max3A_820 = arith.maxsi %max3A_793, %min3A_819 : vector<16xi32>
      %min3A_821 = arith.minsi %max3A_793, %min3A_819 : vector<16xi32>
      %max3A_822 = arith.maxsi %max3A_795, %min3A_821 : vector<16xi32>
      %min3A_823 = arith.minsi %max3A_795, %min3A_821 : vector<16xi32>
      %max3A_824 = arith.maxsi %max3A_797, %min3A_823 : vector<16xi32>
      %min3A_825 = arith.minsi %max3A_797, %min3A_823 : vector<16xi32>
      %max3A_826 = arith.maxsi %max3A_799, %min3A_825 : vector<16xi32>
      %min3A_827 = arith.minsi %max3A_799, %min3A_825 : vector<16xi32>
      %max3A_828 = arith.maxsi %max3A_801, %min3A_827 : vector<16xi32>
      %min3A_829 = arith.minsi %max3A_801, %min3A_827 : vector<16xi32>
      %max3A_830 = arith.maxsi %max3A_803, %min3A_829 : vector<16xi32>
      %min3A_831 = arith.minsi %max3A_803, %min3A_829 : vector<16xi32>
      %get3A_832 = arith.constant 29 : i32
      %get3A_833 = arith.index_cast %get3A_832 : i32 to index
      %get3A_834 = arith.index_cast %mul3A_38 : i32 to index
      %get3A_835 = tpu.vector_load %arg5[%get3A_833, %get3A_834] {strides = array<i32>} : memref<64x576xf32, #tpu.memory_space<vmem>>, vector<16xf32>,
      %bitcast3A_836 = vector.bitcast %get3A_835 : vector<16xf32> to vector<16xi32>
      %and3A_837 = arith.constant -64 : i32
      %and3A_838 = vector.broadcast %and3A_837 : i32 to vector<16xi32>
      %and3A_839 = arith.andi %bitcast3A_836, %and3A_838 : vector<16xi32>
      %or3A_840 = arith.constant 34 : i32
      %or3A_841 = vector.broadcast %or3A_840 : i32 to vector<16xi32>
      %or3A_842 = arith.ori %and3A_839, %or3A_841 : vector<16xi32>
      %max3A_843 = arith.maxsi %max3A_816, %or3A_842 : vector<16xi32>
      %min3A_844 = arith.minsi %max3A_816, %or3A_842 : vector<16xi32>
      %max3A_845 = arith.maxsi %max3A_818, %min3A_844 : vector<16xi32>
      %min3A_846 = arith.minsi %max3A_818, %min3A_844 : vector<16xi32>
      %max3A_847 = arith.maxsi %max3A_820, %min3A_846 : vector<16xi32>
      %min3A_848 = arith.minsi %max3A_820, %min3A_846 : vector<16xi32>
      %max3A_849 = arith.maxsi %max3A_822, %min3A_848 : vector<16xi32>
      %min3A_850 = arith.minsi %max3A_822, %min3A_848 : vector<16xi32>
      %max3A_851 = arith.maxsi %max3A_824, %min3A_850 : vector<16xi32>
      %min3A_852 = arith.minsi %max3A_824, %min3A_850 : vector<16xi32>
      %max3A_853 = arith.maxsi %max3A_826, %min3A_852 : vector<16xi32>
      %min3A_854 = arith.minsi %max3A_826, %min3A_852 : vector<16xi32>
      %max3A_855 = arith.maxsi %max3A_828, %min3A_854 : vector<16xi32>
      %min3A_856 = arith.minsi %max3A_828, %min3A_854 : vector<16xi32>
      %max3A_857 = arith.maxsi %max3A_830, %min3A_856 : vector<16xi32>
      %min3A_858 = arith.minsi %max3A_830, %min3A_856 : vector<16xi32>
      %get3A_859 = arith.constant 30 : i32
      %get3A_860 = arith.index_cast %get3A_859 : i32 to index
      %get3A_861 = arith.index_cast %mul3A_38 : i32 to index
      %get3A_862 = tpu.vector_load %arg5[%get3A_860, %get3A_861] {strides = array<i32>} : memref<64x576xf32, #tpu.memory_space<vmem>>, vector<16xf32>,
      %bitcast3A_863 = vector.bitcast %get3A_862 : vector<16xf32> to vector<16xi32>
      %and3A_864 = arith.constant -64 : i32
      %and3A_865 = vector.broadcast %and3A_864 : i32 to vector<16xi32>
      %and3A_866 = arith.andi %bitcast3A_863, %and3A_865 : vector<16xi32>
      %or3A_867 = arith.constant 33 : i32
      %or3A_868 = vector.broadcast %or3A_867 : i32 to vector<16xi32>
      %or3A_869 = arith.ori %and3A_866, %or3A_868 : vector<16xi32>
      %max3A_870 = arith.maxsi %max3A_843, %or3A_869 : vector<16xi32>
      %min3A_871 = arith.minsi %max3A_843, %or3A_869 : vector<16xi32>
      %max3A_872 = arith.maxsi %max3A_845, %min3A_871 : vector<16xi32>
      %min3A_873 = arith.minsi %max3A_845, %min3A_871 : vector<16xi32>
      %max3A_874 = arith.maxsi %max3A_847, %min3A_873 : vector<16xi32>
      %min3A_875 = arith.minsi %max3A_847, %min3A_873 : vector<16xi32>
      %max3A_876 = arith.maxsi %max3A_849, %min3A_875 : vector<16xi32>
      %min3A_877 = arith.minsi %max3A_849, %min3A_875 : vector<16xi32>
      %max3A_878 = arith.maxsi %max3A_851, %min3A_877 : vector<16xi32>
      %min3A_879 = arith.minsi %max3A_851, %min3A_877 : vector<16xi32>
      %max3A_880 = arith.maxsi %max3A_853, %min3A_879 : vector<16xi32>
      %min3A_881 = arith.minsi %max3A_853, %min3A_879 : vector<16xi32>
      %max3A_882 = arith.maxsi %max3A_855, %min3A_881 : vector<16xi32>
      %min3A_883 = arith.minsi %max3A_855, %min3A_881 : vector<16xi32>
      %max3A_884 = arith.maxsi %max3A_857, %min3A_883 : vector<16xi32>
      %min3A_885 = arith.minsi %max3A_857, %min3A_883 : vector<16xi32>
      %get3A_886 = arith.constant 31 : i32
      %get3A_887 = arith.index_cast %get3A_886 : i32 to index
      %get3A_888 = arith.index_cast %mul3A_38 : i32 to index
      %get3A_889 = tpu.vector_load %arg5[%get3A_887, %get3A_888] {strides = array<i32>} : memref<64x576xf32, #tpu.memory_space<vmem>>, vector<16xf32>,
      %bitcast3A_890 = vector.bitcast %get3A_889 : vector<16xf32> to vector<16xi32>
      %and3A_891 = arith.constant -64 : i32
      %and3A_892 = vector.broadcast %and3A_891 : i32 to vector<16xi32>
      %and3A_893 = arith.andi %bitcast3A_890, %and3A_892 : vector<16xi32>
      %or3A_894 = arith.constant 32 : i32
      %or3A_895 = vector.broadcast %or3A_894 : i32 to vector<16xi32>
      %or3A_896 = arith.ori %and3A_893, %or3A_895 : vector<16xi32>
      %max3A_897 = arith.maxsi %max3A_870, %or3A_896 : vector<16xi32>
      %min3A_898 = arith.minsi %max3A_870, %or3A_896 : vector<16xi32>
      %max3A_899 = arith.maxsi %max3A_872, %min3A_898 : vector<16xi32>
      %min3A_900 = arith.minsi %max3A_872, %min3A_898 : vector<16xi32>
      %max3A_901 = arith.maxsi %max3A_874, %min3A_900 : vector<16xi32>
      %min3A_902 = arith.minsi %max3A_874, %min3A_900 : vector<16xi32>
      %max3A_903 = arith.maxsi %max3A_876, %min3A_902 : vector<16xi32>
      %min3A_904 = arith.minsi %max3A_876, %min3A_902 : vector<16xi32>
      %max3A_905 = arith.maxsi %max3A_878, %min3A_904 : vector<16xi32>
      %min3A_906 = arith.minsi %max3A_878, %min3A_904 : vector<16xi32>
      %max3A_907 = arith.maxsi %max3A_880, %min3A_906 : vector<16xi32>
      %min3A_908 = arith.minsi %max3A_880, %min3A_906 : vector<16xi32>
      %max3A_909 = arith.maxsi %max3A_882, %min3A_908 : vector<16xi32>
      %min3A_910 = arith.minsi %max3A_882, %min3A_908 : vector<16xi32>
      %max3A_911 = arith.maxsi %max3A_884, %min3A_910 : vector<16xi32>
      %min3A_912 = arith.minsi %max3A_884, %min3A_910 : vector<16xi32>
      %get3A_913 = arith.constant 32 : i32
      %get3A_914 = arith.index_cast %get3A_913 : i32 to index
      %get3A_915 = arith.index_cast %mul3A_38 : i32 to index
      %get3A_916 = tpu.vector_load %arg5[%get3A_914, %get3A_915] {strides = array<i32>} : memref<64x576xf32, #tpu.memory_space<vmem>>, vector<16xf32>,
      %bitcast3A_917 = vector.bitcast %get3A_916 : vector<16xf32> to vector<16xi32>
      %and3A_918 = arith.constant -64 : i32
      %and3A_919 = vector.broadcast %and3A_918 : i32 to vector<16xi32>
      %and3A_920 = arith.andi %bitcast3A_917, %and3A_919 : vector<16xi32>
      %or3A_921 = arith.constant 31 : i32
      %or3A_922 = vector.broadcast %or3A_921 : i32 to vector<16xi32>
      %or3A_923 = arith.ori %and3A_920, %or3A_922 : vector<16xi32>
      %max3A_924 = arith.maxsi %max3A_897, %or3A_923 : vector<16xi32>
      %min3A_925 = arith.minsi %max3A_897, %or3A_923 : vector<16xi32>
      %max3A_926 = arith.maxsi %max3A_899, %min3A_925 : vector<16xi32>
      %min3A_927 = arith.minsi %max3A_899, %min3A_925 : vector<16xi32>
      %max3A_928 = arith.maxsi %max3A_901, %min3A_927 : vector<16xi32>
      %min3A_929 = arith.minsi %max3A_901, %min3A_927 : vector<16xi32>
      %max3A_930 = arith.maxsi %max3A_903, %min3A_929 : vector<16xi32>
      %min3A_931 = arith.minsi %max3A_903, %min3A_929 : vector<16xi32>
      %max3A_932 = arith.maxsi %max3A_905, %min3A_931 : vector<16xi32>
      %min3A_933 = arith.minsi %max3A_905, %min3A_931 : vector<16xi32>
      %max3A_934 = arith.maxsi %max3A_907, %min3A_933 : vector<16xi32>
      %min3A_935 = arith.minsi %max3A_907, %min3A_933 : vector<16xi32>
      %max3A_936 = arith.maxsi %max3A_909, %min3A_935 : vector<16xi32>
      %min3A_937 = arith.minsi %max3A_909, %min3A_935 : vector<16xi32>
      %max3A_938 = arith.maxsi %max3A_911, %min3A_937 : vector<16xi32>
      %min3A_939 = arith.minsi %max3A_911, %min3A_937 : vector<16xi32>
      %get3A_940 = arith.constant 33 : i32
      %get3A_941 = arith.index_cast %get3A_940 : i32 to index
      %get3A_942 = arith.index_cast %mul3A_38 : i32 to index
      %get3A_943 = tpu.vector_load %arg5[%get3A_941, %get3A_942] {strides = array<i32>} : memref<64x576xf32, #tpu.memory_space<vmem>>, vector<16xf32>,
      %bitcast3A_944 = vector.bitcast %get3A_943 : vector<16xf32> to vector<16xi32>
      %and3A_945 = arith.constant -64 : i32
      %and3A_946 = vector.broadcast %and3A_945 : i32 to vector<16xi32>
      %and3A_947 = arith.andi %bitcast3A_944, %and3A_946 : vector<16xi32>
      %or3A_948 = arith.constant 30 : i32
      %or3A_949 = vector.broadcast %or3A_948 : i32 to vector<16xi32>
      %or3A_950 = arith.ori %and3A_947, %or3A_949 : vector<16xi32>
      %max3A_951 = arith.maxsi %max3A_924, %or3A_950 : vector<16xi32>
      %min3A_952 = arith.minsi %max3A_924, %or3A_950 : vector<16xi32>
      %max3A_953 = arith.maxsi %max3A_926, %min3A_952 : vector<16xi32>
      %min3A_954 = arith.minsi %max3A_926, %min3A_952 : vector<16xi32>
      %max3A_955 = arith.maxsi %max3A_928, %min3A_954 : vector<16xi32>
      %min3A_956 = arith.minsi %max3A_928, %min3A_954 : vector<16xi32>
      %max3A_957 = arith.maxsi %max3A_930, %min3A_956 : vector<16xi32>
      %min3A_958 = arith.minsi %max3A_930, %min3A_956 : vector<16xi32>
      %max3A_959 = arith.maxsi %max3A_932, %min3A_958 : vector<16xi32>
      %min3A_960 = arith.minsi %max3A_932, %min3A_958 : vector<16xi32>
      %max3A_961 = arith.maxsi %max3A_934, %min3A_960 : vector<16xi32>
      %min3A_962 = arith.minsi %max3A_934, %min3A_960 : vector<16xi32>
      %max3A_963 = arith.maxsi %max3A_936, %min3A_962 : vector<16xi32>
      %min3A_964 = arith.minsi %max3A_936, %min3A_962 : vector<16xi32>
      %max3A_965 = arith.maxsi %max3A_938, %min3A_964 : vector<16xi32>
      %min3A_966 = arith.minsi %max3A_938, %min3A_964 : vector<16xi32>
      %get3A_967 = arith.constant 34 : i32
      %get3A_968 = arith.index_cast %get3A_967 : i32 to index
      %get3A_969 = arith.index_cast %mul3A_38 : i32 to index
      %get3A_970 = tpu.vector_load %arg5[%get3A_968, %get3A_969] {strides = array<i32>} : memref<64x576xf32, #tpu.memory_space<vmem>>, vector<16xf32>,
      %bitcast3A_971 = vector.bitcast %get3A_970 : vector<16xf32> to vector<16xi32>
      %and3A_972 = arith.constant -64 : i32
      %and3A_973 = vector.broadcast %and3A_972 : i32 to vector<16xi32>
      %and3A_974 = arith.andi %bitcast3A_971, %and3A_973 : vector<16xi32>
      %or3A_975 = arith.constant 29 : i32
      %or3A_976 = vector.broadcast %or3A_975 : i32 to vector<16xi32>
      %or3A_977 = arith.ori %and3A_974, %or3A_976 : vector<16xi32>
      %max3A_978 = arith.maxsi %max3A_951, %or3A_977 : vector<16xi32>
      %min3A_979 = arith.minsi %max3A_951, %or3A_977 : vector<16xi32>
      %max3A_980 = arith.maxsi %max3A_953, %min3A_979 : vector<16xi32>
      %min3A_981 = arith.minsi %max3A_953, %min3A_979 : vector<16xi32>
      %max3A_982 = arith.maxsi %max3A_955, %min3A_981 : vector<16xi32>
      %min3A_983 = arith.minsi %max3A_955, %min3A_981 : vector<16xi32>
      %max3A_984 = arith.maxsi %max3A_957, %min3A_983 : vector<16xi32>
      %min3A_985 = arith.minsi %max3A_957, %min3A_983 : vector<16xi32>
      %max3A_986 = arith.maxsi %max3A_959, %min3A_985 : vector<16xi32>
      %min3A_987 = arith.minsi %max3A_959, %min3A_985 : vector<16xi32>
      %max3A_988 = arith.maxsi %max3A_961, %min3A_987 : vector<16xi32>
      %min3A_989 = arith.minsi %max3A_961, %min3A_987 : vector<16xi32>
      %max3A_990 = arith.maxsi %max3A_963, %min3A_989 : vector<16xi32>
      %min3A_991 = arith.minsi %max3A_963, %min3A_989 : vector<16xi32>
      %max3A_992 = arith.maxsi %max3A_965, %min3A_991 : vector<16xi32>
      %min3A_993 = arith.minsi %max3A_965, %min3A_991 : vector<16xi32>
      %get3A_994 = arith.constant 35 : i32
      %get3A_995 = arith.index_cast %get3A_994 : i32 to index
      %get3A_996 = arith.index_cast %mul3A_38 : i32 to index
      %get3A_997 = tpu.vector_load %arg5[%get3A_995, %get3A_996] {strides = array<i32>} : memref<64x576xf32, #tpu.memory_space<vmem>>, vector<16xf32>,
      %bitcast3A_998 = vector.bitcast %get3A_997 : vector<16xf32> to vector<16xi32>
      %and3A_999 = arith.constant -64 : i32
      %and3A_1000 = vector.broadcast %and3A_999 : i32 to vector<16xi32>
      %and3A_1001 = arith.andi %bitcast3A_998, %and3A_1000 : vector<16xi32>
      %or3A_1002 = arith.constant 28 : i32
      %or3A_1003 = vector.broadcast %or3A_1002 : i32 to vector<16xi32>
      %or3A_1004 = arith.ori %and3A_1001, %or3A_1003 : vector<16xi32>
      %max3A_1005 = arith.maxsi %max3A_978, %or3A_1004 : vector<16xi32>
      %min3A_1006 = arith.minsi %max3A_978, %or3A_1004 : vector<16xi32>
      %max3A_1007 = arith.maxsi %max3A_980, %min3A_1006 : vector<16xi32>
      %min3A_1008 = arith.minsi %max3A_980, %min3A_1006 : vector<16xi32>
      %max3A_1009 = arith.maxsi %max3A_982, %min3A_1008 : vector<16xi32>
      %min3A_1010 = arith.minsi %max3A_982, %min3A_1008 : vector<16xi32>
      %max3A_1011 = arith.maxsi %max3A_984, %min3A_1010 : vector<16xi32>
      %min3A_1012 = arith.minsi %max3A_984, %min3A_1010 : vector<16xi32>
      %max3A_1013 = arith.maxsi %max3A_986, %min3A_1012 : vector<16xi32>
      %min3A_1014 = arith.minsi %max3A_986, %min3A_1012 : vector<16xi32>
      %max3A_1015 = arith.maxsi %max3A_988, %min3A_1014 : vector<16xi32>
      %min3A_1016 = arith.minsi %max3A_988, %min3A_1014 : vector<16xi32>
      %max3A_1017 = arith.maxsi %max3A_990, %min3A_1016 : vector<16xi32>
      %min3A_1018 = arith.minsi %max3A_990, %min3A_1016 : vector<16xi32>
      %max3A_1019 = arith.maxsi %max3A_992, %min3A_1018 : vector<16xi32>
      %min3A_1020 = arith.minsi %max3A_992, %min3A_1018 : vector<16xi32>
      %get3A_1021 = arith.constant 36 : i32
      %get3A_1022 = arith.index_cast %get3A_1021 : i32 to index
      %get3A_1023 = arith.index_cast %mul3A_38 : i32 to index
      %get3A_1024 = tpu.vector_load %arg5[%get3A_1022, %get3A_1023] {strides = array<i32>} : memref<64x576xf32, #tpu.memory_space<vmem>>, vector<16xf32>,
      %bitcast3A_1025 = vector.bitcast %get3A_1024 : vector<16xf32> to vector<16xi32>
      %and3A_1026 = arith.constant -64 : i32
      %and3A_1027 = vector.broadcast %and3A_1026 : i32 to vector<16xi32>
      %and3A_1028 = arith.andi %bitcast3A_1025, %and3A_1027 : vector<16xi32>
      %or3A_1029 = arith.constant 27 : i32
      %or3A_1030 = vector.broadcast %or3A_1029 : i32 to vector<16xi32>
      %or3A_1031 = arith.ori %and3A_1028, %or3A_1030 : vector<16xi32>
      %max3A_1032 = arith.maxsi %max3A_1005, %or3A_1031 : vector<16xi32>
      %min3A_1033 = arith.minsi %max3A_1005, %or3A_1031 : vector<16xi32>
      %max3A_1034 = arith.maxsi %max3A_1007, %min3A_1033 : vector<16xi32>
      %min3A_1035 = arith.minsi %max3A_1007, %min3A_1033 : vector<16xi32>
      %max3A_1036 = arith.maxsi %max3A_1009, %min3A_1035 : vector<16xi32>
      %min3A_1037 = arith.minsi %max3A_1009, %min3A_1035 : vector<16xi32>
      %max3A_1038 = arith.maxsi %max3A_1011, %min3A_1037 : vector<16xi32>
      %min3A_1039 = arith.minsi %max3A_1011, %min3A_1037 : vector<16xi32>
      %max3A_1040 = arith.maxsi %max3A_1013, %min3A_1039 : vector<16xi32>
      %min3A_1041 = arith.minsi %max3A_1013, %min3A_1039 : vector<16xi32>
      %max3A_1042 = arith.maxsi %max3A_1015, %min3A_1041 : vector<16xi32>
      %min3A_1043 = arith.minsi %max3A_1015, %min3A_1041 : vector<16xi32>
      %max3A_1044 = arith.maxsi %max3A_1017, %min3A_1043 : vector<16xi32>
      %min3A_1045 = arith.minsi %max3A_1017, %min3A_1043 : vector<16xi32>
      %max3A_1046 = arith.maxsi %max3A_1019, %min3A_1045 : vector<16xi32>
      %min3A_1047 = arith.minsi %max3A_1019, %min3A_1045 : vector<16xi32>
      %get3A_1048 = arith.constant 37 : i32
      %get3A_1049 = arith.index_cast %get3A_1048 : i32 to index
      %get3A_1050 = arith.index_cast %mul3A_38 : i32 to index
      %get3A_1051 = tpu.vector_load %arg5[%get3A_1049, %get3A_1050] {strides = array<i32>} : memref<64x576xf32, #tpu.memory_space<vmem>>, vector<16xf32>,
      %bitcast3A_1052 = vector.bitcast %get3A_1051 : vector<16xf32> to vector<16xi32>
      %and3A_1053 = arith.constant -64 : i32
      %and3A_1054 = vector.broadcast %and3A_1053 : i32 to vector<16xi32>
      %and3A_1055 = arith.andi %bitcast3A_1052, %and3A_1054 : vector<16xi32>
      %or3A_1056 = arith.constant 26 : i32
      %or3A_1057 = vector.broadcast %or3A_1056 : i32 to vector<16xi32>
      %or3A_1058 = arith.ori %and3A_1055, %or3A_1057 : vector<16xi32>
      %max3A_1059 = arith.maxsi %max3A_1032, %or3A_1058 : vector<16xi32>
      %min3A_1060 = arith.minsi %max3A_1032, %or3A_1058 : vector<16xi32>
      %max3A_1061 = arith.maxsi %max3A_1034, %min3A_1060 : vector<16xi32>
      %min3A_1062 = arith.minsi %max3A_1034, %min3A_1060 : vector<16xi32>
      %max3A_1063 = arith.maxsi %max3A_1036, %min3A_1062 : vector<16xi32>
      %min3A_1064 = arith.minsi %max3A_1036, %min3A_1062 : vector<16xi32>
      %max3A_1065 = arith.maxsi %max3A_1038, %min3A_1064 : vector<16xi32>
      %min3A_1066 = arith.minsi %max3A_1038, %min3A_1064 : vector<16xi32>
      %max3A_1067 = arith.maxsi %max3A_1040, %min3A_1066 : vector<16xi32>
      %min3A_1068 = arith.minsi %max3A_1040, %min3A_1066 : vector<16xi32>
      %max3A_1069 = arith.maxsi %max3A_1042, %min3A_1068 : vector<16xi32>
      %min3A_1070 = arith.minsi %max3A_1042, %min3A_1068 : vector<16xi32>
      %max3A_1071 = arith.maxsi %max3A_1044, %min3A_1070 : vector<16xi32>
      %min3A_1072 = arith.minsi %max3A_1044, %min3A_1070 : vector<16xi32>
      %max3A_1073 = arith.maxsi %max3A_1046, %min3A_1072 : vector<16xi32>
      %min3A_1074 = arith.minsi %max3A_1046, %min3A_1072 : vector<16xi32>
      %get3A_1075 = arith.constant 38 : i32
      %get3A_1076 = arith.index_cast %get3A_1075 : i32 to index
      %get3A_1077 = arith.index_cast %mul3A_38 : i32 to index
      %get3A_1078 = tpu.vector_load %arg5[%get3A_1076, %get3A_1077] {strides = array<i32>} : memref<64x576xf32, #tpu.memory_space<vmem>>, vector<16xf32>,
      %bitcast3A_1079 = vector.bitcast %get3A_1078 : vector<16xf32> to vector<16xi32>
      %and3A_1080 = arith.constant -64 : i32
      %and3A_1081 = vector.broadcast %and3A_1080 : i32 to vector<16xi32>
      %and3A_1082 = arith.andi %bitcast3A_1079, %and3A_1081 : vector<16xi32>
      %or3A_1083 = arith.constant 25 : i32
      %or3A_1084 = vector.broadcast %or3A_1083 : i32 to vector<16xi32>
      %or3A_1085 = arith.ori %and3A_1082, %or3A_1084 : vector<16xi32>
      %max3A_1086 = arith.maxsi %max3A_1059, %or3A_1085 : vector<16xi32>
      %min3A_1087 = arith.minsi %max3A_1059, %or3A_1085 : vector<16xi32>
      %max3A_1088 = arith.maxsi %max3A_1061, %min3A_1087 : vector<16xi32>
      %min3A_1089 = arith.minsi %max3A_1061, %min3A_1087 : vector<16xi32>
      %max3A_1090 = arith.maxsi %max3A_1063, %min3A_1089 : vector<16xi32>
      %min3A_1091 = arith.minsi %max3A_1063, %min3A_1089 : vector<16xi32>
      %max3A_1092 = arith.maxsi %max3A_1065, %min3A_1091 : vector<16xi32>
      %min3A_1093 = arith.minsi %max3A_1065, %min3A_1091 : vector<16xi32>
      %max3A_1094 = arith.maxsi %max3A_1067, %min3A_1093 : vector<16xi32>
      %min3A_1095 = arith.minsi %max3A_1067, %min3A_1093 : vector<16xi32>
      %max3A_1096 = arith.maxsi %max3A_1069, %min3A_1095 : vector<16xi32>
      %min3A_1097 = arith.minsi %max3A_1069, %min3A_1095 : vector<16xi32>
      %max3A_1098 = arith.maxsi %max3A_1071, %min3A_1097 : vector<16xi32>
      %min3A_1099 = arith.minsi %max3A_1071, %min3A_1097 : vector<16xi32>
      %max3A_1100 = arith.maxsi %max3A_1073, %min3A_1099 : vector<16xi32>
      %min3A_1101 = arith.minsi %max3A_1073, %min3A_1099 : vector<16xi32>
      %get3A_1102 = arith.constant 39 : i32
      %get3A_1103 = arith.index_cast %get3A_1102 : i32 to index
      %get3A_1104 = arith.index_cast %mul3A_38 : i32 to index
      %get3A_1105 = tpu.vector_load %arg5[%get3A_1103, %get3A_1104] {strides = array<i32>} : memref<64x576xf32, #tpu.memory_space<vmem>>, vector<16xf32>,
      %bitcast3A_1106 = vector.bitcast %get3A_1105 : vector<16xf32> to vector<16xi32>
      %and3A_1107 = arith.constant -64 : i32
      %and3A_1108 = vector.broadcast %and3A_1107 : i32 to vector<16xi32>
      %and3A_1109 = arith.andi %bitcast3A_1106, %and3A_1108 : vector<16xi32>
      %or3A_1110 = arith.constant 24 : i32
      %or3A_1111 = vector.broadcast %or3A_1110 : i32 to vector<16xi32>
      %or3A_1112 = arith.ori %and3A_1109, %or3A_1111 : vector<16xi32>
      %max3A_1113 = arith.maxsi %max3A_1086, %or3A_1112 : vector<16xi32>
      %min3A_1114 = arith.minsi %max3A_1086, %or3A_1112 : vector<16xi32>
      %max3A_1115 = arith.maxsi %max3A_1088, %min3A_1114 : vector<16xi32>
      %min3A_1116 = arith.minsi %max3A_1088, %min3A_1114 : vector<16xi32>
      %max3A_1117 = arith.maxsi %max3A_1090, %min3A_1116 : vector<16xi32>
      %min3A_1118 = arith.minsi %max3A_1090, %min3A_1116 : vector<16xi32>
      %max3A_1119 = arith.maxsi %max3A_1092, %min3A_1118 : vector<16xi32>
      %min3A_1120 = arith.minsi %max3A_1092, %min3A_1118 : vector<16xi32>
      %max3A_1121 = arith.maxsi %max3A_1094, %min3A_1120 : vector<16xi32>
      %min3A_1122 = arith.minsi %max3A_1094, %min3A_1120 : vector<16xi32>
      %max3A_1123 = arith.maxsi %max3A_1096, %min3A_1122 : vector<16xi32>
      %min3A_1124 = arith.minsi %max3A_1096, %min3A_1122 : vector<16xi32>
      %max3A_1125 = arith.maxsi %max3A_1098, %min3A_1124 : vector<16xi32>
      %min3A_1126 = arith.minsi %max3A_1098, %min3A_1124 : vector<16xi32>
      %max3A_1127 = arith.maxsi %max3A_1100, %min3A_1126 : vector<16xi32>
      %min3A_1128 = arith.minsi %max3A_1100, %min3A_1126 : vector<16xi32>
      %get3A_1129 = arith.constant 40 : i32
      %get3A_1130 = arith.index_cast %get3A_1129 : i32 to index
      %get3A_1131 = arith.index_cast %mul3A_38 : i32 to index
      %get3A_1132 = tpu.vector_load %arg5[%get3A_1130, %get3A_1131] {strides = array<i32>} : memref<64x576xf32, #tpu.memory_space<vmem>>, vector<16xf32>,
      %bitcast3A_1133 = vector.bitcast %get3A_1132 : vector<16xf32> to vector<16xi32>
      %and3A_1134 = arith.constant -64 : i32
      %and3A_1135 = vector.broadcast %and3A_1134 : i32 to vector<16xi32>
      %and3A_1136 = arith.andi %bitcast3A_1133, %and3A_1135 : vector<16xi32>
      %or3A_1137 = arith.constant 23 : i32
      %or3A_1138 = vector.broadcast %or3A_1137 : i32 to vector<16xi32>
      %or3A_1139 = arith.ori %and3A_1136, %or3A_1138 : vector<16xi32>
      %max3A_1140 = arith.maxsi %max3A_1113, %or3A_1139 : vector<16xi32>
      %min3A_1141 = arith.minsi %max3A_1113, %or3A_1139 : vector<16xi32>
      %max3A_1142 = arith.maxsi %max3A_1115, %min3A_1141 : vector<16xi32>
      %min3A_1143 = arith.minsi %max3A_1115, %min3A_1141 : vector<16xi32>
      %max3A_1144 = arith.maxsi %max3A_1117, %min3A_1143 : vector<16xi32>
      %min3A_1145 = arith.minsi %max3A_1117, %min3A_1143 : vector<16xi32>
      %max3A_1146 = arith.maxsi %max3A_1119, %min3A_1145 : vector<16xi32>
      %min3A_1147 = arith.minsi %max3A_1119, %min3A_1145 : vector<16xi32>
      %max3A_1148 = arith.maxsi %max3A_1121, %min3A_1147 : vector<16xi32>
      %min3A_1149 = arith.minsi %max3A_1121, %min3A_1147 : vector<16xi32>
      %max3A_1150 = arith.maxsi %max3A_1123, %min3A_1149 : vector<16xi32>
      %min3A_1151 = arith.minsi %max3A_1123, %min3A_1149 : vector<16xi32>
      %max3A_1152 = arith.maxsi %max3A_1125, %min3A_1151 : vector<16xi32>
      %min3A_1153 = arith.minsi %max3A_1125, %min3A_1151 : vector<16xi32>
      %max3A_1154 = arith.maxsi %max3A_1127, %min3A_1153 : vector<16xi32>
      %min3A_1155 = arith.minsi %max3A_1127, %min3A_1153 : vector<16xi32>
      %get3A_1156 = arith.constant 41 : i32
      %get3A_1157 = arith.index_cast %get3A_1156 : i32 to index
      %get3A_1158 = arith.index_cast %mul3A_38 : i32 to index
      %get3A_1159 = tpu.vector_load %arg5[%get3A_1157, %get3A_1158] {strides = array<i32>} : memref<64x576xf32, #tpu.memory_space<vmem>>, vector<16xf32>,
      %bitcast3A_1160 = vector.bitcast %get3A_1159 : vector<16xf32> to vector<16xi32>
      %and3A_1161 = arith.constant -64 : i32
      %and3A_1162 = vector.broadcast %and3A_1161 : i32 to vector<16xi32>
      %and3A_1163 = arith.andi %bitcast3A_1160, %and3A_1162 : vector<16xi32>
      %or3A_1164 = arith.constant 22 : i32
      %or3A_1165 = vector.broadcast %or3A_1164 : i32 to vector<16xi32>
      %or3A_1166 = arith.ori %and3A_1163, %or3A_1165 : vector<16xi32>
      %max3A_1167 = arith.maxsi %max3A_1140, %or3A_1166 : vector<16xi32>
      %min3A_1168 = arith.minsi %max3A_1140, %or3A_1166 : vector<16xi32>
      %max3A_1169 = arith.maxsi %max3A_1142, %min3A_1168 : vector<16xi32>
      %min3A_1170 = arith.minsi %max3A_1142, %min3A_1168 : vector<16xi32>
      %max3A_1171 = arith.maxsi %max3A_1144, %min3A_1170 : vector<16xi32>
      %min3A_1172 = arith.minsi %max3A_1144, %min3A_1170 : vector<16xi32>
      %max3A_1173 = arith.maxsi %max3A_1146, %min3A_1172 : vector<16xi32>
      %min3A_1174 = arith.minsi %max3A_1146, %min3A_1172 : vector<16xi32>
      %max3A_1175 = arith.maxsi %max3A_1148, %min3A_1174 : vector<16xi32>
      %min3A_1176 = arith.minsi %max3A_1148, %min3A_1174 : vector<16xi32>
      %max3A_1177 = arith.maxsi %max3A_1150, %min3A_1176 : vector<16xi32>
      %min3A_1178 = arith.minsi %max3A_1150, %min3A_1176 : vector<16xi32>
      %max3A_1179 = arith.maxsi %max3A_1152, %min3A_1178 : vector<16xi32>
      %min3A_1180 = arith.minsi %max3A_1152, %min3A_1178 : vector<16xi32>
      %max3A_1181 = arith.maxsi %max3A_1154, %min3A_1180 : vector<16xi32>
      %min3A_1182 = arith.minsi %max3A_1154, %min3A_1180 : vector<16xi32>
      %get3A_1183 = arith.constant 42 : i32
      %get3A_1184 = arith.index_cast %get3A_1183 : i32 to index
      %get3A_1185 = arith.index_cast %mul3A_38 : i32 to index
      %get3A_1186 = tpu.vector_load %arg5[%get3A_1184, %get3A_1185] {strides = array<i32>} : memref<64x576xf32, #tpu.memory_space<vmem>>, vector<16xf32>,
      %bitcast3A_1187 = vector.bitcast %get3A_1186 : vector<16xf32> to vector<16xi32>
      %and3A_1188 = arith.constant -64 : i32
      %and3A_1189 = vector.broadcast %and3A_1188 : i32 to vector<16xi32>
      %and3A_1190 = arith.andi %bitcast3A_1187, %and3A_1189 : vector<16xi32>
      %or3A_1191 = arith.constant 21 : i32
      %or3A_1192 = vector.broadcast %or3A_1191 : i32 to vector<16xi32>
      %or3A_1193 = arith.ori %and3A_1190, %or3A_1192 : vector<16xi32>
      %max3A_1194 = arith.maxsi %max3A_1167, %or3A_1193 : vector<16xi32>
      %min3A_1195 = arith.minsi %max3A_1167, %or3A_1193 : vector<16xi32>
      %max3A_1196 = arith.maxsi %max3A_1169, %min3A_1195 : vector<16xi32>
      %min3A_1197 = arith.minsi %max3A_1169, %min3A_1195 : vector<16xi32>
      %max3A_1198 = arith.maxsi %max3A_1171, %min3A_1197 : vector<16xi32>
      %min3A_1199 = arith.minsi %max3A_1171, %min3A_1197 : vector<16xi32>
      %max3A_1200 = arith.maxsi %max3A_1173, %min3A_1199 : vector<16xi32>
      %min3A_1201 = arith.minsi %max3A_1173, %min3A_1199 : vector<16xi32>
      %max3A_1202 = arith.maxsi %max3A_1175, %min3A_1201 : vector<16xi32>
      %min3A_1203 = arith.minsi %max3A_1175, %min3A_1201 : vector<16xi32>
      %max3A_1204 = arith.maxsi %max3A_1177, %min3A_1203 : vector<16xi32>
      %min3A_1205 = arith.minsi %max3A_1177, %min3A_1203 : vector<16xi32>
      %max3A_1206 = arith.maxsi %max3A_1179, %min3A_1205 : vector<16xi32>
      %min3A_1207 = arith.minsi %max3A_1179, %min3A_1205 : vector<16xi32>
      %max3A_1208 = arith.maxsi %max3A_1181, %min3A_1207 : vector<16xi32>
      %min3A_1209 = arith.minsi %max3A_1181, %min3A_1207 : vector<16xi32>
      %get3A_1210 = arith.constant 43 : i32
      %get3A_1211 = arith.index_cast %get3A_1210 : i32 to index
      %get3A_1212 = arith.index_cast %mul3A_38 : i32 to index
      %get3A_1213 = tpu.vector_load %arg5[%get3A_1211, %get3A_1212] {strides = array<i32>} : memref<64x576xf32, #tpu.memory_space<vmem>>, vector<16xf32>,
      %bitcast3A_1214 = vector.bitcast %get3A_1213 : vector<16xf32> to vector<16xi32>
      %and3A_1215 = arith.constant -64 : i32
      %and3A_1216 = vector.broadcast %and3A_1215 : i32 to vector<16xi32>
      %and3A_1217 = arith.andi %bitcast3A_1214, %and3A_1216 : vector<16xi32>
      %or3A_1218 = arith.constant 20 : i32
      %or3A_1219 = vector.broadcast %or3A_1218 : i32 to vector<16xi32>
      %or3A_1220 = arith.ori %and3A_1217, %or3A_1219 : vector<16xi32>
      %max3A_1221 = arith.maxsi %max3A_1194, %or3A_1220 : vector<16xi32>
      %min3A_1222 = arith.minsi %max3A_1194, %or3A_1220 : vector<16xi32>
      %max3A_1223 = arith.maxsi %max3A_1196, %min3A_1222 : vector<16xi32>
      %min3A_1224 = arith.minsi %max3A_1196, %min3A_1222 : vector<16xi32>
      %max3A_1225 = arith.maxsi %max3A_1198, %min3A_1224 : vector<16xi32>
      %min3A_1226 = arith.minsi %max3A_1198, %min3A_1224 : vector<16xi32>
      %max3A_1227 = arith.maxsi %max3A_1200, %min3A_1226 : vector<16xi32>
      %min3A_1228 = arith.minsi %max3A_1200, %min3A_1226 : vector<16xi32>
      %max3A_1229 = arith.maxsi %max3A_1202, %min3A_1228 : vector<16xi32>
      %min3A_1230 = arith.minsi %max3A_1202, %min3A_1228 : vector<16xi32>
      %max3A_1231 = arith.maxsi %max3A_1204, %min3A_1230 : vector<16xi32>
      %min3A_1232 = arith.minsi %max3A_1204, %min3A_1230 : vector<16xi32>
      %max3A_1233 = arith.maxsi %max3A_1206, %min3A_1232 : vector<16xi32>
      %min3A_1234 = arith.minsi %max3A_1206, %min3A_1232 : vector<16xi32>
      %max3A_1235 = arith.maxsi %max3A_1208, %min3A_1234 : vector<16xi32>
      %min3A_1236 = arith.minsi %max3A_1208, %min3A_1234 : vector<16xi32>
      %get3A_1237 = arith.constant 44 : i32
      %get3A_1238 = arith.index_cast %get3A_1237 : i32 to index
      %get3A_1239 = arith.index_cast %mul3A_38 : i32 to index
      %get3A_1240 = tpu.vector_load %arg5[%get3A_1238, %get3A_1239] {strides = array<i32>} : memref<64x576xf32, #tpu.memory_space<vmem>>, vector<16xf32>,
      %bitcast3A_1241 = vector.bitcast %get3A_1240 : vector<16xf32> to vector<16xi32>
      %and3A_1242 = arith.constant -64 : i32
      %and3A_1243 = vector.broadcast %and3A_1242 : i32 to vector<16xi32>
      %and3A_1244 = arith.andi %bitcast3A_1241, %and3A_1243 : vector<16xi32>
      %or3A_1245 = arith.constant 19 : i32
      %or3A_1246 = vector.broadcast %or3A_1245 : i32 to vector<16xi32>
      %or3A_1247 = arith.ori %and3A_1244, %or3A_1246 : vector<16xi32>
      %max3A_1248 = arith.maxsi %max3A_1221, %or3A_1247 : vector<16xi32>
      %min3A_1249 = arith.minsi %max3A_1221, %or3A_1247 : vector<16xi32>
      %max3A_1250 = arith.maxsi %max3A_1223, %min3A_1249 : vector<16xi32>
      %min3A_1251 = arith.minsi %max3A_1223, %min3A_1249 : vector<16xi32>
      %max3A_1252 = arith.maxsi %max3A_1225, %min3A_1251 : vector<16xi32>
      %min3A_1253 = arith.minsi %max3A_1225, %min3A_1251 : vector<16xi32>
      %max3A_1254 = arith.maxsi %max3A_1227, %min3A_1253 : vector<16xi32>
      %min3A_1255 = arith.minsi %max3A_1227, %min3A_1253 : vector<16xi32>
      %max3A_1256 = arith.maxsi %max3A_1229, %min3A_1255 : vector<16xi32>
      %min3A_1257 = arith.minsi %max3A_1229, %min3A_1255 : vector<16xi32>
      %max3A_1258 = arith.maxsi %max3A_1231, %min3A_1257 : vector<16xi32>
      %min3A_1259 = arith.minsi %max3A_1231, %min3A_1257 : vector<16xi32>
      %max3A_1260 = arith.maxsi %max3A_1233, %min3A_1259 : vector<16xi32>
      %min3A_1261 = arith.minsi %max3A_1233, %min3A_1259 : vector<16xi32>
      %max3A_1262 = arith.maxsi %max3A_1235, %min3A_1261 : vector<16xi32>
      %min3A_1263 = arith.minsi %max3A_1235, %min3A_1261 : vector<16xi32>
      %get3A_1264 = arith.constant 45 : i32
      %get3A_1265 = arith.index_cast %get3A_1264 : i32 to index
      %get3A_1266 = arith.index_cast %mul3A_38 : i32 to index
      %get3A_1267 = tpu.vector_load %arg5[%get3A_1265, %get3A_1266] {strides = array<i32>} : memref<64x576xf32, #tpu.memory_space<vmem>>, vector<16xf32>,
      %bitcast3A_1268 = vector.bitcast %get3A_1267 : vector<16xf32> to vector<16xi32>
      %and3A_1269 = arith.constant -64 : i32
      %and3A_1270 = vector.broadcast %and3A_1269 : i32 to vector<16xi32>
      %and3A_1271 = arith.andi %bitcast3A_1268, %and3A_1270 : vector<16xi32>
      %or3A_1272 = arith.constant 18 : i32
      %or3A_1273 = vector.broadcast %or3A_1272 : i32 to vector<16xi32>
      %or3A_1274 = arith.ori %and3A_1271, %or3A_1273 : vector<16xi32>
      %max3A_1275 = arith.maxsi %max3A_1248, %or3A_1274 : vector<16xi32>
      %min3A_1276 = arith.minsi %max3A_1248, %or3A_1274 : vector<16xi32>
      %max3A_1277 = arith.maxsi %max3A_1250, %min3A_1276 : vector<16xi32>
      %min3A_1278 = arith.minsi %max3A_1250, %min3A_1276 : vector<16xi32>
      %max3A_1279 = arith.maxsi %max3A_1252, %min3A_1278 : vector<16xi32>
      %min3A_1280 = arith.minsi %max3A_1252, %min3A_1278 : vector<16xi32>
      %max3A_1281 = arith.maxsi %max3A_1254, %min3A_1280 : vector<16xi32>
      %min3A_1282 = arith.minsi %max3A_1254, %min3A_1280 : vector<16xi32>
      %max3A_1283 = arith.maxsi %max3A_1256, %min3A_1282 : vector<16xi32>
      %min3A_1284 = arith.minsi %max3A_1256, %min3A_1282 : vector<16xi32>
      %max3A_1285 = arith.maxsi %max3A_1258, %min3A_1284 : vector<16xi32>
      %min3A_1286 = arith.minsi %max3A_1258, %min3A_1284 : vector<16xi32>
      %max3A_1287 = arith.maxsi %max3A_1260, %min3A_1286 : vector<16xi32>
      %min3A_1288 = arith.minsi %max3A_1260, %min3A_1286 : vector<16xi32>
      %max3A_1289 = arith.maxsi %max3A_1262, %min3A_1288 : vector<16xi32>
      %min3A_1290 = arith.minsi %max3A_1262, %min3A_1288 : vector<16xi32>
      %get3A_1291 = arith.constant 46 : i32
      %get3A_1292 = arith.index_cast %get3A_1291 : i32 to index
      %get3A_1293 = arith.index_cast %mul3A_38 : i32 to index
      %get3A_1294 = tpu.vector_load %arg5[%get3A_1292, %get3A_1293] {strides = array<i32>} : memref<64x576xf32, #tpu.memory_space<vmem>>, vector<16xf32>,
      %bitcast3A_1295 = vector.bitcast %get3A_1294 : vector<16xf32> to vector<16xi32>
      %and3A_1296 = arith.constant -64 : i32
      %and3A_1297 = vector.broadcast %and3A_1296 : i32 to vector<16xi32>
      %and3A_1298 = arith.andi %bitcast3A_1295, %and3A_1297 : vector<16xi32>
      %or3A_1299 = arith.constant 17 : i32
      %or3A_1300 = vector.broadcast %or3A_1299 : i32 to vector<16xi32>
      %or3A_1301 = arith.ori %and3A_1298, %or3A_1300 : vector<16xi32>
      %max3A_1302 = arith.maxsi %max3A_1275, %or3A_1301 : vector<16xi32>
      %min3A_1303 = arith.minsi %max3A_1275, %or3A_1301 : vector<16xi32>
      %max3A_1304 = arith.maxsi %max3A_1277, %min3A_1303 : vector<16xi32>
      %min3A_1305 = arith.minsi %max3A_1277, %min3A_1303 : vector<16xi32>
      %max3A_1306 = arith.maxsi %max3A_1279, %min3A_1305 : vector<16xi32>
      %min3A_1307 = arith.minsi %max3A_1279, %min3A_1305 : vector<16xi32>
      %max3A_1308 = arith.maxsi %max3A_1281, %min3A_1307 : vector<16xi32>
      %min3A_1309 = arith.minsi %max3A_1281, %min3A_1307 : vector<16xi32>
      %max3A_1310 = arith.maxsi %max3A_1283, %min3A_1309 : vector<16xi32>
      %min3A_1311 = arith.minsi %max3A_1283, %min3A_1309 : vector<16xi32>
      %max3A_1312 = arith.maxsi %max3A_1285, %min3A_1311 : vector<16xi32>
      %min3A_1313 = arith.minsi %max3A_1285, %min3A_1311 : vector<16xi32>
      %max3A_1314 = arith.maxsi %max3A_1287, %min3A_1313 : vector<16xi32>
      %min3A_1315 = arith.minsi %max3A_1287, %min3A_1313 : vector<16xi32>
      %max3A_1316 = arith.maxsi %max3A_1289, %min3A_1315 : vector<16xi32>
      %min3A_1317 = arith.minsi %max3A_1289, %min3A_1315 : vector<16xi32>
      %get3A_1318 = arith.constant 47 : i32
      %get3A_1319 = arith.index_cast %get3A_1318 : i32 to index
      %get3A_1320 = arith.index_cast %mul3A_38 : i32 to index
      %get3A_1321 = tpu.vector_load %arg5[%get3A_1319, %get3A_1320] {strides = array<i32>} : memref<64x576xf32, #tpu.memory_space<vmem>>, vector<16xf32>,
      %bitcast3A_1322 = vector.bitcast %get3A_1321 : vector<16xf32> to vector<16xi32>
      %and3A_1323 = arith.constant -64 : i32
      %and3A_1324 = vector.broadcast %and3A_1323 : i32 to vector<16xi32>
      %and3A_1325 = arith.andi %bitcast3A_1322, %and3A_1324 : vector<16xi32>
      %or3A_1326 = arith.constant 16 : i32
      %or3A_1327 = vector.broadcast %or3A_1326 : i32 to vector<16xi32>
      %or3A_1328 = arith.ori %and3A_1325, %or3A_1327 : vector<16xi32>
      %max3A_1329 = arith.maxsi %max3A_1302, %or3A_1328 : vector<16xi32>
      %min3A_1330 = arith.minsi %max3A_1302, %or3A_1328 : vector<16xi32>
      %max3A_1331 = arith.maxsi %max3A_1304, %min3A_1330 : vector<16xi32>
      %min3A_1332 = arith.minsi %max3A_1304, %min3A_1330 : vector<16xi32>
      %max3A_1333 = arith.maxsi %max3A_1306, %min3A_1332 : vector<16xi32>
      %min3A_1334 = arith.minsi %max3A_1306, %min3A_1332 : vector<16xi32>
      %max3A_1335 = arith.maxsi %max3A_1308, %min3A_1334 : vector<16xi32>
      %min3A_1336 = arith.minsi %max3A_1308, %min3A_1334 : vector<16xi32>
      %max3A_1337 = arith.maxsi %max3A_1310, %min3A_1336 : vector<16xi32>
      %min3A_1338 = arith.minsi %max3A_1310, %min3A_1336 : vector<16xi32>
      %max3A_1339 = arith.maxsi %max3A_1312, %min3A_1338 : vector<16xi32>
      %min3A_1340 = arith.minsi %max3A_1312, %min3A_1338 : vector<16xi32>
      %max3A_1341 = arith.maxsi %max3A_1314, %min3A_1340 : vector<16xi32>
      %min3A_1342 = arith.minsi %max3A_1314, %min3A_1340 : vector<16xi32>
      %max3A_1343 = arith.maxsi %max3A_1316, %min3A_1342 : vector<16xi32>
      %min3A_1344 = arith.minsi %max3A_1316, %min3A_1342 : vector<16xi32>
      %get3A_1345 = arith.constant 48 : i32
      %get3A_1346 = arith.index_cast %get3A_1345 : i32 to index
      %get3A_1347 = arith.index_cast %mul3A_38 : i32 to index
      %get3A_1348 = tpu.vector_load %arg5[%get3A_1346, %get3A_1347] {strides = array<i32>} : memref<64x576xf32, #tpu.memory_space<vmem>>, vector<16xf32>,
      %bitcast3A_1349 = vector.bitcast %get3A_1348 : vector<16xf32> to vector<16xi32>
      %and3A_1350 = arith.constant -64 : i32
      %and3A_1351 = vector.broadcast %and3A_1350 : i32 to vector<16xi32>
      %and3A_1352 = arith.andi %bitcast3A_1349, %and3A_1351 : vector<16xi32>
      %or3A_1353 = arith.constant 15 : i32
      %or3A_1354 = vector.broadcast %or3A_1353 : i32 to vector<16xi32>
      %or3A_1355 = arith.ori %and3A_1352, %or3A_1354 : vector<16xi32>
      %max3A_1356 = arith.maxsi %max3A_1329, %or3A_1355 : vector<16xi32>
      %min3A_1357 = arith.minsi %max3A_1329, %or3A_1355 : vector<16xi32>
      %max3A_1358 = arith.maxsi %max3A_1331, %min3A_1357 : vector<16xi32>
      %min3A_1359 = arith.minsi %max3A_1331, %min3A_1357 : vector<16xi32>
      %max3A_1360 = arith.maxsi %max3A_1333, %min3A_1359 : vector<16xi32>
      %min3A_1361 = arith.minsi %max3A_1333, %min3A_1359 : vector<16xi32>
      %max3A_1362 = arith.maxsi %max3A_1335, %min3A_1361 : vector<16xi32>
      %min3A_1363 = arith.minsi %max3A_1335, %min3A_1361 : vector<16xi32>
      %max3A_1364 = arith.maxsi %max3A_1337, %min3A_1363 : vector<16xi32>
      %min3A_1365 = arith.minsi %max3A_1337, %min3A_1363 : vector<16xi32>
      %max3A_1366 = arith.maxsi %max3A_1339, %min3A_1365 : vector<16xi32>
      %min3A_1367 = arith.minsi %max3A_1339, %min3A_1365 : vector<16xi32>
      %max3A_1368 = arith.maxsi %max3A_1341, %min3A_1367 : vector<16xi32>
      %min3A_1369 = arith.minsi %max3A_1341, %min3A_1367 : vector<16xi32>
      %max3A_1370 = arith.maxsi %max3A_1343, %min3A_1369 : vector<16xi32>
      %min3A_1371 = arith.minsi %max3A_1343, %min3A_1369 : vector<16xi32>
      %get3A_1372 = arith.constant 49 : i32
      %get3A_1373 = arith.index_cast %get3A_1372 : i32 to index
      %get3A_1374 = arith.index_cast %mul3A_38 : i32 to index
      %get3A_1375 = tpu.vector_load %arg5[%get3A_1373, %get3A_1374] {strides = array<i32>} : memref<64x576xf32, #tpu.memory_space<vmem>>, vector<16xf32>,
      %bitcast3A_1376 = vector.bitcast %get3A_1375 : vector<16xf32> to vector<16xi32>
      %and3A_1377 = arith.constant -64 : i32
      %and3A_1378 = vector.broadcast %and3A_1377 : i32 to vector<16xi32>
      %and3A_1379 = arith.andi %bitcast3A_1376, %and3A_1378 : vector<16xi32>
      %or3A_1380 = arith.constant 14 : i32
      %or3A_1381 = vector.broadcast %or3A_1380 : i32 to vector<16xi32>
      %or3A_1382 = arith.ori %and3A_1379, %or3A_1381 : vector<16xi32>
      %max3A_1383 = arith.maxsi %max3A_1356, %or3A_1382 : vector<16xi32>
      %min3A_1384 = arith.minsi %max3A_1356, %or3A_1382 : vector<16xi32>
      %max3A_1385 = arith.maxsi %max3A_1358, %min3A_1384 : vector<16xi32>
      %min3A_1386 = arith.minsi %max3A_1358, %min3A_1384 : vector<16xi32>
      %max3A_1387 = arith.maxsi %max3A_1360, %min3A_1386 : vector<16xi32>
      %min3A_1388 = arith.minsi %max3A_1360, %min3A_1386 : vector<16xi32>
      %max3A_1389 = arith.maxsi %max3A_1362, %min3A_1388 : vector<16xi32>
      %min3A_1390 = arith.minsi %max3A_1362, %min3A_1388 : vector<16xi32>
      %max3A_1391 = arith.maxsi %max3A_1364, %min3A_1390 : vector<16xi32>
      %min3A_1392 = arith.minsi %max3A_1364, %min3A_1390 : vector<16xi32>
      %max3A_1393 = arith.maxsi %max3A_1366, %min3A_1392 : vector<16xi32>
      %min3A_1394 = arith.minsi %max3A_1366, %min3A_1392 : vector<16xi32>
      %max3A_1395 = arith.maxsi %max3A_1368, %min3A_1394 : vector<16xi32>
      %min3A_1396 = arith.minsi %max3A_1368, %min3A_1394 : vector<16xi32>
      %max3A_1397 = arith.maxsi %max3A_1370, %min3A_1396 : vector<16xi32>
      %min3A_1398 = arith.minsi %max3A_1370, %min3A_1396 : vector<16xi32>
      %get3A_1399 = arith.constant 50 : i32
      %get3A_1400 = arith.index_cast %get3A_1399 : i32 to index
      %get3A_1401 = arith.index_cast %mul3A_38 : i32 to index
      %get3A_1402 = tpu.vector_load %arg5[%get3A_1400, %get3A_1401] {strides = array<i32>} : memref<64x576xf32, #tpu.memory_space<vmem>>, vector<16xf32>,
      %bitcast3A_1403 = vector.bitcast %get3A_1402 : vector<16xf32> to vector<16xi32>
      %and3A_1404 = arith.constant -64 : i32
      %and3A_1405 = vector.broadcast %and3A_1404 : i32 to vector<16xi32>
      %and3A_1406 = arith.andi %bitcast3A_1403, %and3A_1405 : vector<16xi32>
      %or3A_1407 = arith.constant 13 : i32
      %or3A_1408 = vector.broadcast %or3A_1407 : i32 to vector<16xi32>
      %or3A_1409 = arith.ori %and3A_1406, %or3A_1408 : vector<16xi32>
      %max3A_1410 = arith.maxsi %max3A_1383, %or3A_1409 : vector<16xi32>
      %min3A_1411 = arith.minsi %max3A_1383, %or3A_1409 : vector<16xi32>
      %max3A_1412 = arith.maxsi %max3A_1385, %min3A_1411 : vector<16xi32>
      %min3A_1413 = arith.minsi %max3A_1385, %min3A_1411 : vector<16xi32>
      %max3A_1414 = arith.maxsi %max3A_1387, %min3A_1413 : vector<16xi32>
      %min3A_1415 = arith.minsi %max3A_1387, %min3A_1413 : vector<16xi32>
      %max3A_1416 = arith.maxsi %max3A_1389, %min3A_1415 : vector<16xi32>
      %min3A_1417 = arith.minsi %max3A_1389, %min3A_1415 : vector<16xi32>
      %max3A_1418 = arith.maxsi %max3A_1391, %min3A_1417 : vector<16xi32>
      %min3A_1419 = arith.minsi %max3A_1391, %min3A_1417 : vector<16xi32>
      %max3A_1420 = arith.maxsi %max3A_1393, %min3A_1419 : vector<16xi32>
      %min3A_1421 = arith.minsi %max3A_1393, %min3A_1419 : vector<16xi32>
      %max3A_1422 = arith.maxsi %max3A_1395, %min3A_1421 : vector<16xi32>
      %min3A_1423 = arith.minsi %max3A_1395, %min3A_1421 : vector<16xi32>
      %max3A_1424 = arith.maxsi %max3A_1397, %min3A_1423 : vector<16xi32>
      %min3A_1425 = arith.minsi %max3A_1397, %min3A_1423 : vector<16xi32>
      %get3A_1426 = arith.constant 51 : i32
      %get3A_1427 = arith.index_cast %get3A_1426 : i32 to index
      %get3A_1428 = arith.index_cast %mul3A_38 : i32 to index
      %get3A_1429 = tpu.vector_load %arg5[%get3A_1427, %get3A_1428] {strides = array<i32>} : memref<64x576xf32, #tpu.memory_space<vmem>>, vector<16xf32>,
      %bitcast3A_1430 = vector.bitcast %get3A_1429 : vector<16xf32> to vector<16xi32>
      %and3A_1431 = arith.constant -64 : i32
      %and3A_1432 = vector.broadcast %and3A_1431 : i32 to vector<16xi32>
      %and3A_1433 = arith.andi %bitcast3A_1430, %and3A_1432 : vector<16xi32>
      %or3A_1434 = arith.constant 12 : i32
      %or3A_1435 = vector.broadcast %or3A_1434 : i32 to vector<16xi32>
      %or3A_1436 = arith.ori %and3A_1433, %or3A_1435 : vector<16xi32>
      %max3A_1437 = arith.maxsi %max3A_1410, %or3A_1436 : vector<16xi32>
      %min3A_1438 = arith.minsi %max3A_1410, %or3A_1436 : vector<16xi32>
      %max3A_1439 = arith.maxsi %max3A_1412, %min3A_1438 : vector<16xi32>
      %min3A_1440 = arith.minsi %max3A_1412, %min3A_1438 : vector<16xi32>
      %max3A_1441 = arith.maxsi %max3A_1414, %min3A_1440 : vector<16xi32>
      %min3A_1442 = arith.minsi %max3A_1414, %min3A_1440 : vector<16xi32>
      %max3A_1443 = arith.maxsi %max3A_1416, %min3A_1442 : vector<16xi32>
      %min3A_1444 = arith.minsi %max3A_1416, %min3A_1442 : vector<16xi32>
      %max3A_1445 = arith.maxsi %max3A_1418, %min3A_1444 : vector<16xi32>
      %min3A_1446 = arith.minsi %max3A_1418, %min3A_1444 : vector<16xi32>
      %max3A_1447 = arith.maxsi %max3A_1420, %min3A_1446 : vector<16xi32>
      %min3A_1448 = arith.minsi %max3A_1420, %min3A_1446 : vector<16xi32>
      %max3A_1449 = arith.maxsi %max3A_1422, %min3A_1448 : vector<16xi32>
      %min3A_1450 = arith.minsi %max3A_1422, %min3A_1448 : vector<16xi32>
      %max3A_1451 = arith.maxsi %max3A_1424, %min3A_1450 : vector<16xi32>
      %min3A_1452 = arith.minsi %max3A_1424, %min3A_1450 : vector<16xi32>
      %get3A_1453 = arith.constant 52 : i32
      %get3A_1454 = arith.index_cast %get3A_1453 : i32 to index
      %get3A_1455 = arith.index_cast %mul3A_38 : i32 to index
      %get3A_1456 = tpu.vector_load %arg5[%get3A_1454, %get3A_1455] {strides = array<i32>} : memref<64x576xf32, #tpu.memory_space<vmem>>, vector<16xf32>,
      %bitcast3A_1457 = vector.bitcast %get3A_1456 : vector<16xf32> to vector<16xi32>
      %and3A_1458 = arith.constant -64 : i32
      %and3A_1459 = vector.broadcast %and3A_1458 : i32 to vector<16xi32>
      %and3A_1460 = arith.andi %bitcast3A_1457, %and3A_1459 : vector<16xi32>
      %or3A_1461 = arith.constant 11 : i32
      %or3A_1462 = vector.broadcast %or3A_1461 : i32 to vector<16xi32>
      %or3A_1463 = arith.ori %and3A_1460, %or3A_1462 : vector<16xi32>
      %max3A_1464 = arith.maxsi %max3A_1437, %or3A_1463 : vector<16xi32>
      %min3A_1465 = arith.minsi %max3A_1437, %or3A_1463 : vector<16xi32>
      %max3A_1466 = arith.maxsi %max3A_1439, %min3A_1465 : vector<16xi32>
      %min3A_1467 = arith.minsi %max3A_1439, %min3A_1465 : vector<16xi32>
      %max3A_1468 = arith.maxsi %max3A_1441, %min3A_1467 : vector<16xi32>
      %min3A_1469 = arith.minsi %max3A_1441, %min3A_1467 : vector<16xi32>
      %max3A_1470 = arith.maxsi %max3A_1443, %min3A_1469 : vector<16xi32>
      %min3A_1471 = arith.minsi %max3A_1443, %min3A_1469 : vector<16xi32>
      %max3A_1472 = arith.maxsi %max3A_1445, %min3A_1471 : vector<16xi32>
      %min3A_1473 = arith.minsi %max3A_1445, %min3A_1471 : vector<16xi32>
      %max3A_1474 = arith.maxsi %max3A_1447, %min3A_1473 : vector<16xi32>
      %min3A_1475 = arith.minsi %max3A_1447, %min3A_1473 : vector<16xi32>
      %max3A_1476 = arith.maxsi %max3A_1449, %min3A_1475 : vector<16xi32>
      %min3A_1477 = arith.minsi %max3A_1449, %min3A_1475 : vector<16xi32>
      %max3A_1478 = arith.maxsi %max3A_1451, %min3A_1477 : vector<16xi32>
      %min3A_1479 = arith.minsi %max3A_1451, %min3A_1477 : vector<16xi32>
      %get3A_1480 = arith.constant 53 : i32
      %get3A_1481 = arith.index_cast %get3A_1480 : i32 to index
      %get3A_1482 = arith.index_cast %mul3A_38 : i32 to index
      %get3A_1483 = tpu.vector_load %arg5[%get3A_1481, %get3A_1482] {strides = array<i32>} : memref<64x576xf32, #tpu.memory_space<vmem>>, vector<16xf32>,
      %bitcast3A_1484 = vector.bitcast %get3A_1483 : vector<16xf32> to vector<16xi32>
      %and3A_1485 = arith.constant -64 : i32
      %and3A_1486 = vector.broadcast %and3A_1485 : i32 to vector<16xi32>
      %and3A_1487 = arith.andi %bitcast3A_1484, %and3A_1486 : vector<16xi32>
      %or3A_1488 = arith.constant 10 : i32
      %or3A_1489 = vector.broadcast %or3A_1488 : i32 to vector<16xi32>
      %or3A_1490 = arith.ori %and3A_1487, %or3A_1489 : vector<16xi32>
      %max3A_1491 = arith.maxsi %max3A_1464, %or3A_1490 : vector<16xi32>
      %min3A_1492 = arith.minsi %max3A_1464, %or3A_1490 : vector<16xi32>
      %max3A_1493 = arith.maxsi %max3A_1466, %min3A_1492 : vector<16xi32>
      %min3A_1494 = arith.minsi %max3A_1466, %min3A_1492 : vector<16xi32>
      %max3A_1495 = arith.maxsi %max3A_1468, %min3A_1494 : vector<16xi32>
      %min3A_1496 = arith.minsi %max3A_1468, %min3A_1494 : vector<16xi32>
      %max3A_1497 = arith.maxsi %max3A_1470, %min3A_1496 : vector<16xi32>
      %min3A_1498 = arith.minsi %max3A_1470, %min3A_1496 : vector<16xi32>
      %max3A_1499 = arith.maxsi %max3A_1472, %min3A_1498 : vector<16xi32>
      %min3A_1500 = arith.minsi %max3A_1472, %min3A_1498 : vector<16xi32>
      %max3A_1501 = arith.maxsi %max3A_1474, %min3A_1500 : vector<16xi32>
      %min3A_1502 = arith.minsi %max3A_1474, %min3A_1500 : vector<16xi32>
      %max3A_1503 = arith.maxsi %max3A_1476, %min3A_1502 : vector<16xi32>
      %min3A_1504 = arith.minsi %max3A_1476, %min3A_1502 : vector<16xi32>
      %max3A_1505 = arith.maxsi %max3A_1478, %min3A_1504 : vector<16xi32>
      %min3A_1506 = arith.minsi %max3A_1478, %min3A_1504 : vector<16xi32>
      %get3A_1507 = arith.constant 54 : i32
      %get3A_1508 = arith.index_cast %get3A_1507 : i32 to index
      %get3A_1509 = arith.index_cast %mul3A_38 : i32 to index
      %get3A_1510 = tpu.vector_load %arg5[%get3A_1508, %get3A_1509] {strides = array<i32>} : memref<64x576xf32, #tpu.memory_space<vmem>>, vector<16xf32>,
      %bitcast3A_1511 = vector.bitcast %get3A_1510 : vector<16xf32> to vector<16xi32>
      %and3A_1512 = arith.constant -64 : i32
      %and3A_1513 = vector.broadcast %and3A_1512 : i32 to vector<16xi32>
      %and3A_1514 = arith.andi %bitcast3A_1511, %and3A_1513 : vector<16xi32>
      %or3A_1515 = arith.constant 9 : i32
      %or3A_1516 = vector.broadcast %or3A_1515 : i32 to vector<16xi32>
      %or3A_1517 = arith.ori %and3A_1514, %or3A_1516 : vector<16xi32>
      %max3A_1518 = arith.maxsi %max3A_1491, %or3A_1517 : vector<16xi32>
      %min3A_1519 = arith.minsi %max3A_1491, %or3A_1517 : vector<16xi32>
      %max3A_1520 = arith.maxsi %max3A_1493, %min3A_1519 : vector<16xi32>
      %min3A_1521 = arith.minsi %max3A_1493, %min3A_1519 : vector<16xi32>
      %max3A_1522 = arith.maxsi %max3A_1495, %min3A_1521 : vector<16xi32>
      %min3A_1523 = arith.minsi %max3A_1495, %min3A_1521 : vector<16xi32>
      %max3A_1524 = arith.maxsi %max3A_1497, %min3A_1523 : vector<16xi32>
      %min3A_1525 = arith.minsi %max3A_1497, %min3A_1523 : vector<16xi32>
      %max3A_1526 = arith.maxsi %max3A_1499, %min3A_1525 : vector<16xi32>
      %min3A_1527 = arith.minsi %max3A_1499, %min3A_1525 : vector<16xi32>
      %max3A_1528 = arith.maxsi %max3A_1501, %min3A_1527 : vector<16xi32>
      %min3A_1529 = arith.minsi %max3A_1501, %min3A_1527 : vector<16xi32>
      %max3A_1530 = arith.maxsi %max3A_1503, %min3A_1529 : vector<16xi32>
      %min3A_1531 = arith.minsi %max3A_1503, %min3A_1529 : vector<16xi32>
      %max3A_1532 = arith.maxsi %max3A_1505, %min3A_1531 : vector<16xi32>
      %min3A_1533 = arith.minsi %max3A_1505, %min3A_1531 : vector<16xi32>
      %get3A_1534 = arith.constant 55 : i32
      %get3A_1535 = arith.index_cast %get3A_1534 : i32 to index
      %get3A_1536 = arith.index_cast %mul3A_38 : i32 to index
      %get3A_1537 = tpu.vector_load %arg5[%get3A_1535, %get3A_1536] {strides = array<i32>} : memref<64x576xf32, #tpu.memory_space<vmem>>, vector<16xf32>,
      %bitcast3A_1538 = vector.bitcast %get3A_1537 : vector<16xf32> to vector<16xi32>
      %and3A_1539 = arith.constant -64 : i32
      %and3A_1540 = vector.broadcast %and3A_1539 : i32 to vector<16xi32>
      %and3A_1541 = arith.andi %bitcast3A_1538, %and3A_1540 : vector<16xi32>
      %or3A_1542 = arith.constant 8 : i32
      %or3A_1543 = vector.broadcast %or3A_1542 : i32 to vector<16xi32>
      %or3A_1544 = arith.ori %and3A_1541, %or3A_1543 : vector<16xi32>
      %max3A_1545 = arith.maxsi %max3A_1518, %or3A_1544 : vector<16xi32>
      %min3A_1546 = arith.minsi %max3A_1518, %or3A_1544 : vector<16xi32>
      %max3A_1547 = arith.maxsi %max3A_1520, %min3A_1546 : vector<16xi32>
      %min3A_1548 = arith.minsi %max3A_1520, %min3A_1546 : vector<16xi32>
      %max3A_1549 = arith.maxsi %max3A_1522, %min3A_1548 : vector<16xi32>
      %min3A_1550 = arith.minsi %max3A_1522, %min3A_1548 : vector<16xi32>
      %max3A_1551 = arith.maxsi %max3A_1524, %min3A_1550 : vector<16xi32>
      %min3A_1552 = arith.minsi %max3A_1524, %min3A_1550 : vector<16xi32>
      %max3A_1553 = arith.maxsi %max3A_1526, %min3A_1552 : vector<16xi32>
      %min3A_1554 = arith.minsi %max3A_1526, %min3A_1552 : vector<16xi32>
      %max3A_1555 = arith.maxsi %max3A_1528, %min3A_1554 : vector<16xi32>
      %min3A_1556 = arith.minsi %max3A_1528, %min3A_1554 : vector<16xi32>
      %max3A_1557 = arith.maxsi %max3A_1530, %min3A_1556 : vector<16xi32>
      %min3A_1558 = arith.minsi %max3A_1530, %min3A_1556 : vector<16xi32>
      %max3A_1559 = arith.maxsi %max3A_1532, %min3A_1558 : vector<16xi32>
      %min3A_1560 = arith.minsi %max3A_1532, %min3A_1558 : vector<16xi32>
      %get3A_1561 = arith.constant 56 : i32
      %get3A_1562 = arith.index_cast %get3A_1561 : i32 to index
      %get3A_1563 = arith.index_cast %mul3A_38 : i32 to index
      %get3A_1564 = tpu.vector_load %arg5[%get3A_1562, %get3A_1563] {strides = array<i32>} : memref<64x576xf32, #tpu.memory_space<vmem>>, vector<16xf32>,
      %bitcast3A_1565 = vector.bitcast %get3A_1564 : vector<16xf32> to vector<16xi32>
      %and3A_1566 = arith.constant -64 : i32
      %and3A_1567 = vector.broadcast %and3A_1566 : i32 to vector<16xi32>
      %and3A_1568 = arith.andi %bitcast3A_1565, %and3A_1567 : vector<16xi32>
      %or3A_1569 = arith.constant 7 : i32
      %or3A_1570 = vector.broadcast %or3A_1569 : i32 to vector<16xi32>
      %or3A_1571 = arith.ori %and3A_1568, %or3A_1570 : vector<16xi32>
      %max3A_1572 = arith.maxsi %max3A_1545, %or3A_1571 : vector<16xi32>
      %min3A_1573 = arith.minsi %max3A_1545, %or3A_1571 : vector<16xi32>
      %max3A_1574 = arith.maxsi %max3A_1547, %min3A_1573 : vector<16xi32>
      %min3A_1575 = arith.minsi %max3A_1547, %min3A_1573 : vector<16xi32>
      %max3A_1576 = arith.maxsi %max3A_1549, %min3A_1575 : vector<16xi32>
      %min3A_1577 = arith.minsi %max3A_1549, %min3A_1575 : vector<16xi32>
      %max3A_1578 = arith.maxsi %max3A_1551, %min3A_1577 : vector<16xi32>
      %min3A_1579 = arith.minsi %max3A_1551, %min3A_1577 : vector<16xi32>
      %max3A_1580 = arith.maxsi %max3A_1553, %min3A_1579 : vector<16xi32>
      %min3A_1581 = arith.minsi %max3A_1553, %min3A_1579 : vector<16xi32>
      %max3A_1582 = arith.maxsi %max3A_1555, %min3A_1581 : vector<16xi32>
      %min3A_1583 = arith.minsi %max3A_1555, %min3A_1581 : vector<16xi32>
      %max3A_1584 = arith.maxsi %max3A_1557, %min3A_1583 : vector<16xi32>
      %min3A_1585 = arith.minsi %max3A_1557, %min3A_1583 : vector<16xi32>
      %max3A_1586 = arith.maxsi %max3A_1559, %min3A_1585 : vector<16xi32>
      %min3A_1587 = arith.minsi %max3A_1559, %min3A_1585 : vector<16xi32>
      %get3A_1588 = arith.constant 57 : i32
      %get3A_1589 = arith.index_cast %get3A_1588 : i32 to index
      %get3A_1590 = arith.index_cast %mul3A_38 : i32 to index
      %get3A_1591 = tpu.vector_load %arg5[%get3A_1589, %get3A_1590] {strides = array<i32>} : memref<64x576xf32, #tpu.memory_space<vmem>>, vector<16xf32>,
      %bitcast3A_1592 = vector.bitcast %get3A_1591 : vector<16xf32> to vector<16xi32>
      %and3A_1593 = arith.constant -64 : i32
      %and3A_1594 = vector.broadcast %and3A_1593 : i32 to vector<16xi32>
      %and3A_1595 = arith.andi %bitcast3A_1592, %and3A_1594 : vector<16xi32>
      %or3A_1596 = arith.constant 6 : i32
      %or3A_1597 = vector.broadcast %or3A_1596 : i32 to vector<16xi32>
      %or3A_1598 = arith.ori %and3A_1595, %or3A_1597 : vector<16xi32>
      %max3A_1599 = arith.maxsi %max3A_1572, %or3A_1598 : vector<16xi32>
      %min3A_1600 = arith.minsi %max3A_1572, %or3A_1598 : vector<16xi32>
      %max3A_1601 = arith.maxsi %max3A_1574, %min3A_1600 : vector<16xi32>
      %min3A_1602 = arith.minsi %max3A_1574, %min3A_1600 : vector<16xi32>
      %max3A_1603 = arith.maxsi %max3A_1576, %min3A_1602 : vector<16xi32>
      %min3A_1604 = arith.minsi %max3A_1576, %min3A_1602 : vector<16xi32>
      %max3A_1605 = arith.maxsi %max3A_1578, %min3A_1604 : vector<16xi32>
      %min3A_1606 = arith.minsi %max3A_1578, %min3A_1604 : vector<16xi32>
      %max3A_1607 = arith.maxsi %max3A_1580, %min3A_1606 : vector<16xi32>
      %min3A_1608 = arith.minsi %max3A_1580, %min3A_1606 : vector<16xi32>
      %max3A_1609 = arith.maxsi %max3A_1582, %min3A_1608 : vector<16xi32>
      %min3A_1610 = arith.minsi %max3A_1582, %min3A_1608 : vector<16xi32>
      %max3A_1611 = arith.maxsi %max3A_1584, %min3A_1610 : vector<16xi32>
      %min3A_1612 = arith.minsi %max3A_1584, %min3A_1610 : vector<16xi32>
      %max3A_1613 = arith.maxsi %max3A_1586, %min3A_1612 : vector<16xi32>
      %min3A_1614 = arith.minsi %max3A_1586, %min3A_1612 : vector<16xi32>
      %get3A_1615 = arith.constant 58 : i32
      %get3A_1616 = arith.index_cast %get3A_1615 : i32 to index
      %get3A_1617 = arith.index_cast %mul3A_38 : i32 to index
      %get3A_1618 = tpu.vector_load %arg5[%get3A_1616, %get3A_1617] {strides = array<i32>} : memref<64x576xf32, #tpu.memory_space<vmem>>, vector<16xf32>,
      %bitcast3A_1619 = vector.bitcast %get3A_1618 : vector<16xf32> to vector<16xi32>
      %and3A_1620 = arith.constant -64 : i32
      %and3A_1621 = vector.broadcast %and3A_1620 : i32 to vector<16xi32>
      %and3A_1622 = arith.andi %bitcast3A_1619, %and3A_1621 : vector<16xi32>
      %or3A_1623 = arith.constant 5 : i32
      %or3A_1624 = vector.broadcast %or3A_1623 : i32 to vector<16xi32>
      %or3A_1625 = arith.ori %and3A_1622, %or3A_1624 : vector<16xi32>
      %max3A_1626 = arith.maxsi %max3A_1599, %or3A_1625 : vector<16xi32>
      %min3A_1627 = arith.minsi %max3A_1599, %or3A_1625 : vector<16xi32>
      %max3A_1628 = arith.maxsi %max3A_1601, %min3A_1627 : vector<16xi32>
      %min3A_1629 = arith.minsi %max3A_1601, %min3A_1627 : vector<16xi32>
      %max3A_1630 = arith.maxsi %max3A_1603, %min3A_1629 : vector<16xi32>
      %min3A_1631 = arith.minsi %max3A_1603, %min3A_1629 : vector<16xi32>
      %max3A_1632 = arith.maxsi %max3A_1605, %min3A_1631 : vector<16xi32>
      %min3A_1633 = arith.minsi %max3A_1605, %min3A_1631 : vector<16xi32>
      %max3A_1634 = arith.maxsi %max3A_1607, %min3A_1633 : vector<16xi32>
      %min3A_1635 = arith.minsi %max3A_1607, %min3A_1633 : vector<16xi32>
      %max3A_1636 = arith.maxsi %max3A_1609, %min3A_1635 : vector<16xi32>
      %min3A_1637 = arith.minsi %max3A_1609, %min3A_1635 : vector<16xi32>
      %max3A_1638 = arith.maxsi %max3A_1611, %min3A_1637 : vector<16xi32>
      %min3A_1639 = arith.minsi %max3A_1611, %min3A_1637 : vector<16xi32>
      %max3A_1640 = arith.maxsi %max3A_1613, %min3A_1639 : vector<16xi32>
      %min3A_1641 = arith.minsi %max3A_1613, %min3A_1639 : vector<16xi32>
      %get3A_1642 = arith.constant 59 : i32
      %get3A_1643 = arith.index_cast %get3A_1642 : i32 to index
      %get3A_1644 = arith.index_cast %mul3A_38 : i32 to index
      %get3A_1645 = tpu.vector_load %arg5[%get3A_1643, %get3A_1644] {strides = array<i32>} : memref<64x576xf32, #tpu.memory_space<vmem>>, vector<16xf32>,
      %bitcast3A_1646 = vector.bitcast %get3A_1645 : vector<16xf32> to vector<16xi32>
      %and3A_1647 = arith.constant -64 : i32
      %and3A_1648 = vector.broadcast %and3A_1647 : i32 to vector<16xi32>
      %and3A_1649 = arith.andi %bitcast3A_1646, %and3A_1648 : vector<16xi32>
      %or3A_1650 = arith.constant 4 : i32
      %or3A_1651 = vector.broadcast %or3A_1650 : i32 to vector<16xi32>
      %or3A_1652 = arith.ori %and3A_1649, %or3A_1651 : vector<16xi32>
      %max3A_1653 = arith.maxsi %max3A_1626, %or3A_1652 : vector<16xi32>
      %min3A_1654 = arith.minsi %max3A_1626, %or3A_1652 : vector<16xi32>
      %max3A_1655 = arith.maxsi %max3A_1628, %min3A_1654 : vector<16xi32>
      %min3A_1656 = arith.minsi %max3A_1628, %min3A_1654 : vector<16xi32>
      %max3A_1657 = arith.maxsi %max3A_1630, %min3A_1656 : vector<16xi32>
      %min3A_1658 = arith.minsi %max3A_1630, %min3A_1656 : vector<16xi32>
      %max3A_1659 = arith.maxsi %max3A_1632, %min3A_1658 : vector<16xi32>
      %min3A_1660 = arith.minsi %max3A_1632, %min3A_1658 : vector<16xi32>
      %max3A_1661 = arith.maxsi %max3A_1634, %min3A_1660 : vector<16xi32>
      %min3A_1662 = arith.minsi %max3A_1634, %min3A_1660 : vector<16xi32>
      %max3A_1663 = arith.maxsi %max3A_1636, %min3A_1662 : vector<16xi32>
      %min3A_1664 = arith.minsi %max3A_1636, %min3A_1662 : vector<16xi32>
      %max3A_1665 = arith.maxsi %max3A_1638, %min3A_1664 : vector<16xi32>
      %min3A_1666 = arith.minsi %max3A_1638, %min3A_1664 : vector<16xi32>
      %max3A_1667 = arith.maxsi %max3A_1640, %min3A_1666 : vector<16xi32>
      %min3A_1668 = arith.minsi %max3A_1640, %min3A_1666 : vector<16xi32>
      %get3A_1669 = arith.constant 60 : i32
      %get3A_1670 = arith.index_cast %get3A_1669 : i32 to index
      %get3A_1671 = arith.index_cast %mul3A_38 : i32 to index
      %get3A_1672 = tpu.vector_load %arg5[%get3A_1670, %get3A_1671] {strides = array<i32>} : memref<64x576xf32, #tpu.memory_space<vmem>>, vector<16xf32>,
      %bitcast3A_1673 = vector.bitcast %get3A_1672 : vector<16xf32> to vector<16xi32>
      %and3A_1674 = arith.constant -64 : i32
      %and3A_1675 = vector.broadcast %and3A_1674 : i32 to vector<16xi32>
      %and3A_1676 = arith.andi %bitcast3A_1673, %and3A_1675 : vector<16xi32>
      %or3A_1677 = arith.constant 3 : i32
      %or3A_1678 = vector.broadcast %or3A_1677 : i32 to vector<16xi32>
      %or3A_1679 = arith.ori %and3A_1676, %or3A_1678 : vector<16xi32>
      %max3A_1680 = arith.maxsi %max3A_1653, %or3A_1679 : vector<16xi32>
      %min3A_1681 = arith.minsi %max3A_1653, %or3A_1679 : vector<16xi32>
      %max3A_1682 = arith.maxsi %max3A_1655, %min3A_1681 : vector<16xi32>
      %min3A_1683 = arith.minsi %max3A_1655, %min3A_1681 : vector<16xi32>
      %max3A_1684 = arith.maxsi %max3A_1657, %min3A_1683 : vector<16xi32>
      %min3A_1685 = arith.minsi %max3A_1657, %min3A_1683 : vector<16xi32>
      %max3A_1686 = arith.maxsi %max3A_1659, %min3A_1685 : vector<16xi32>
      %min3A_1687 = arith.minsi %max3A_1659, %min3A_1685 : vector<16xi32>
      %max3A_1688 = arith.maxsi %max3A_1661, %min3A_1687 : vector<16xi32>
      %min3A_1689 = arith.minsi %max3A_1661, %min3A_1687 : vector<16xi32>
      %max3A_1690 = arith.maxsi %max3A_1663, %min3A_1689 : vector<16xi32>
      %min3A_1691 = arith.minsi %max3A_1663, %min3A_1689 : vector<16xi32>
      %max3A_1692 = arith.maxsi %max3A_1665, %min3A_1691 : vector<16xi32>
      %min3A_1693 = arith.minsi %max3A_1665, %min3A_1691 : vector<16xi32>
      %max3A_1694 = arith.maxsi %max3A_1667, %min3A_1693 : vector<16xi32>
      %min3A_1695 = arith.minsi %max3A_1667, %min3A_1693 : vector<16xi32>
      %get3A_1696 = arith.constant 61 : i32
      %get3A_1697 = arith.index_cast %get3A_1696 : i32 to index
      %get3A_1698 = arith.index_cast %mul3A_38 : i32 to index
      %get3A_1699 = tpu.vector_load %arg5[%get3A_1697, %get3A_1698] {strides = array<i32>} : memref<64x576xf32, #tpu.memory_space<vmem>>, vector<16xf32>,
      %bitcast3A_1700 = vector.bitcast %get3A_1699 : vector<16xf32> to vector<16xi32>
      %and3A_1701 = arith.constant -64 : i32
      %and3A_1702 = vector.broadcast %and3A_1701 : i32 to vector<16xi32>
      %and3A_1703 = arith.andi %bitcast3A_1700, %and3A_1702 : vector<16xi32>
      %or3A_1704 = arith.constant 2 : i32
      %or3A_1705 = vector.broadcast %or3A_1704 : i32 to vector<16xi32>
      %or3A_1706 = arith.ori %and3A_1703, %or3A_1705 : vector<16xi32>
      %max3A_1707 = arith.maxsi %max3A_1680, %or3A_1706 : vector<16xi32>
      %min3A_1708 = arith.minsi %max3A_1680, %or3A_1706 : vector<16xi32>
      %max3A_1709 = arith.maxsi %max3A_1682, %min3A_1708 : vector<16xi32>
      %min3A_1710 = arith.minsi %max3A_1682, %min3A_1708 : vector<16xi32>
      %max3A_1711 = arith.maxsi %max3A_1684, %min3A_1710 : vector<16xi32>
      %min3A_1712 = arith.minsi %max3A_1684, %min3A_1710 : vector<16xi32>
      %max3A_1713 = arith.maxsi %max3A_1686, %min3A_1712 : vector<16xi32>
      %min3A_1714 = arith.minsi %max3A_1686, %min3A_1712 : vector<16xi32>
      %max3A_1715 = arith.maxsi %max3A_1688, %min3A_1714 : vector<16xi32>
      %min3A_1716 = arith.minsi %max3A_1688, %min3A_1714 : vector<16xi32>
      %max3A_1717 = arith.maxsi %max3A_1690, %min3A_1716 : vector<16xi32>
      %min3A_1718 = arith.minsi %max3A_1690, %min3A_1716 : vector<16xi32>
      %max3A_1719 = arith.maxsi %max3A_1692, %min3A_1718 : vector<16xi32>
      %min3A_1720 = arith.minsi %max3A_1692, %min3A_1718 : vector<16xi32>
      %max3A_1721 = arith.maxsi %max3A_1694, %min3A_1720 : vector<16xi32>
      %min3A_1722 = arith.minsi %max3A_1694, %min3A_1720 : vector<16xi32>
      %get3A_1723 = arith.constant 62 : i32
      %get3A_1724 = arith.index_cast %get3A_1723 : i32 to index
      %get3A_1725 = arith.index_cast %mul3A_38 : i32 to index
      %get3A_1726 = tpu.vector_load %arg5[%get3A_1724, %get3A_1725] {strides = array<i32>} : memref<64x576xf32, #tpu.memory_space<vmem>>, vector<16xf32>,
      %bitcast3A_1727 = vector.bitcast %get3A_1726 : vector<16xf32> to vector<16xi32>
      %and3A_1728 = arith.constant -64 : i32
      %and3A_1729 = vector.broadcast %and3A_1728 : i32 to vector<16xi32>
      %and3A_1730 = arith.andi %bitcast3A_1727, %and3A_1729 : vector<16xi32>
      %or3A_1731 = arith.constant 1 : i32
      %or3A_1732 = vector.broadcast %or3A_1731 : i32 to vector<16xi32>
      %or3A_1733 = arith.ori %and3A_1730, %or3A_1732 : vector<16xi32>
      %max3A_1734 = arith.maxsi %max3A_1707, %or3A_1733 : vector<16xi32>
      %min3A_1735 = arith.minsi %max3A_1707, %or3A_1733 : vector<16xi32>
      %max3A_1736 = arith.maxsi %max3A_1709, %min3A_1735 : vector<16xi32>
      %min3A_1737 = arith.minsi %max3A_1709, %min3A_1735 : vector<16xi32>
      %max3A_1738 = arith.maxsi %max3A_1711, %min3A_1737 : vector<16xi32>
      %min3A_1739 = arith.minsi %max3A_1711, %min3A_1737 : vector<16xi32>
      %max3A_1740 = arith.maxsi %max3A_1713, %min3A_1739 : vector<16xi32>
      %min3A_1741 = arith.minsi %max3A_1713, %min3A_1739 : vector<16xi32>
      %max3A_1742 = arith.maxsi %max3A_1715, %min3A_1741 : vector<16xi32>
      %min3A_1743 = arith.minsi %max3A_1715, %min3A_1741 : vector<16xi32>
      %max3A_1744 = arith.maxsi %max3A_1717, %min3A_1743 : vector<16xi32>
      %min3A_1745 = arith.minsi %max3A_1717, %min3A_1743 : vector<16xi32>
      %max3A_1746 = arith.maxsi %max3A_1719, %min3A_1745 : vector<16xi32>
      %min3A_1747 = arith.minsi %max3A_1719, %min3A_1745 : vector<16xi32>
      %max3A_1748 = arith.maxsi %max3A_1721, %min3A_1747 : vector<16xi32>
      %min3A_1749 = arith.minsi %max3A_1721, %min3A_1747 : vector<16xi32>
      %get3A_1750 = arith.constant 63 : i32
      %get3A_1751 = arith.index_cast %get3A_1750 : i32 to index
      %get3A_1752 = arith.index_cast %mul3A_38 : i32 to index
      %get3A_1753 = tpu.vector_load %arg5[%get3A_1751, %get3A_1752] {strides = array<i32>} : memref<64x576xf32, #tpu.memory_space<vmem>>, vector<16xf32>,
      %bitcast3A_1754 = vector.bitcast %get3A_1753 : vector<16xf32> to vector<16xi32>
      %and3A_1755 = arith.constant -64 : i32
      %and3A_1756 = vector.broadcast %and3A_1755 : i32 to vector<16xi32>
      %and3A_1757 = arith.andi %bitcast3A_1754, %and3A_1756 : vector<16xi32>
      %or3A_1758 = arith.constant 0 : i32
      %or3A_1759 = vector.broadcast %or3A_1758 : i32 to vector<16xi32>
      %or3A_1760 = arith.ori %and3A_1757, %or3A_1759 : vector<16xi32>
      %max3A_1761 = arith.maxsi %max3A_1734, %or3A_1760 : vector<16xi32>
      %min3A_1762 = arith.minsi %max3A_1734, %or3A_1760 : vector<16xi32>
      %max3A_1763 = arith.maxsi %max3A_1736, %min3A_1762 : vector<16xi32>
      %min3A_1764 = arith.minsi %max3A_1736, %min3A_1762 : vector<16xi32>
      %max3A_1765 = arith.maxsi %max3A_1738, %min3A_1764 : vector<16xi32>
      %min3A_1766 = arith.minsi %max3A_1738, %min3A_1764 : vector<16xi32>
      %max3A_1767 = arith.maxsi %max3A_1740, %min3A_1766 : vector<16xi32>
      %min3A_1768 = arith.minsi %max3A_1740, %min3A_1766 : vector<16xi32>
      %max3A_1769 = arith.maxsi %max3A_1742, %min3A_1768 : vector<16xi32>
      %min3A_1770 = arith.minsi %max3A_1742, %min3A_1768 : vector<16xi32>
      %max3A_1771 = arith.maxsi %max3A_1744, %min3A_1770 : vector<16xi32>
      %min3A_1772 = arith.minsi %max3A_1744, %min3A_1770 : vector<16xi32>
      %max3A_1773 = arith.maxsi %max3A_1746, %min3A_1772 : vector<16xi32>
      %min3A_1774 = arith.minsi %max3A_1746, %min3A_1772 : vector<16xi32>
      %max3A_1775 = arith.maxsi %max3A_1748, %min3A_1774 : vector<16xi32>
      %min3A_1776 = arith.minsi %max3A_1748, %min3A_1774 : vector<16xi32>
      %and3A_1777 = arith.constant 63 : i32
      %and3A_1778 = vector.broadcast %and3A_1777 : i32 to vector<16xi32>
      %and3A_1779 = arith.andi %max3A_1761, %and3A_1778 : vector<16xi32>
      %sub3A_1780 = arith.constant 63 : i32
      %sub3A_1781 = vector.broadcast %sub3A_1780 : i32 to vector<16xi32>
      %sub3A_1782 = arith.subi %sub3A_1781, %and3A_1779 : vector<16xi32>
      %swap3A = arith.constant 0 : i32
      %swap3A_1783 = arith.index_cast %swap3A : i32 to index
      %swap3A_1784 = arith.index_cast %mul3A_38 : i32 to index
      %swap3A_1785 = tpu.vector_load %arg7[%swap3A_1783, %swap3A_1784] {strides = array<i32>} : memref<8x576xi32, #tpu.memory_space<vmem>>, vector<16xi32>,
      tpu.vector_store %arg7[%swap3A_1783, %swap3A_1784], %sub3A_1782 {strides = array<i32>} : memref<8x576xi32, #tpu.memory_space<vmem>>, vector<16xi32>,
      %and3A_1786 = arith.constant -64 : i32
      %and3A_1787 = vector.broadcast %and3A_1786 : i32 to vector<16xi32>
      %and3A_1788 = arith.andi %max3A_1761, %and3A_1787 : vector<16xi32>
      %bitcast3A_1789 = vector.bitcast %and3A_1788 : vector<16xi32> to vector<16xf32>
      %swap3A_1790 = arith.constant 0 : i32
      %swap3A_1791 = arith.index_cast %swap3A_1790 : i32 to index
      %swap3A_1792 = arith.index_cast %mul3A_38 : i32 to index
      %swap3A_1793 = tpu.vector_load %arg6[%swap3A_1791, %swap3A_1792] {strides = array<i32>} : memref<8x576xf32, #tpu.memory_space<vmem>>, vector<16xf32>,
      tpu.vector_store %arg6[%swap3A_1791, %swap3A_1792], %bitcast3A_1789 {strides = array<i32>} : memref<8x576xf32, #tpu.memory_space<vmem>>, vector<16xf32>,
      %and3A_1794 = arith.constant 63 : i32
      %and3A_1795 = vector.broadcast %and3A_1794 : i32 to vector<16xi32>
      %and3A_1796 = arith.andi %max3A_1763, %and3A_1795 : vector<16xi32>
      %sub3A_1797 = arith.constant 63 : i32
      %sub3A_1798 = vector.broadcast %sub3A_1797 : i32 to vector<16xi32>
      %sub3A_1799 = arith.subi %sub3A_1798, %and3A_1796 : vector<16xi32>
      %swap3A_1800 = arith.constant 1 : i32
      %swap3A_1801 = arith.index_cast %swap3A_1800 : i32 to index
      %swap3A_1802 = arith.index_cast %mul3A_38 : i32 to index
      %swap3A_1803 = tpu.vector_load %arg7[%swap3A_1801, %swap3A_1802] {strides = array<i32>} : memref<8x576xi32, #tpu.memory_space<vmem>>, vector<16xi32>,
      tpu.vector_store %arg7[%swap3A_1801, %swap3A_1802], %sub3A_1799 {strides = array<i32>} : memref<8x576xi32, #tpu.memory_space<vmem>>, vector<16xi32>,
      %and3A_1804 = arith.constant -64 : i32
      %and3A_1805 = vector.broadcast %and3A_1804 : i32 to vector<16xi32>
      %and3A_1806 = arith.andi %max3A_1763, %and3A_1805 : vector<16xi32>
      %bitcast3A_1807 = vector.bitcast %and3A_1806 : vector<16xi32> to vector<16xf32>
      %swap3A_1808 = arith.constant 1 : i32
      %swap3A_1809 = arith.index_cast %swap3A_1808 : i32 to index
      %swap3A_1810 = arith.index_cast %mul3A_38 : i32 to index
      %swap3A_1811 = tpu.vector_load %arg6[%swap3A_1809, %swap3A_1810] {strides = array<i32>} : memref<8x576xf32, #tpu.memory_space<vmem>>, vector<16xf32>,
      tpu.vector_store %arg6[%swap3A_1809, %swap3A_1810], %bitcast3A_1807 {strides = array<i32>} : memref<8x576xf32, #tpu.memory_space<vmem>>, vector<16xf32>,
      %and3A_1812 = arith.constant 63 : i32
      %and3A_1813 = vector.broadcast %and3A_1812 : i32 to vector<16xi32>
      %and3A_1814 = arith.andi %max3A_1765, %and3A_1813 : vector<16xi32>
      %sub3A_1815 = arith.constant 63 : i32
      %sub3A_1816 = vector.broadcast %sub3A_1815 : i32 to vector<16xi32>
      %sub3A_1817 = arith.subi %sub3A_1816, %and3A_1814 : vector<16xi32>
      %swap3A_1818 = arith.constant 2 : i32
      %swap3A_1819 = arith.index_cast %swap3A_1818 : i32 to index
      %swap3A_1820 = arith.index_cast %mul3A_38 : i32 to index
      %swap3A_1821 = tpu.vector_load %arg7[%swap3A_1819, %swap3A_1820] {strides = array<i32>} : memref<8x576xi32, #tpu.memory_space<vmem>>, vector<16xi32>,
      tpu.vector_store %arg7[%swap3A_1819, %swap3A_1820], %sub3A_1817 {strides = array<i32>} : memref<8x576xi32, #tpu.memory_space<vmem>>, vector<16xi32>,
      %and3A_1822 = arith.constant -64 : i32
      %and3A_1823 = vector.broadcast %and3A_1822 : i32 to vector<16xi32>
      %and3A_1824 = arith.andi %max3A_1765, %and3A_1823 : vector<16xi32>
      %bitcast3A_1825 = vector.bitcast %and3A_1824 : vector<16xi32> to vector<16xf32>
      %swap3A_1826 = arith.constant 2 : i32
      %swap3A_1827 = arith.index_cast %swap3A_1826 : i32 to index
      %swap3A_1828 = arith.index_cast %mul3A_38 : i32 to index
      %swap3A_1829 = tpu.vector_load %arg6[%swap3A_1827, %swap3A_1828] {strides = array<i32>} : memref<8x576xf32, #tpu.memory_space<vmem>>, vector<16xf32>,
      tpu.vector_store %arg6[%swap3A_1827, %swap3A_1828], %bitcast3A_1825 {strides = array<i32>} : memref<8x576xf32, #tpu.memory_space<vmem>>, vector<16xf32>,
      %and3A_1830 = arith.constant 63 : i32
      %and3A_1831 = vector.broadcast %and3A_1830 : i32 to vector<16xi32>
      %and3A_1832 = arith.andi %max3A_1767, %and3A_1831 : vector<16xi32>
      %sub3A_1833 = arith.constant 63 : i32
      %sub3A_1834 = vector.broadcast %sub3A_1833 : i32 to vector<16xi32>
      %sub3A_1835 = arith.subi %sub3A_1834, %and3A_1832 : vector<16xi32>
      %swap3A_1836 = arith.constant 3 : i32
      %swap3A_1837 = arith.index_cast %swap3A_1836 : i32 to index
      %swap3A_1838 = arith.index_cast %mul3A_38 : i32 to index
      %swap3A_1839 = tpu.vector_load %arg7[%swap3A_1837, %swap3A_1838] {strides = array<i32>} : memref<8x576xi32, #tpu.memory_space<vmem>>, vector<16xi32>,
      tpu.vector_store %arg7[%swap3A_1837, %swap3A_1838], %sub3A_1835 {strides = array<i32>} : memref<8x576xi32, #tpu.memory_space<vmem>>, vector<16xi32>,
      %and3A_1840 = arith.constant -64 : i32
      %and3A_1841 = vector.broadcast %and3A_1840 : i32 to vector<16xi32>
      %and3A_1842 = arith.andi %max3A_1767, %and3A_1841 : vector<16xi32>
      %bitcast3A_1843 = vector.bitcast %and3A_1842 : vector<16xi32> to vector<16xf32>
      %swap3A_1844 = arith.constant 3 : i32
      %swap3A_1845 = arith.index_cast %swap3A_1844 : i32 to index
      %swap3A_1846 = arith.index_cast %mul3A_38 : i32 to index
      %swap3A_1847 = tpu.vector_load %arg6[%swap3A_1845, %swap3A_1846] {strides = array<i32>} : memref<8x576xf32, #tpu.memory_space<vmem>>, vector<16xf32>,
      tpu.vector_store %arg6[%swap3A_1845, %swap3A_1846], %bitcast3A_1843 {strides = array<i32>} : memref<8x576xf32, #tpu.memory_space<vmem>>, vector<16xf32>,
      %and3A_1848 = arith.constant 63 : i32
      %and3A_1849 = vector.broadcast %and3A_1848 : i32 to vector<16xi32>
      %and3A_1850 = arith.andi %max3A_1769, %and3A_1849 : vector<16xi32>
      %sub3A_1851 = arith.constant 63 : i32
      %sub3A_1852 = vector.broadcast %sub3A_1851 : i32 to vector<16xi32>
      %sub3A_1853 = arith.subi %sub3A_1852, %and3A_1850 : vector<16xi32>
      %swap3A_1854 = arith.constant 4 : i32
      %swap3A_1855 = arith.index_cast %swap3A_1854 : i32 to index
      %swap3A_1856 = arith.index_cast %mul3A_38 : i32 to index
      %swap3A_1857 = tpu.vector_load %arg7[%swap3A_1855, %swap3A_1856] {strides = array<i32>} : memref<8x576xi32, #tpu.memory_space<vmem>>, vector<16xi32>,
      tpu.vector_store %arg7[%swap3A_1855, %swap3A_1856], %sub3A_1853 {strides = array<i32>} : memref<8x576xi32, #tpu.memory_space<vmem>>, vector<16xi32>,
      %and3A_1858 = arith.constant -64 : i32
      %and3A_1859 = vector.broadcast %and3A_1858 : i32 to vector<16xi32>
      %and3A_1860 = arith.andi %max3A_1769, %and3A_1859 : vector<16xi32>
      %bitcast3A_1861 = vector.bitcast %and3A_1860 : vector<16xi32> to vector<16xf32>
      %swap3A_1862 = arith.constant 4 : i32
      %swap3A_1863 = arith.index_cast %swap3A_1862 : i32 to index
      %swap3A_1864 = arith.index_cast %mul3A_38 : i32 to index
      %swap3A_1865 = tpu.vector_load %arg6[%swap3A_1863, %swap3A_1864] {strides = array<i32>} : memref<8x576xf32, #tpu.memory_space<vmem>>, vector<16xf32>,
      tpu.vector_store %arg6[%swap3A_1863, %swap3A_1864], %bitcast3A_1861 {strides = array<i32>} : memref<8x576xf32, #tpu.memory_space<vmem>>, vector<16xf32>,
      %and3A_1866 = arith.constant 63 : i32
      %and3A_1867 = vector.broadcast %and3A_1866 : i32 to vector<16xi32>
      %and3A_1868 = arith.andi %max3A_1771, %and3A_1867 : vector<16xi32>
      %sub3A_1869 = arith.constant 63 : i32
      %sub3A_1870 = vector.broadcast %sub3A_1869 : i32 to vector<16xi32>
      %sub3A_1871 = arith.subi %sub3A_1870, %and3A_1868 : vector<16xi32>
      %swap3A_1872 = arith.constant 5 : i32
      %swap3A_1873 = arith.index_cast %swap3A_1872 : i32 to index
      %swap3A_1874 = arith.index_cast %mul3A_38 : i32 to index
      %swap3A_1875 = tpu.vector_load %arg7[%swap3A_1873, %swap3A_1874] {strides = array<i32>} : memref<8x576xi32, #tpu.memory_space<vmem>>, vector<16xi32>,
      tpu.vector_store %arg7[%swap3A_1873, %swap3A_1874], %sub3A_1871 {strides = array<i32>} : memref<8x576xi32, #tpu.memory_space<vmem>>, vector<16xi32>,
      %and3A_1876 = arith.constant -64 : i32
      %and3A_1877 = vector.broadcast %and3A_1876 : i32 to vector<16xi32>
      %and3A_1878 = arith.andi %max3A_1771, %and3A_1877 : vector<16xi32>
      %bitcast3A_1879 = vector.bitcast %and3A_1878 : vector<16xi32> to vector<16xf32>
      %swap3A_1880 = arith.constant 5 : i32
      %swap3A_1881 = arith.index_cast %swap3A_1880 : i32 to index
      %swap3A_1882 = arith.index_cast %mul3A_38 : i32 to index
      %swap3A_1883 = tpu.vector_load %arg6[%swap3A_1881, %swap3A_1882] {strides = array<i32>} : memref<8x576xf32, #tpu.memory_space<vmem>>, vector<16xf32>,
      tpu.vector_store %arg6[%swap3A_1881, %swap3A_1882], %bitcast3A_1879 {strides = array<i32>} : memref<8x576xf32, #tpu.memory_space<vmem>>, vector<16xf32>,
      %and3A_1884 = arith.constant 63 : i32
      %and3A_1885 = vector.broadcast %and3A_1884 : i32 to vector<16xi32>
      %and3A_1886 = arith.andi %max3A_1773, %and3A_1885 : vector<16xi32>
      %sub3A_1887 = arith.constant 63 : i32
      %sub3A_1888 = vector.broadcast %sub3A_1887 : i32 to vector<16xi32>
      %sub3A_1889 = arith.subi %sub3A_1888, %and3A_1886 : vector<16xi32>
      %swap3A_1890 = arith.constant 6 : i32
      %swap3A_1891 = arith.index_cast %swap3A_1890 : i32 to index
      %swap3A_1892 = arith.index_cast %mul3A_38 : i32 to index
      %swap3A_1893 = tpu.vector_load %arg7[%swap3A_1891, %swap3A_1892] {strides = array<i32>} : memref<8x576xi32, #tpu.memory_space<vmem>>, vector<16xi32>,
      tpu.vector_store %arg7[%swap3A_1891, %swap3A_1892], %sub3A_1889 {strides = array<i32>} : memref<8x576xi32, #tpu.memory_space<vmem>>, vector<16xi32>,
      %and3A_1894 = arith.constant -64 : i32
      %and3A_1895 = vector.broadcast %and3A_1894 : i32 to vector<16xi32>
      %and3A_1896 = arith.andi %max3A_1773, %and3A_1895 : vector<16xi32>
      %bitcast3A_1897 = vector.bitcast %and3A_1896 : vector<16xi32> to vector<16xf32>
      %swap3A_1898 = arith.constant 6 : i32
      %swap3A_1899 = arith.index_cast %swap3A_1898 : i32 to index
      %swap3A_1900 = arith.index_cast %mul3A_38 : i32 to index
      %swap3A_1901 = tpu.vector_load %arg6[%swap3A_1899, %swap3A_1900] {strides = array<i32>} : memref<8x576xf32, #tpu.memory_space<vmem>>, vector<16xf32>,
      tpu.vector_store %arg6[%swap3A_1899, %swap3A_1900], %bitcast3A_1897 {strides = array<i32>} : memref<8x576xf32, #tpu.memory_space<vmem>>, vector<16xf32>,
      %and3A_1902 = arith.constant 63 : i32
      %and3A_1903 = vector.broadcast %and3A_1902 : i32 to vector<16xi32>
      %and3A_1904 = arith.andi %max3A_1775, %and3A_1903 : vector<16xi32>
      %sub3A_1905 = arith.constant 63 : i32
      %sub3A_1906 = vector.broadcast %sub3A_1905 : i32 to vector<16xi32>
      %sub3A_1907 = arith.subi %sub3A_1906, %and3A_1904 : vector<16xi32>
      %swap3A_1908 = arith.constant 7 : i32
      %swap3A_1909 = arith.index_cast %swap3A_1908 : i32 to index
      %swap3A_1910 = arith.index_cast %mul3A_38 : i32 to index
      %swap3A_1911 = tpu.vector_load %arg7[%swap3A_1909, %swap3A_1910] {strides = array<i32>} : memref<8x576xi32, #tpu.memory_space<vmem>>, vector<16xi32>,
      tpu.vector_store %arg7[%swap3A_1909, %swap3A_1910], %sub3A_1907 {strides = array<i32>} : memref<8x576xi32, #tpu.memory_space<vmem>>, vector<16xi32>,
      %and3A_1912 = arith.constant -64 : i32
      %and3A_1913 = vector.broadcast %and3A_1912 : i32 to vector<16xi32>
      %and3A_1914 = arith.andi %max3A_1775, %and3A_1913 : vector<16xi32>
      %bitcast3A_1915 = vector.bitcast %and3A_1914 : vector<16xi32> to vector<16xf32>
      %swap3A_1916 = arith.constant 7 : i32
      %swap3A_1917 = arith.index_cast %swap3A_1916 : i32 to index
      %swap3A_1918 = arith.index_cast %mul3A_38 : i32 to index
      %swap3A_1919 = tpu.vector_load %arg6[%swap3A_1917, %swap3A_1918] {strides = array<i32>} : memref<8x576xf32, #tpu.memory_space<vmem>>, vector<16xf32>,
      tpu.vector_store %arg6[%swap3A_1917, %swap3A_1918], %bitcast3A_1915 {strides = array<i32>} : memref<8x576xf32, #tpu.memory_space<vmem>>, vector<16xf32>,
    }
    %scan3A_35 = arith.constant 36 : i32
    "tpu.region"() ({
      %run_scoped3A = tpu.sem_alloc : memref<!tpu.dma_semaphore, #tpu.memory_space<semaphore_mem>>
      %dma_start3A = arith.constant 0 : i32
      %dma_start3A_36 = arith.constant 0 : i32
      %dma_start3A_37 = tpu.memref_slice %arg3[%select_n3A, %select_n3A_30, %dma_start3A, %dma_start3A_36] : memref<32x1x8x576xf32, #tpu.memory_space<hbm>> -> memref<1x1x8x576xf32, #tpu.memory_space<hbm>>
      %dma_start3A_38 = tpu.memref_squeeze %dma_start3A_37 : memref<1x1x8x576xf32, #tpu.memory_space<hbm>> -> memref<8x576xf32, #tpu.memory_space<hbm>>
      %dma_start3A_39 = arith.constant 0 : i32
      %dma_start3A_40 = arith.constant 0 : i32
      %dma_start3A_41 = tpu.memref_slice %arg3[%select_n3A, %select_n3A_30, %dma_start3A_39, %dma_start3A_40] : memref<32x1x8x576xf32, #tpu.memory_space<hbm>> -> memref<1x1x8x576xf32, #tpu.memory_space<hbm>>
      %dma_start3A_42 = tpu.memref_squeeze %dma_start3A_41 : memref<1x1x8x576xf32, #tpu.memory_space<hbm>> -> memref<8x576xf32, #tpu.memory_space<hbm>>
      tpu.enqueue_dma source(%arg6 : memref<8x576xf32, #tpu.memory_space<vmem>>) target(%dma_start3A_42 : memref<8x576xf32, #tpu.memory_space<hbm>>) target_semaphore(%run_scoped3A : memref<!tpu.dma_semaphore, #tpu.memory_space<semaphore_mem>>)
      %dma_wait3A = arith.constant 0 : i32
      %dma_wait3A_43 = arith.constant 0 : i32
      %dma_wait3A_44 = tpu.memref_slice %arg3[%select_n3A, %select_n3A_30, %dma_wait3A, %dma_wait3A_43] : memref<32x1x8x576xf32, #tpu.memory_space<hbm>> -> memref<1x1x8x576xf32, #tpu.memory_space<hbm>>
      %dma_wait3A_45 = tpu.memref_squeeze %dma_wait3A_44 : memref<1x1x8x576xf32, #tpu.memory_space<hbm>> -> memref<8x576xf32, #tpu.memory_space<hbm>>
      %dma_wait3A_46 = arith.constant 0 : i32
      %dma_wait3A_47 = arith.constant 0 : i32
      %dma_wait3A_48 = tpu.memref_slice %arg3[%select_n3A, %select_n3A_30, %dma_wait3A_46, %dma_wait3A_47] : memref<32x1x8x576xf32, #tpu.memory_space<hbm>> -> memref<1x1x8x576xf32, #tpu.memory_space<hbm>>
      %dma_wait3A_49 = tpu.memref_squeeze %dma_wait3A_48 : memref<1x1x8x576xf32, #tpu.memory_space<hbm>> -> memref<8x576xf32, #tpu.memory_space<hbm>>
      tpu.wait_dma2 semaphore(%run_scoped3A : memref<!tpu.dma_semaphore, #tpu.memory_space<semaphore_mem>>) src(%arg6 : memref<8x576xf32, #tpu.memory_space<vmem>>) dst(%dma_wait3A_49 : memref<8x576xf32, #tpu.memory_space<hbm>>)
      tpu.yield
    }) : () -> ()
    "tpu.region"() ({
      %run_scoped3A = tpu.sem_alloc : memref<!tpu.dma_semaphore, #tpu.memory_space<semaphore_mem>>
      %dma_start3A = arith.constant 0 : i32
      %dma_start3A_36 = arith.constant 0 : i32
      %dma_start3A_37 = tpu.memref_slice %arg4[%select_n3A, %select_n3A_30, %dma_start3A, %dma_start3A_36] : memref<32x1x8x576xi32, #tpu.memory_space<hbm>> -> memref<1x1x8x576xi32, #tpu.memory_space<hbm>>
      %dma_start3A_38 = tpu.memref_squeeze %dma_start3A_37 : memref<1x1x8x576xi32, #tpu.memory_space<hbm>> -> memref<8x576xi32, #tpu.memory_space<hbm>>
      %dma_start3A_39 = arith.constant 0 : i32
      %dma_start3A_40 = arith.constant 0 : i32
      %dma_start3A_41 = tpu.memref_slice %arg4[%select_n3A, %select_n3A_30, %dma_start3A_39, %dma_start3A_40] : memref<32x1x8x576xi32, #tpu.memory_space<hbm>> -> memref<1x1x8x576xi32, #tpu.memory_space<hbm>>
      %dma_start3A_42 = tpu.memref_squeeze %dma_start3A_41 : memref<1x1x8x576xi32, #tpu.memory_space<hbm>> -> memref<8x576xi32, #tpu.memory_space<hbm>>
      tpu.enqueue_dma source(%arg7 : memref<8x576xi32, #tpu.memory_space<vmem>>) target(%dma_start3A_42 : memref<8x576xi32, #tpu.memory_space<hbm>>) target_semaphore(%run_scoped3A : memref<!tpu.dma_semaphore, #tpu.memory_space<semaphore_mem>>)
      %dma_wait3A = arith.constant 0 : i32
      %dma_wait3A_43 = arith.constant 0 : i32
      %dma_wait3A_44 = tpu.memref_slice %arg4[%select_n3A, %select_n3A_30, %dma_wait3A, %dma_wait3A_43] : memref<32x1x8x576xi32, #tpu.memory_space<hbm>> -> memref<1x1x8x576xi32, #tpu.memory_space<hbm>>
      %dma_wait3A_45 = tpu.memref_squeeze %dma_wait3A_44 : memref<1x1x8x576xi32, #tpu.memory_space<hbm>> -> memref<8x576xi32, #tpu.memory_space<hbm>>
      %dma_wait3A_46 = arith.constant 0 : i32
      %dma_wait3A_47 = arith.constant 0 : i32
      %dma_wait3A_48 = tpu.memref_slice %arg4[%select_n3A, %select_n3A_30, %dma_wait3A_46, %dma_wait3A_47] : memref<32x1x8x576xi32, #tpu.memory_space<hbm>> -> memref<1x1x8x576xi32, #tpu.memory_space<hbm>>
      %dma_wait3A_49 = tpu.memref_squeeze %dma_wait3A_48 : memref<1x1x8x576xi32, #tpu.memory_space<hbm>> -> memref<8x576xi32, #tpu.memory_space<hbm>>
      tpu.wait_dma2 semaphore(%run_scoped3A : memref<!tpu.dma_semaphore, #tpu.memory_space<semaphore_mem>>) src(%arg7 : memref<8x576xi32, #tpu.memory_space<vmem>>) dst(%dma_wait3A_49 : memref<8x576xi32, #tpu.memory_space<hbm>>)
      tpu.yield
    }) : () -> ()
    return
  }
}

module attributes {stable_mosaic.version = 14 : i64} {
  func.func @_matmul_body(%arg0: i32, %arg1: memref<4x1024xbf16, #tpu.memory_space<vmem>>, %arg2: memref<64x1024xbf16, #tpu.memory_space<vmem>>, %arg3: memref<64x1024xbf16, #tpu.memory_space<vmem>>, %arg4: memref<4x576x1024xf32, #tpu.memory_space<vmem>>, %arg5: memref<4x1x64x576xf32, #tpu.memory_space<vmem>>, %arg6: memref<4x1x64x576xf32, #tpu.memory_space<vmem>>) attributes {dimension_semantics = [#tpu.dimension_semantics<arbitrary>], iteration_bounds = array<i64: 8>, scalar_prefetch = 0 : i64, scratch_operands = 0 : i64, tpu.core_type = #tpu.core_type<tc>, window_params = [{pipeline_mode = #tpu.pipeline_mode<synchronous>, transform_indices = @transform_0, window_bounds = array<i64: 4, 1024>}, {pipeline_mode = #tpu.pipeline_mode<synchronous>, transform_indices = @transform_1, window_bounds = array<i64: 64, 1024>}, {pipeline_mode = #tpu.pipeline_mode<synchronous>, transform_indices = @transform_2, window_bounds = array<i64: 64, 1024>}, {transform_indices = @transform_3, window_bounds = array<i64: 4, 576, 1024>}, {transform_indices = @transform_4, window_bounds = array<i64: 4, 1, 64, 576>}, {transform_indices = @transform_5, window_bounds = array<i64: 4, 1, 64, 576>}]} {
    %get3A = arith.constant 0 : index
    %get3A_0 = arith.constant 0 : index
    %get3A_1 = vector.load %arg3[%get3A, %get3A_0] : memref<64x1024xbf16, #tpu.memory_space<vmem>>, vector<64x1024xbf16>
    %get3A_2 = arith.constant 0 : index
    %get3A_3 = arith.constant 0 : index
    %get3A_4 = vector.load %arg1[%get3A_2, %get3A_3] : memref<4x1024xbf16, #tpu.memory_space<vmem>>, vector<4x1024xbf16>
    %dot_general3A = arith.constant dense<0.000000e+00> : vector<64x4xf32>
    %dot_general3A_5 = tpu.matmul %get3A_1, %get3A_4, %dot_general3A {dimension_numbers = #tpu.dot_dimension_numbers<[1], [1], [0], [0], [0, 0, 1, 0], [], []>, transpose_lhs_hint = false} : vector<64x1024xbf16>, vector<4x1024xbf16>, vector<64x4xf32> -> vector<64x4xf32>
    %iota3A = tpu.iota {dimensions = array<i32: 1>} : vector<64x4xi32>
    %get3A_6 = arith.constant 0 : index
    %get3A_7 = arith.constant 0 : index
    %get3A_8 = arith.constant 0 : index
    %get3A_9 = vector.load %arg4[%get3A_6, %get3A_7, %get3A_8] : memref<4x576x1024xf32, #tpu.memory_space<vmem>>, vector<1x576x1024xf32>
    %get3A_10 = vector.shape_cast %get3A_9 : vector<1x576x1024xf32> to vector<576x1024xf32>
    %convert_element_type3A = arith.truncf %get3A_10 : vector<576x1024xf32> to vector<576x1024xbf16>
    %get3A_11 = arith.constant 0 : index
    %get3A_12 = arith.constant 0 : index
    %get3A_13 = vector.load %arg2[%get3A_11, %get3A_12] : memref<64x1024xbf16, #tpu.memory_space<vmem>>, vector<64x1024xbf16>
    %dot_general3A_14 = arith.constant dense<0.000000e+00> : vector<64x576xf32>
    %dot_general3A_15 = tpu.matmul %get3A_13, %convert_element_type3A, %dot_general3A_14 {dimension_numbers = #tpu.dot_dimension_numbers<[1], [1], [0], [0], [0, 0, 1, 0], [], []>, transpose_lhs_hint = false} : vector<64x1024xbf16>, vector<576x1024xbf16>, vector<64x576xf32> -> vector<64x576xf32>
    %mul3A = arith.constant 4 : i32
    %mul3A_16 = arith.muli %arg0, %mul3A : i32
    %add3A = arith.constant 0 : i32
    %add3A_17 = arith.addi %mul3A_16, %add3A : i32
    %jit3A = arith.constant 8 : i32
    %div3A = arith.divsi %add3A_17, %jit3A : i32
    %sign3A = arith.constant 0 : i32
    %sign3A_18 = arith.cmpi sgt, %add3A_17, %sign3A : i32
    %sign3A_19 = arith.extui %sign3A_18 : i1 to i32
    %sign3A_20 = arith.constant 0 : i32
    %sign3A_21 = arith.cmpi slt, %add3A_17, %sign3A_20 : i32
    %sign3A_22 = arith.extui %sign3A_21 : i1 to i32
    %sign3A_23 = arith.subi %sign3A_19, %sign3A_22 : i32
    %sign3A_24 = arith.constant 0 : i32
    %sign3A_25 = arith.cmpi sgt, %jit3A, %sign3A_24 : i32
    %sign3A_26 = arith.extui %sign3A_25 : i1 to i32
    %sign3A_27 = arith.constant 0 : i32
    %sign3A_28 = arith.cmpi slt, %jit3A, %sign3A_27 : i32
    %sign3A_29 = arith.extui %sign3A_28 : i1 to i32
    %sign3A_30 = arith.subi %sign3A_26, %sign3A_29 : i32
    %ne3A = arith.cmpi ne, %sign3A_23, %sign3A_30 : i32
    %rem3A = arith.remsi %add3A_17, %jit3A : i32
    %ne3A_31 = arith.constant 0 : i32
    %ne3A_32 = arith.cmpi ne, %rem3A, %ne3A_31 : i32
    %and3A = arith.andi %ne3A, %ne3A_32 : i1
    %sub3A = arith.constant 1 : i32
    %sub3A_33 = arith.subi %div3A, %sub3A : i32
    %select_n3A = arith.select %and3A, %sub3A_33, %div3A : i32
    %eq3A = vector.broadcast %select_n3A : i32 to vector<64x4xi32>
    %eq3A_34 = arith.cmpi eq, %iota3A, %eq3A : vector<64x4xi32>
    %jit3A_35 = arith.constant 0.000000e+00 : f32
    %broadcast_in_dim3A = vector.broadcast %jit3A_35 : f32 to vector<64x4xf32>
    %select_n3A_36 = arith.select %eq3A_34, %dot_general3A_5, %broadcast_in_dim3A : vector<64x4xi1>, vector<64x4xf32>
    %reduce_sum3A = arith.constant dense<0.000000e+00> : vector<64xf32>
    %reduce_sum3A_37 = vector.multi_reduction <add>, %select_n3A_36, %reduce_sum3A [1] : vector<64x4xf32> to vector<64xf32>
    %broadcast_in_dim3A_38 = vector.shape_cast %reduce_sum3A_37 : vector<64xf32> to vector<64x1xf32>
    %add3A_39 = vector.broadcast %broadcast_in_dim3A_38 : vector<64x1xf32> to vector<64x576xf32>
    %add3A_40 = arith.addf %dot_general3A_15, %add3A_39 : vector<64x576xf32>
    %swap3A = arith.constant 0 : index
    %swap3A_41 = arith.constant 0 : index
    %swap3A_42 = arith.constant 0 : index
    %swap3A_43 = arith.constant 0 : index
    %swap3A_44 = vector.load %arg5[%swap3A, %swap3A_41, %swap3A_42, %swap3A_43] : memref<4x1x64x576xf32, #tpu.memory_space<vmem>>, vector<1x1x64x576xf32>
    %swap3A_45 = vector.shape_cast %swap3A_44 : vector<1x1x64x576xf32> to vector<64x576xf32>
    %swap3A_46 = vector.shape_cast %add3A_40 : vector<64x576xf32> to vector<1x1x64x576xf32>
    tpu.vector_store %arg5[%swap3A, %swap3A_41, %swap3A_42, %swap3A_43], %swap3A_46 {strides = array<i32>} : memref<4x1x64x576xf32, #tpu.memory_space<vmem>>, vector<1x1x64x576xf32>,
    %exp3A = math.exp %add3A_40 : vector<64x576xf32>
    %reduce_sum3A_47 = arith.constant dense<0.000000e+00> : vector<576xf32>
    %reduce_sum3A_48 = vector.multi_reduction <add>, %exp3A, %reduce_sum3A_47 [0] : vector<64x576xf32> to vector<576xf32>
    %broadcast_in_dim3A_49 = vector.shape_cast %reduce_sum3A_48 : vector<576xf32> to vector<1x576xf32>
    %div3A_50 = arith.constant 1.000000e+00 : f32
    %div3A_51 = vector.broadcast %div3A_50 : f32 to vector<1x576xf32>
    %div3A_52 = arith.divf %div3A_51, %broadcast_in_dim3A_49 : vector<1x576xf32>
    %mul3A_53 = vector.broadcast %div3A_52 : vector<1x576xf32> to vector<64x576xf32>
    %mul3A_54 = arith.mulf %exp3A, %mul3A_53 : vector<64x576xf32>
    %swap3A_55 = arith.constant 0 : index
    %swap3A_56 = arith.constant 0 : index
    %swap3A_57 = arith.constant 0 : index
    %swap3A_58 = arith.constant 0 : index
    %swap3A_59 = vector.load %arg6[%swap3A_55, %swap3A_56, %swap3A_57, %swap3A_58] : memref<4x1x64x576xf32, #tpu.memory_space<vmem>>, vector<1x1x64x576xf32>
    %swap3A_60 = vector.shape_cast %swap3A_59 : vector<1x1x64x576xf32> to vector<64x576xf32>
    %swap3A_61 = vector.shape_cast %mul3A_54 : vector<64x576xf32> to vector<1x1x64x576xf32>
    tpu.vector_store %arg6[%swap3A_55, %swap3A_56, %swap3A_57, %swap3A_58], %swap3A_61 {strides = array<i32>} : memref<4x1x64x576xf32, #tpu.memory_space<vmem>>, vector<1x1x64x576xf32>,
    %get3A_62 = arith.constant 1 : index
    %get3A_63 = arith.constant 0 : index
    %get3A_64 = arith.constant 0 : index
    %get3A_65 = vector.load %arg4[%get3A_62, %get3A_63, %get3A_64] : memref<4x576x1024xf32, #tpu.memory_space<vmem>>, vector<1x576x1024xf32>
    %get3A_66 = vector.shape_cast %get3A_65 : vector<1x576x1024xf32> to vector<576x1024xf32>
    %convert_element_type3A_67 = arith.truncf %get3A_66 : vector<576x1024xf32> to vector<576x1024xbf16>
    %get3A_68 = arith.constant 0 : index
    %get3A_69 = arith.constant 0 : index
    %get3A_70 = vector.load %arg2[%get3A_68, %get3A_69] : memref<64x1024xbf16, #tpu.memory_space<vmem>>, vector<64x1024xbf16>
    %dot_general3A_71 = arith.constant dense<0.000000e+00> : vector<64x576xf32>
    %dot_general3A_72 = tpu.matmul %get3A_70, %convert_element_type3A_67, %dot_general3A_71 {dimension_numbers = #tpu.dot_dimension_numbers<[1], [1], [0], [0], [0, 0, 1, 0], [], []>, transpose_lhs_hint = false} : vector<64x1024xbf16>, vector<576x1024xbf16>, vector<64x576xf32> -> vector<64x576xf32>
    %mul3A_73 = arith.constant 4 : i32
    %mul3A_74 = arith.muli %arg0, %mul3A_73 : i32
    %add3A_75 = arith.constant 1 : i32
    %add3A_76 = arith.addi %mul3A_74, %add3A_75 : i32
    %jit3A_77 = arith.constant 8 : i32
    %div3A_78 = arith.divsi %add3A_76, %jit3A_77 : i32
    %sign3A_79 = arith.constant 0 : i32
    %sign3A_80 = arith.cmpi sgt, %add3A_76, %sign3A_79 : i32
    %sign3A_81 = arith.extui %sign3A_80 : i1 to i32
    %sign3A_82 = arith.constant 0 : i32
    %sign3A_83 = arith.cmpi slt, %add3A_76, %sign3A_82 : i32
    %sign3A_84 = arith.extui %sign3A_83 : i1 to i32
    %sign3A_85 = arith.subi %sign3A_81, %sign3A_84 : i32
    %sign3A_86 = arith.constant 0 : i32
    %sign3A_87 = arith.cmpi sgt, %jit3A_77, %sign3A_86 : i32
    %sign3A_88 = arith.extui %sign3A_87 : i1 to i32
    %sign3A_89 = arith.constant 0 : i32
    %sign3A_90 = arith.cmpi slt, %jit3A_77, %sign3A_89 : i32
    %sign3A_91 = arith.extui %sign3A_90 : i1 to i32
    %sign3A_92 = arith.subi %sign3A_88, %sign3A_91 : i32
    %ne3A_93 = arith.cmpi ne, %sign3A_85, %sign3A_92 : i32
    %rem3A_94 = arith.remsi %add3A_76, %jit3A_77 : i32
    %ne3A_95 = arith.constant 0 : i32
    %ne3A_96 = arith.cmpi ne, %rem3A_94, %ne3A_95 : i32
    %and3A_97 = arith.andi %ne3A_93, %ne3A_96 : i1
    %sub3A_98 = arith.constant 1 : i32
    %sub3A_99 = arith.subi %div3A_78, %sub3A_98 : i32
    %select_n3A_100 = arith.select %and3A_97, %sub3A_99, %div3A_78 : i32
    %eq3A_101 = vector.broadcast %select_n3A_100 : i32 to vector<64x4xi32>
    %eq3A_102 = arith.cmpi eq, %iota3A, %eq3A_101 : vector<64x4xi32>
    %jit3A_103 = arith.constant 0.000000e+00 : f32
    %broadcast_in_dim3A_104 = vector.broadcast %jit3A_103 : f32 to vector<64x4xf32>
    %select_n3A_105 = arith.select %eq3A_102, %dot_general3A_5, %broadcast_in_dim3A_104 : vector<64x4xi1>, vector<64x4xf32>
    %reduce_sum3A_106 = arith.constant dense<0.000000e+00> : vector<64xf32>
    %reduce_sum3A_107 = vector.multi_reduction <add>, %select_n3A_105, %reduce_sum3A_106 [1] : vector<64x4xf32> to vector<64xf32>
    %broadcast_in_dim3A_108 = vector.shape_cast %reduce_sum3A_107 : vector<64xf32> to vector<64x1xf32>
    %add3A_109 = vector.broadcast %broadcast_in_dim3A_108 : vector<64x1xf32> to vector<64x576xf32>
    %add3A_110 = arith.addf %dot_general3A_72, %add3A_109 : vector<64x576xf32>
    %swap3A_111 = arith.constant 1 : index
    %swap3A_112 = arith.constant 0 : index
    %swap3A_113 = arith.constant 0 : index
    %swap3A_114 = arith.constant 0 : index
    %swap3A_115 = vector.load %arg5[%swap3A_111, %swap3A_112, %swap3A_113, %swap3A_114] : memref<4x1x64x576xf32, #tpu.memory_space<vmem>>, vector<1x1x64x576xf32>
    %swap3A_116 = vector.shape_cast %swap3A_115 : vector<1x1x64x576xf32> to vector<64x576xf32>
    %swap3A_117 = vector.shape_cast %add3A_110 : vector<64x576xf32> to vector<1x1x64x576xf32>
    tpu.vector_store %arg5[%swap3A_111, %swap3A_112, %swap3A_113, %swap3A_114], %swap3A_117 {strides = array<i32>} : memref<4x1x64x576xf32, #tpu.memory_space<vmem>>, vector<1x1x64x576xf32>,
    %exp3A_118 = math.exp %add3A_110 : vector<64x576xf32>
    %reduce_sum3A_119 = arith.constant dense<0.000000e+00> : vector<576xf32>
    %reduce_sum3A_120 = vector.multi_reduction <add>, %exp3A_118, %reduce_sum3A_119 [0] : vector<64x576xf32> to vector<576xf32>
    %broadcast_in_dim3A_121 = vector.shape_cast %reduce_sum3A_120 : vector<576xf32> to vector<1x576xf32>
    %div3A_122 = arith.constant 1.000000e+00 : f32
    %div3A_123 = vector.broadcast %div3A_122 : f32 to vector<1x576xf32>
    %div3A_124 = arith.divf %div3A_123, %broadcast_in_dim3A_121 : vector<1x576xf32>
    %mul3A_125 = vector.broadcast %div3A_124 : vector<1x576xf32> to vector<64x576xf32>
    %mul3A_126 = arith.mulf %exp3A_118, %mul3A_125 : vector<64x576xf32>
    %swap3A_127 = arith.constant 1 : index
    %swap3A_128 = arith.constant 0 : index
    %swap3A_129 = arith.constant 0 : index
    %swap3A_130 = arith.constant 0 : index
    %swap3A_131 = vector.load %arg6[%swap3A_127, %swap3A_128, %swap3A_129, %swap3A_130] : memref<4x1x64x576xf32, #tpu.memory_space<vmem>>, vector<1x1x64x576xf32>
    %swap3A_132 = vector.shape_cast %swap3A_131 : vector<1x1x64x576xf32> to vector<64x576xf32>
    %swap3A_133 = vector.shape_cast %mul3A_126 : vector<64x576xf32> to vector<1x1x64x576xf32>
    tpu.vector_store %arg6[%swap3A_127, %swap3A_128, %swap3A_129, %swap3A_130], %swap3A_133 {strides = array<i32>} : memref<4x1x64x576xf32, #tpu.memory_space<vmem>>, vector<1x1x64x576xf32>,
    %get3A_134 = arith.constant 2 : index
    %get3A_135 = arith.constant 0 : index
    %get3A_136 = arith.constant 0 : index
    %get3A_137 = vector.load %arg4[%get3A_134, %get3A_135, %get3A_136] : memref<4x576x1024xf32, #tpu.memory_space<vmem>>, vector<1x576x1024xf32>
    %get3A_138 = vector.shape_cast %get3A_137 : vector<1x576x1024xf32> to vector<576x1024xf32>
    %convert_element_type3A_139 = arith.truncf %get3A_138 : vector<576x1024xf32> to vector<576x1024xbf16>
    %get3A_140 = arith.constant 0 : index
    %get3A_141 = arith.constant 0 : index
    %get3A_142 = vector.load %arg2[%get3A_140, %get3A_141] : memref<64x1024xbf16, #tpu.memory_space<vmem>>, vector<64x1024xbf16>
    %dot_general3A_143 = arith.constant dense<0.000000e+00> : vector<64x576xf32>
    %dot_general3A_144 = tpu.matmul %get3A_142, %convert_element_type3A_139, %dot_general3A_143 {dimension_numbers = #tpu.dot_dimension_numbers<[1], [1], [0], [0], [0, 0, 1, 0], [], []>, transpose_lhs_hint = false} : vector<64x1024xbf16>, vector<576x1024xbf16>, vector<64x576xf32> -> vector<64x576xf32>
    %mul3A_145 = arith.constant 4 : i32
    %mul3A_146 = arith.muli %arg0, %mul3A_145 : i32
    %add3A_147 = arith.constant 2 : i32
    %add3A_148 = arith.addi %mul3A_146, %add3A_147 : i32
    %jit3A_149 = arith.constant 8 : i32
    %div3A_150 = arith.divsi %add3A_148, %jit3A_149 : i32
    %sign3A_151 = arith.constant 0 : i32
    %sign3A_152 = arith.cmpi sgt, %add3A_148, %sign3A_151 : i32
    %sign3A_153 = arith.extui %sign3A_152 : i1 to i32
    %sign3A_154 = arith.constant 0 : i32
    %sign3A_155 = arith.cmpi slt, %add3A_148, %sign3A_154 : i32
    %sign3A_156 = arith.extui %sign3A_155 : i1 to i32
    %sign3A_157 = arith.subi %sign3A_153, %sign3A_156 : i32
    %sign3A_158 = arith.constant 0 : i32
    %sign3A_159 = arith.cmpi sgt, %jit3A_149, %sign3A_158 : i32
    %sign3A_160 = arith.extui %sign3A_159 : i1 to i32
    %sign3A_161 = arith.constant 0 : i32
    %sign3A_162 = arith.cmpi slt, %jit3A_149, %sign3A_161 : i32
    %sign3A_163 = arith.extui %sign3A_162 : i1 to i32
    %sign3A_164 = arith.subi %sign3A_160, %sign3A_163 : i32
    %ne3A_165 = arith.cmpi ne, %sign3A_157, %sign3A_164 : i32
    %rem3A_166 = arith.remsi %add3A_148, %jit3A_149 : i32
    %ne3A_167 = arith.constant 0 : i32
    %ne3A_168 = arith.cmpi ne, %rem3A_166, %ne3A_167 : i32
    %and3A_169 = arith.andi %ne3A_165, %ne3A_168 : i1
    %sub3A_170 = arith.constant 1 : i32
    %sub3A_171 = arith.subi %div3A_150, %sub3A_170 : i32
    %select_n3A_172 = arith.select %and3A_169, %sub3A_171, %div3A_150 : i32
    %eq3A_173 = vector.broadcast %select_n3A_172 : i32 to vector<64x4xi32>
    %eq3A_174 = arith.cmpi eq, %iota3A, %eq3A_173 : vector<64x4xi32>
    %jit3A_175 = arith.constant 0.000000e+00 : f32
    %broadcast_in_dim3A_176 = vector.broadcast %jit3A_175 : f32 to vector<64x4xf32>
    %select_n3A_177 = arith.select %eq3A_174, %dot_general3A_5, %broadcast_in_dim3A_176 : vector<64x4xi1>, vector<64x4xf32>
    %reduce_sum3A_178 = arith.constant dense<0.000000e+00> : vector<64xf32>
    %reduce_sum3A_179 = vector.multi_reduction <add>, %select_n3A_177, %reduce_sum3A_178 [1] : vector<64x4xf32> to vector<64xf32>
    %broadcast_in_dim3A_180 = vector.shape_cast %reduce_sum3A_179 : vector<64xf32> to vector<64x1xf32>
    %add3A_181 = vector.broadcast %broadcast_in_dim3A_180 : vector<64x1xf32> to vector<64x576xf32>
    %add3A_182 = arith.addf %dot_general3A_144, %add3A_181 : vector<64x576xf32>
    %swap3A_183 = arith.constant 2 : index
    %swap3A_184 = arith.constant 0 : index
    %swap3A_185 = arith.constant 0 : index
    %swap3A_186 = arith.constant 0 : index
    %swap3A_187 = vector.load %arg5[%swap3A_183, %swap3A_184, %swap3A_185, %swap3A_186] : memref<4x1x64x576xf32, #tpu.memory_space<vmem>>, vector<1x1x64x576xf32>
    %swap3A_188 = vector.shape_cast %swap3A_187 : vector<1x1x64x576xf32> to vector<64x576xf32>
    %swap3A_189 = vector.shape_cast %add3A_182 : vector<64x576xf32> to vector<1x1x64x576xf32>
    tpu.vector_store %arg5[%swap3A_183, %swap3A_184, %swap3A_185, %swap3A_186], %swap3A_189 {strides = array<i32>} : memref<4x1x64x576xf32, #tpu.memory_space<vmem>>, vector<1x1x64x576xf32>,
    %exp3A_190 = math.exp %add3A_182 : vector<64x576xf32>
    %reduce_sum3A_191 = arith.constant dense<0.000000e+00> : vector<576xf32>
    %reduce_sum3A_192 = vector.multi_reduction <add>, %exp3A_190, %reduce_sum3A_191 [0] : vector<64x576xf32> to vector<576xf32>
    %broadcast_in_dim3A_193 = vector.shape_cast %reduce_sum3A_192 : vector<576xf32> to vector<1x576xf32>
    %div3A_194 = arith.constant 1.000000e+00 : f32
    %div3A_195 = vector.broadcast %div3A_194 : f32 to vector<1x576xf32>
    %div3A_196 = arith.divf %div3A_195, %broadcast_in_dim3A_193 : vector<1x576xf32>
    %mul3A_197 = vector.broadcast %div3A_196 : vector<1x576xf32> to vector<64x576xf32>
    %mul3A_198 = arith.mulf %exp3A_190, %mul3A_197 : vector<64x576xf32>
    %swap3A_199 = arith.constant 2 : index
    %swap3A_200 = arith.constant 0 : index
    %swap3A_201 = arith.constant 0 : index
    %swap3A_202 = arith.constant 0 : index
    %swap3A_203 = vector.load %arg6[%swap3A_199, %swap3A_200, %swap3A_201, %swap3A_202] : memref<4x1x64x576xf32, #tpu.memory_space<vmem>>, vector<1x1x64x576xf32>
    %swap3A_204 = vector.shape_cast %swap3A_203 : vector<1x1x64x576xf32> to vector<64x576xf32>
    %swap3A_205 = vector.shape_cast %mul3A_198 : vector<64x576xf32> to vector<1x1x64x576xf32>
    tpu.vector_store %arg6[%swap3A_199, %swap3A_200, %swap3A_201, %swap3A_202], %swap3A_205 {strides = array<i32>} : memref<4x1x64x576xf32, #tpu.memory_space<vmem>>, vector<1x1x64x576xf32>,
    %get3A_206 = arith.constant 3 : index
    %get3A_207 = arith.constant 0 : index
    %get3A_208 = arith.constant 0 : index
    %get3A_209 = vector.load %arg4[%get3A_206, %get3A_207, %get3A_208] : memref<4x576x1024xf32, #tpu.memory_space<vmem>>, vector<1x576x1024xf32>
    %get3A_210 = vector.shape_cast %get3A_209 : vector<1x576x1024xf32> to vector<576x1024xf32>
    %convert_element_type3A_211 = arith.truncf %get3A_210 : vector<576x1024xf32> to vector<576x1024xbf16>
    %get3A_212 = arith.constant 0 : index
    %get3A_213 = arith.constant 0 : index
    %get3A_214 = vector.load %arg2[%get3A_212, %get3A_213] : memref<64x1024xbf16, #tpu.memory_space<vmem>>, vector<64x1024xbf16>
    %dot_general3A_215 = arith.constant dense<0.000000e+00> : vector<64x576xf32>
    %dot_general3A_216 = tpu.matmul %get3A_214, %convert_element_type3A_211, %dot_general3A_215 {dimension_numbers = #tpu.dot_dimension_numbers<[1], [1], [0], [0], [0, 0, 1, 0], [], []>, transpose_lhs_hint = false} : vector<64x1024xbf16>, vector<576x1024xbf16>, vector<64x576xf32> -> vector<64x576xf32>
    %mul3A_217 = arith.constant 4 : i32
    %mul3A_218 = arith.muli %arg0, %mul3A_217 : i32
    %add3A_219 = arith.constant 3 : i32
    %add3A_220 = arith.addi %mul3A_218, %add3A_219 : i32
    %jit3A_221 = arith.constant 8 : i32
    %div3A_222 = arith.divsi %add3A_220, %jit3A_221 : i32
    %sign3A_223 = arith.constant 0 : i32
    %sign3A_224 = arith.cmpi sgt, %add3A_220, %sign3A_223 : i32
    %sign3A_225 = arith.extui %sign3A_224 : i1 to i32
    %sign3A_226 = arith.constant 0 : i32
    %sign3A_227 = arith.cmpi slt, %add3A_220, %sign3A_226 : i32
    %sign3A_228 = arith.extui %sign3A_227 : i1 to i32
    %sign3A_229 = arith.subi %sign3A_225, %sign3A_228 : i32
    %sign3A_230 = arith.constant 0 : i32
    %sign3A_231 = arith.cmpi sgt, %jit3A_221, %sign3A_230 : i32
    %sign3A_232 = arith.extui %sign3A_231 : i1 to i32
    %sign3A_233 = arith.constant 0 : i32
    %sign3A_234 = arith.cmpi slt, %jit3A_221, %sign3A_233 : i32
    %sign3A_235 = arith.extui %sign3A_234 : i1 to i32
    %sign3A_236 = arith.subi %sign3A_232, %sign3A_235 : i32
    %ne3A_237 = arith.cmpi ne, %sign3A_229, %sign3A_236 : i32
    %rem3A_238 = arith.remsi %add3A_220, %jit3A_221 : i32
    %ne3A_239 = arith.constant 0 : i32
    %ne3A_240 = arith.cmpi ne, %rem3A_238, %ne3A_239 : i32
    %and3A_241 = arith.andi %ne3A_237, %ne3A_240 : i1
    %sub3A_242 = arith.constant 1 : i32
    %sub3A_243 = arith.subi %div3A_222, %sub3A_242 : i32
    %select_n3A_244 = arith.select %and3A_241, %sub3A_243, %div3A_222 : i32
    %eq3A_245 = vector.broadcast %select_n3A_244 : i32 to vector<64x4xi32>
    %eq3A_246 = arith.cmpi eq, %iota3A, %eq3A_245 : vector<64x4xi32>
    %jit3A_247 = arith.constant 0.000000e+00 : f32
    %broadcast_in_dim3A_248 = vector.broadcast %jit3A_247 : f32 to vector<64x4xf32>
    %select_n3A_249 = arith.select %eq3A_246, %dot_general3A_5, %broadcast_in_dim3A_248 : vector<64x4xi1>, vector<64x4xf32>
    %reduce_sum3A_250 = arith.constant dense<0.000000e+00> : vector<64xf32>
    %reduce_sum3A_251 = vector.multi_reduction <add>, %select_n3A_249, %reduce_sum3A_250 [1] : vector<64x4xf32> to vector<64xf32>
    %broadcast_in_dim3A_252 = vector.shape_cast %reduce_sum3A_251 : vector<64xf32> to vector<64x1xf32>
    %add3A_253 = vector.broadcast %broadcast_in_dim3A_252 : vector<64x1xf32> to vector<64x576xf32>
    %add3A_254 = arith.addf %dot_general3A_216, %add3A_253 : vector<64x576xf32>
    %swap3A_255 = arith.constant 3 : index
    %swap3A_256 = arith.constant 0 : index
    %swap3A_257 = arith.constant 0 : index
    %swap3A_258 = arith.constant 0 : index
    %swap3A_259 = vector.load %arg5[%swap3A_255, %swap3A_256, %swap3A_257, %swap3A_258] : memref<4x1x64x576xf32, #tpu.memory_space<vmem>>, vector<1x1x64x576xf32>
    %swap3A_260 = vector.shape_cast %swap3A_259 : vector<1x1x64x576xf32> to vector<64x576xf32>
    %swap3A_261 = vector.shape_cast %add3A_254 : vector<64x576xf32> to vector<1x1x64x576xf32>
    tpu.vector_store %arg5[%swap3A_255, %swap3A_256, %swap3A_257, %swap3A_258], %swap3A_261 {strides = array<i32>} : memref<4x1x64x576xf32, #tpu.memory_space<vmem>>, vector<1x1x64x576xf32>,
    %exp3A_262 = math.exp %add3A_254 : vector<64x576xf32>
    %reduce_sum3A_263 = arith.constant dense<0.000000e+00> : vector<576xf32>
    %reduce_sum3A_264 = vector.multi_reduction <add>, %exp3A_262, %reduce_sum3A_263 [0] : vector<64x576xf32> to vector<576xf32>
    %broadcast_in_dim3A_265 = vector.shape_cast %reduce_sum3A_264 : vector<576xf32> to vector<1x576xf32>
    %div3A_266 = arith.constant 1.000000e+00 : f32
    %div3A_267 = vector.broadcast %div3A_266 : f32 to vector<1x576xf32>
    %div3A_268 = arith.divf %div3A_267, %broadcast_in_dim3A_265 : vector<1x576xf32>
    %mul3A_269 = vector.broadcast %div3A_268 : vector<1x576xf32> to vector<64x576xf32>
    %mul3A_270 = arith.mulf %exp3A_262, %mul3A_269 : vector<64x576xf32>
    %swap3A_271 = arith.constant 3 : index
    %swap3A_272 = arith.constant 0 : index
    %swap3A_273 = arith.constant 0 : index
    %swap3A_274 = arith.constant 0 : index
    %swap3A_275 = vector.load %arg6[%swap3A_271, %swap3A_272, %swap3A_273, %swap3A_274] : memref<4x1x64x576xf32, #tpu.memory_space<vmem>>, vector<1x1x64x576xf32>
    %swap3A_276 = vector.shape_cast %swap3A_275 : vector<1x1x64x576xf32> to vector<64x576xf32>
    %swap3A_277 = vector.shape_cast %mul3A_270 : vector<64x576xf32> to vector<1x1x64x576xf32>
    tpu.vector_store %arg6[%swap3A_271, %swap3A_272, %swap3A_273, %swap3A_274], %swap3A_277 {strides = array<i32>} : memref<4x1x64x576xf32, #tpu.memory_space<vmem>>, vector<1x1x64x576xf32>,
    return
  }
  func.func @transform_0(%arg0: i32) -> (i32, i32) {
    %c0_i32 = arith.constant 0 : i32
    %c0_i32_0 = arith.constant 0 : i32
    %c0_i32_1 = arith.constant 0 : i32
    return %c0_i32, %c0_i32_0 : i32, i32
  }
  func.func @transform_1(%arg0: i32) -> (i32, i32) {
    %c0_i32 = arith.constant 0 : i32
    %c0_i32_0 = arith.constant 0 : i32
    %c0_i32_1 = arith.constant 0 : i32
    return %c0_i32, %c0_i32_0 : i32, i32
  }
  func.func @transform_2(%arg0: i32) -> (i32, i32) {
    %c0_i32 = arith.constant 0 : i32
    %c0_i32_0 = arith.constant 0 : i32
    %c0_i32_1 = arith.constant 0 : i32
    return %c0_i32, %c0_i32_0 : i32, i32
  }
  func.func @transform_3(%arg0: i32) -> (i32, i32, i32) {
    %c0_i32 = arith.constant 0 : i32
    %c0_i32_0 = arith.constant 0 : i32
    %c0_i32_1 = arith.constant 0 : i32
    return %arg0, %c0_i32, %c0_i32_0 : i32, i32, i32
  }
  func.func @transform_4(%arg0: i32) -> (i32, i32, i32, i32) {
    %c0_i32 = arith.constant 0 : i32
    %c0_i32_0 = arith.constant 0 : i32
    %c0_i32_1 = arith.constant 0 : i32
    %c0_i32_2 = arith.constant 0 : i32
    return %arg0, %c0_i32, %c0_i32_0, %c0_i32_1 : i32, i32, i32, i32
  }
  func.func @transform_5(%arg0: i32) -> (i32, i32, i32, i32) {
    %c0_i32 = arith.constant 0 : i32
    %c0_i32_0 = arith.constant 0 : i32
    %c0_i32_1 = arith.constant 0 : i32
    %c0_i32_2 = arith.constant 0 : i32
    return %arg0, %c0_i32, %c0_i32_0, %c0_i32_1 : i32, i32, i32, i32
  }
}

</mosaic_0001>

<sc_bundles>
// kernel: kernel.4.cloned.1.call-start
scs
__scs_entry_jumppad:
0x0: {  	(pc) =	sbr.rel $0x88, $3  }
0x1: {  	(tag) =	ssettag $0x0;
	lr =	simm.s32 $0x1  }
0x2: {  	[smem:$0x3F9E] =	sst lr;
	_ =	strace $0xD0000000  }
0x3: {  	_ = 	snop  }
0x4: {  	_ = 	snop  }
0x5: {  	_ = 	snop  }
0x6: {  	_ = 	snop  }
0x7: {  	_ = 	snop  }
__scs_overlays_trampoline_lowered:
0x8: {  	[smem:$0x3FAD] =	sst s0  }
0x9: {  	[smem:$0x3FAE] =	sst s1  }
0xa: {  	[smem:$0x3FAF] =	sst s2  }
0xb: {  	[smem:$0x3FB0] =	sst s3  }
0xc: {  	[smem:$0x3FB1] =	sst s4  }
0xd: {  	[smem:$0x3FB2] =	sst s5  }
0xe: {  	[smem:$0x3FB3] =	sst s6  }
0xf: {  	[smem:$0x3FB4] =	sst s7  }
0x10: {  	[smem:$0x3FB5] =	sst s8  }
0x11: {  	[smem:$0x3FB6] =	sst s9;
	s0 =	simm.s32 @!p0 $0x0  }
0x12: {  	s1 =	sld [smem:$0x3F9C];
	s0 =	simm.s32 @p0 $0x1  }
0x13: {  	[smem:$0x3FB7] =	sst s0;
	s0 =	simm.s32 @!p1 $0x0  }
0x14: {  	s2 =	sld [smem:$0x3F9B];
	s0 =	simm.s32 @p1 $0x1  }
0x15: {  	[smem:$0x3FB8] =	sst s0;
	s0 =	simm.s32 @!p2 $0x0  }
0x16: {  	s3 =	sld [smem:$0x3FDB];
	s0 =	simm.s32 @p2 $0x1  }
0x17: {  	s4 =	simm.s32 $0x1BF5;
	[smem:$0x3FBA] =	sst s0  }
0x18: {  	s0 =	sld [smem:$0x3F9D];
	_ =	swait.ge [sflag:s4], $0x0  }
0x19: {  	s7 =	sld [smem:$0x3F9E]  }
0x1a: {  	s8 =	sadd.s32 $0xFFFFE003, lr  }
0x1b: {  	s9 =	sadd.s32 $0xFFFFFEF7, lr;
	s5 =	simm.s32 $0xFFFFFFFF;
	p2 =	slt.u32 s8, $0xFFFFF086  }
0x1c: {  	p1 =	slt.u32 s9, $0xF7A;
	s5 =	simm.s32 @!p2 $0x0  }
0x1d: {  	s5 =	simm.s32 @p1 $0x1;
	p0 =	seq.s32 s7, s2  }
0x1e: {  	s7 =	smul.u32 @!p0 $0xF7A, s2;
	p2 =	seq.s32 @!p0 s5, $0x0  }
0x1f: {  	s9 =	smul.u32 $0xF7A, s1;
	s8 =	simm.s32 @!p0 $0x1BF5;
	p2 =	por !p2, p0  }
0x20: {  	[sflag:s8] =	ssyncset.s32 @!p0 $0xFFFFF086;
	s6 =	sadd.s32 @!p0 s3, s7;
	s7 =	simm.s32 @!p0 $0x108  }
0x21: {  	s3 =	sadd.s32 s3, s9;
	s6 =	sadd.s32 @!p0 $0x88, s6;
	s7 =	simm.s32 @p2 $0x1082  }
0x22: {  	[simem:s7], [sflag:s8] =	dma.local @!p0 [hbm:s6], $0xF7A  }
0x23: {  	s9 =	sor.u32 $0xD0000000, s2;
	s6 =	simm.s32 $0x108;
	_ =	swait.ge @!p0 [sflag:s8], $0x0  }
0x24: {  	s3 =	sadd.s32 $0x88, s3;
	s6 =	simm.s32 @!p1 $0x1082;
	[sflag:s4] =	ssyncset.s32 $0xFFFFF086  }
0x25: {  	[simem:s6], [sflag:s4] =	dma.local [hbm:s3], $0xF7A  }
0x26: {  	[smem:$0x3F9E] =	sst s1;
	(tag) =	ssettag s2;
	_ =	strace s9  }
0x27: {  	s1 =	sld [smem:$0x3FAE]  }
0x28: {  	s2 =	sld [smem:$0x3FAF]  }
0x29: {  	s4 =	sld [smem:$0x3FB1]  }
0x2a: {  	p0 =	seq.s32 s5, $0x0;
	s5 =	sld [smem:$0x3FB2]  }
0x2b: {  	s6 =	sld [smem:$0x3FB3]  }
0x2c: {  	s7 =	sld [smem:$0x3FB4]  }
0x2d: {  	s3 =	simm.s32 $0x108;
	s8 =	sld [smem:$0x3FB5]  }
0x2e: {  	s3 =	simm.s32 @!p0 $0x1082;
	s9 =	sld [smem:$0x3FB6]  }
0x2f: {  	lr =	sadd.s32 s0, s3;
	s0 =	sld [smem:$0x3FAD]  }
0x30: {  	s3 =	sld [smem:$0x3FB0]  }
0x31: {  	[smem:$0x3FB9] =	sst s10  }
0x32: {  	s10 =	sld [smem:$0x3FB7];
	_ =	sdelay $0x3  }
0x33: {  	p0 =	seq.s32 s10, $0x1;
	s10 =	sld [smem:$0x3FB9];
	_ =	sdelay $0x3  }
0x34: {  	[smem:$0x3FB9] =	sst s10  }
0x35: {  	s10 =	sld [smem:$0x3FB8];
	_ =	sdelay $0x3  }
0x36: {  	p1 =	seq.s32 s10, $0x1;
	s10 =	sld [smem:$0x3FB9];
	_ =	sdelay $0x3  }
0x37: {  	[smem:$0x3FB9] =	sst s10  }
0x38: {  	s10 =	sld [smem:$0x3FBA]  }
0x39: {  	_ = 	snop;
	(pc) =	sbr.ind lr, $3  }
0x3a: {  	_ = 	snop  }
0x3b: {  	_ = 	snop  }
0x3c: {  	p2 =	seq.s32 s10, $0x1;
	s10 =	sld [smem:$0x3FB9]  }
0x3d: {  	_ =	shalt  }
0x3e: {  	_ =	shalt  }
0x3f: {  	_ =	shalt  }
0x40: {  	_ =	shalt  }
0x41: {  	_ =	shalt  }
0x42: {  	_ =	shalt  }
0x43: {  	_ =	shalt  }
0x44: {  	_ =	shalt  }
0x45: {  	_ =	shalt  }
0x46: {  	_ =	shalt  }
0x47: {  	_ =	shalt  }
0x48: {  	_ =	shalt  }
0x49: {  	_ =	shalt  }
0x4a: {  	_ =	shalt  }
0x4b: {  	_ =	shalt  }
0x4c: {  	_ =	shalt  }
0x4d: {  	_ =	shalt  }
0x4e: {  	_ =	shalt  }
0x4f: {  	_ =	shalt  }
0x50: {  	_ =	shalt  }
0x51: {  	_ =	shalt  }
0x52: {  	_ =	shalt  }
0x53: {  	_ =	shalt  }
0x54: {  	_ =	shalt  }
0x55: {  	_ =	shalt  }
0x56: {  	_ =	shalt  }
0x57: {  	_ =	shalt  }
0x58: {  	_ =	shalt  }
0x59: {  	_ =	shalt  }
0x5a: {  	_ =	shalt  }
0x5b: {  	_ =	shalt  }
0x5c: {  	_ =	shalt  }
0x5d: {  	_ =	shalt  }
0x5e: {  	_ =	shalt  }
0x5f: {  	_ =	shalt  }
0x60: {  	_ =	shalt  }
0x61: {  	_ =	shalt  }
0x62: {  	_ =	shalt  }
0x63: {  	_ =	shalt  }
0x64: {  	_ =	shalt  }
0x65: {  	_ =	shalt  }
0x66: {  	_ =	shalt  }
0x67: {  	_ =	shalt  }
0x68: {  	_ =	shalt  }
0x69: {  	_ =	shalt  }
0x6a: {  	_ =	shalt  }
0x6b: {  	_ =	shalt  }
0x6c: {  	_ =	shalt  }
0x6d: {  	_ =	shalt  }
0x6e: {  	_ =	shalt  }
0x6f: {  	_ =	shalt  }
0x70: {  	_ =	shalt  }
0x71: {  	_ =	shalt  }
0x72: {  	_ =	shalt  }
0x73: {  	_ =	shalt  }
0x74: {  	_ =	shalt  }
0x75: {  	_ =	shalt  }
0x76: {  	_ =	shalt  }
0x77: {  	_ =	shalt  }
0x78: {  	_ =	shalt  }
0x79: {  	_ =	shalt  }
0x7a: {  	_ =	shalt  }
0x7b: {  	_ =	shalt  }
0x7c: {  	_ =	shalt  }
0x7d: {  	_ =	shalt  }
0x7e: {  	_ =	shalt  }
0x7f: {  	_ =	shalt  }
0x80: {  	_ =	shalt  }
0x81: {  	_ =	shalt  }
0x82: {  	_ =	shalt  }
0x83: {  	_ =	shalt  }
0x84: {  	_ =	shalt  }
0x85: {  	_ =	shalt  }
0x86: {  	_ =	shalt  }
0x87: {  	_ =	shalt  }
.Lfunc_end0:
.L_simem_size_0:
called_computation_lowered:
.L_overlay_start_0:
0x88: {  	s2 =	sld [smem:$0x3FD9]  }
0x89: {  	s3 =	sld [smem:$0x3FFE];
	_ =	sdelay $0x1  }
0x8a: {  	s1 =	srdreg.scid  }
0x8b: {  	s0 =	sand.u32 $0x1, s1  }
0x8c: {  	s15 =	sshll.u32 s0, $0xA;
	s2 =	sadd.s32 s3, s2  }
0x8d: {  	s2 =	sadd.s32 s2, s15  }
0x8e: {  	[smem:$0x3FC5] =	sst s2  }
0x8f: {  	_ = 	snop  }
0x90: {  	s2 =	sld [smem:$0x3FD0];
	_ =	sdelay $0x2  }
0x91: {  	s16 =	simm.s32 $0xA;
	s4 =	simm.s32 $0x10  }
0x92: {  	[smem:s4], [sflag:s16] =	dma.local [hbm:s2], $0x1  }
0x93: {  	_ =	swait.eq [sflag:s16], $0x1  }
0x94: {  	s17 =	sld [smem:$0x10];
	[sflag:s16] =	ssyncset.done $0x0  }
0x95: {  	s18 =	sld [smem:$0x11];
	[sflag:s16] =	ssyncadd.s32 $0xFFFFFFFF  }
0x96: {  	s19 =	sld [smem:$0x12];
	(tm) =	ssettm $0x1  }
0x97: {  	s5 =	sld [smem:$0x3FFB];
	_ =	sdelay $0x3  }
0x98: {  	_ =	strace s5  }
0x99: {  	s5 =	sld [smem:$0x3FFC];
	_ =	sdelay $0x3  }
0x9a: {  	_ =	strace s5  }
0x9b: {  	s5 =	sld [smem:$0x3FFD];
	_ =	sdelay $0x3  }
0x9c: {  	_ =	strace s5  }
0x9d: {  	_ =	strace $0x8FFFFFFF  }
0x9e: {  	s20 =	sld [smem:$0x3FDB];
	_ =	sdelay $0x1  }
0x9f: {  	s6 =	simm.s32 $_scs_section_size  }
0xa0: {  	s7 =	simm.s32 $_size__tile_overlayer_lowered;
	s8 =	simm.s32 $_tile_overlayer_lowered  }
0xa1: {  	s23 =	simm.s32 $0x1BFF;
	s22 =	sshll.u32 s8, $0x1;
	s5 =	sadd.s32 s6, s20  }
0xa2: {  	s9 =	simm.s32 $0x0;
	s21 =	sshll.u32 s7, $0x1;
	s7 =	sadd.s32 s22, s5  }
0xa3: {  	[timem:s9], [sflag:s23] =	dma.local [hbm:s7], s21  }
0xa4: {  	_ =	swait.ge [sflag:s23], s21  }
0xa5: {  	s6 =	ssub.s32 $0x0, s21;
	[sflag:s23] =	ssyncset.done $0x0  }
0xa6: {  	[sflag:s23] =	ssyncadd.s32 s6;
	_ =	sdelay $0x1  }
0xa7: {  	s24 =	simm.s32 $0x1B8B  }
0xa8: {  	_ =	swait.ge [sflag:s24], $0x1  }
0xa9: {  	[sflag:s24] =	ssyncset.done $0x0  }
0xaa: {  	s25 =	simm.s32 $0x1B8E;
	[sflag:s24] =	ssyncadd.s32 $0xFFFFFFFF  }
0xab: {  	s26 =	simm.s32 $execute0_lowered;
	[smem:$0x3FD2] =	sst s25  }
0xac: {  	s6 =	sshll.u32 s26, $0x1;
	_ =	strace $0x80000046;
	[dreg:$0x1] =	wrdreg $0xFFFFFFFF  }
0xad: {  	s28 =	simm.s32 $_size_execute0_lowered;
	s5 =	sadd.s32 s5, s6;
	[dreg:$0x0] =	wrdreg $0x0  }
0xae: {  	s6 =	sshll.u32 s28, $0x1;
	[dreg:$0x2] =	wrdreg s5  }
0xaf: {  	[dreg:$0x3] =	wrdreg s6  }
0xb0: {  	[dreg:$0x4] =	wrdreg $0xC0  }
0xb1: {  	_ =	task [dreg:s9], $0x5FFFF  }
0xb2: {  	[dreg:$0x1] =	wrdreg $0xFFFFFFFF  }
0xb3: {  	[dreg:$0x0] =	wrdreg $0x60  }
0xb4: {  	[dreg:$0x2] =	wrdreg s19  }
0xb5: {  	[dreg:$0x3] =	wrdreg s17  }
0xb6: {  	[dreg:$0x4] =	wrdreg s18  }
0xb7: {  	[dreg:$0x5] =	wrdreg $0x9  }
0xb8: {  	_ =	task.clear_ibuf [dreg:s9], $0x6FFFF;
	_ =	strace $0x90000046  }
0xb9: {  	s29 =	simm.s32 $0x9;
	_ =	strace $0x80000048  }
0xba: {  	_ =	swait.ge [sflag:s29], $0x1  }
0xbb: {  	[sflag:s29] =	ssyncadd.s32 $0xFFFFFFFF  }
0xbc: {  	_ =	strace $0x90000048  }
0xbd: {  	_ =	sfence  }
0xbe: {  	s30 =	sld [smem:$0x0];
	_ =	sdelay $0x2  }
0xbf: {  	s31 =	sshll.u32 s1, $0xD;
	s1 =	sshrl.u32 s1, $0x2  }
0xc0: {  	s3 =	sand.u32 $0x4000, s31;
	s1 =	sadd.s32 s1, s30  }
0xc1: {  	s0 =	sor.u32 s3, s0;
	s1 =	sshll.u32 s1, $0x11  }
0xc2: {  	s0 =	sor.u32 s1, s0  }
0xc3: {  	s0 =	sadd.s32 $0x8F2B, s0  }
0xc4: {  	[sflag:s0] =	ssyncadd.remote.s32 $0x1  }
0xc5: {  	_ =	sfence.sel $0xFFFF  }
0xc6: {  	[dreg:$0x0] =	wrdreg $0xFFFFFFFF;
	(pc) =	sbr.abs _section_cstart, $3  }
0xc7: {  	[dreg:$0x1] =	wrdreg $0xFFFFFFFF  }
0xc8: {  	_ =	task.clear_ibuf [dreg:s9], $0x2FFFF;
	_ =	strace $0x9FFFFFFF  }
0xc9: {  	(tm) =	ssettm $0x7FFFFFFF  }
tec
execute0_lowered:
.L_overlay_start_1:
0x0: {  	(tag) =	ssettag $0x1  }
0x1: {  	s3 =	rddreg [dreg:$0x0];
	s1 =	srdreg.scid  }
0x2: {  	s0 =	stileid.u32;
	s4 =	rddreg [dreg:$0x1]  }
0x3: {  	s6 =	rddreg [dreg:$0x2];
	s5 =	sand.u32 $0x1, s1;
	s31 =	sshll.u32 s0, $0x1  }
0x4: {  	s2 =	simm.s32 $0x0;
	s10 =	simm.s32 $0x0;
	s7 =	sor.u32 s5, s31  }
0x5: {  	s1 =	rddreg [dreg:$0x3];
	s5 =	ssub.s32 $0x2, s5;
	s8 =	smul.u32 $0x1400, s7  }
0x6: {  	[smem:$0x7FF] =	sst s2;
	s7 =	smul.u32 $0x280, s7;
	s9 =	sshrl.u32 s5, $0x1  }
0x7: {  	_ =	strace $0x80000047;
	s9 =	ssub.s32 s5, s9;
	s3 =	sadd.s32 s3, s8  }
0x8: {  	s4 =	sadd.s32 s4, s7;
	s5 =	sadd.s32 s6, s7;
	s6 =	smax.u32 s9, $0x1  }
0x9: {  	s7 =	simm.s32 $0x1;
	s8 =	simm.s32 $0xA000;
	s9 =	simm.s32 $0xB400  }
.LBB2_1:
0xa: {  	[tilespmem:s2], [sflag:$0x1] =	stream.linear.gather [hbm4b:s3+s2], $0xA000, $0x38;
	[tilespmem:$0xC800] =	vst v63  }
0xb: {  	_ =	swait.ge [sflag:s7], $0xA000  }
0xc: {  	[sflag:s7] =	ssyncset.done $0x0  }
0xd: {  	s11 =	simm.s32 $0x0;
	s12 =	simm.s32 $0x0;
	[sflag:s7] =	ssyncadd.s32 $0xFFFF6000  }
.LBB2_2:
0xe: {  	s13 =	sand.u32 $0x70, s12;
	s14 =	sand.u32 $0x1C00, s11  }
0xf: {  	s13 =	sor.u32 s13, s14  }
0x10: {  	v0 =	vld [tilespmem:s13+$0x0]  }
0x11: {  	v1 =	vld [tilespmem:s13+$0x80]  }
0x12: {  	v2 =	vld [tilespmem:s13+$0x100]  }
0x13: {  	v3 =	vld [tilespmem:s13+$0x180]  }
0x14: {  	s31 =	sor.u32 s11, s12;
	v6 =	vld [tilespmem:s13+$0x280]  }
0x15: {  	s14 =	sor.u32 $0x380, s31;
	v8 =	vld [tilespmem:s13+$0x300]  }
0x16: {  	v9 =	vld [tilespmem:s14+$0x0]  }
0x17: {  	v11 =	vld [tilespmem:s13+$0x1400]  }
0x18: {  	v13 =	vld [tilespmem:s13+$0x1480]  }
0x19: {  	v56 =	vld [tilespmem:s13+$0x1500];
	_ =	sdelay $0x1  }
0x1a: {  	v20 =	vld [tilespmem:s13+$0x200];
	v0 =	vor.u32 $0x3F, v0  }
0x1b: {  	v1 =	vand.u32 $0xFFFFFFC0, v1;
	v2 =	vand.u32 $0xFFFFFFC0, v2;
	v3 =	vand.u32 $0xFFFFFFC0, v3  }
0x1c: {  	v6 =	vand.u32 $0xFFFFFFC0, v6;
	v8 =	vand.u32 $0xFFFFFFC0, v8;
	v9 =	vand.u32 $0xFFFFFFC0, v9  }
0x1d: {  	v17 =	vld [tilespmem:s13+$0x1580];
	v11 =	vand.u32 $0xFFFFFFC0, v11;
	v13 =	vand.u32 $0xFFFFFFC0, v13;
	v61 =	vand.u32 $0xFFFFFFC0, v56  }
0x1e: {  	vm0 =	vgt.s32 v0, $0x0;
	v1 =	vor.u32 $0x3E, v1;
	v19 =	vor.u32 $0x3D, v2  }
0x1f: {  	v3 =	vor.u32 $0x3C, v3;
	v2 =	vand.u32 $0xFFFFFFC0, v20;
	v27 =	vor.u32 $0x3A, v6  }
0x20: {  	v32 =	vor.u32 $0x39, v8;
	v38 =	vor.u32 $0x38, v9;
	v0 =	vnsel vm0, $0x0, v0  }
0x21: {  	v45 =	vor.u32 $0x37, v11;
	v53 =	vor.u32 $0x36, v13;
	vm0 =	vlt.s32 v0, v1  }
0x22: {  	v13 =	vand.u32 $0xFFFFFFC0, v17;
	v4 =	vsel vm0, v1, v0;
	v0 =	vsel vm0, v0, v1  }
0x23: {  	v2 =	vor.u32 $0x3B, v2;
	vm0 =	vgt.s32 v0, $0x0;
	vm1 =	vlt.s32 v4, v19  }
0x24: {  	v0 =	vnsel vm0, $0x0, v0;
	v5 =	vsel vm1, v4, v19;
	v1 =	vsel vm1, v19, v4  }
0x25: {  	v13 =	vor.u32 $0x34, v13;
	vm0 =	vlt.s32 v0, v5;
	vm1 =	vlt.s32 v1, v3  }
0x26: {  	v21 =	vsel vm0, v0, v5;
	v0 =	vsel vm0, v5, v0;
	v22 =	vsel vm1, v1, v3  }
0x27: {  	v1 =	vsel vm1, v3, v1;
	vm14 =	vgt.s32 v21, $0x0;
	vm15 =	vlt.s32 v0, v22  }
0x28: {  	vm2 =	vlt.s32 v1, v2;
	v4 =	vnsel vm14, $0x0, v21;
	v23 =	vsel vm15, v0, v22  }
0x29: {  	v0 =	vsel vm15, v22, v0;
	v7 =	vsel vm2, v1, v2;
	v1 =	vsel vm2, v2, v1  }
0x2a: {  	vm4 =	vlt.s32 v4, v23;
	vm6 =	vlt.s32 v0, v7;
	vm8 =	vlt.s32 v1, v27  }
0x2b: {  	v24 =	vsel vm4, v4, v23;
	v3 =	vsel vm4, v23, v4;
	v26 =	vsel vm6, v0, v7  }
0x2c: {  	v0 =	vsel vm6, v7, v0;
	v29 =	vsel vm8, v1, v27;
	v1 =	vsel vm8, v27, v1  }
0x2d: {  	vm5 =	vgt.s32 v24, $0x0;
	vm7 =	vlt.s32 v3, v26;
	vm10 =	vlt.s32 v0, v29  }
0x2e: {  	vm13 =	vlt.s32 v1, v32;
	v25 =	vnsel vm5, $0x0, v24;
	v28 =	vsel vm7, v3, v26  }
0x2f: {  	v3 =	vsel vm7, v26, v3;
	v31 =	vsel vm10, v0, v29;
	v0 =	vsel vm10, v29, v0  }
0x30: {  	v34 =	vsel vm13, v1, v32;
	v1 =	vsel vm13, v32, v1;
	vm9 =	vlt.s32 v25, v28  }
0x31: {  	vm12 =	vlt.s32 v3, v31;
	vm15 =	vlt.s32 v0, v34;
	v30 =	vsel vm9, v28, v25  }
0x32: {  	v4 =	vsel vm9, v25, v28;
	v33 =	vsel vm12, v3, v31;
	v3 =	vsel vm12, v31, v3  }
0x33: {  	v36 =	vsel vm15, v0, v34;
	vm9 =	vlt.s32 v1, v38;
	v0 =	vsel vm15, v34, v0  }
0x34: {  	vm11 =	vgt.s32 v4, $0x0;
	vm14 =	vlt.s32 v30, v33;
	vm7 =	vlt.s32 v3, v36  }
0x35: {  	v40 =	vsel vm9, v1, v38;
	v1 =	vsel vm9, v38, v1;
	v4 =	vnsel vm11, $0x0, v4  }
0x36: {  	v35 =	vsel vm14, v30, v33;
	v7 =	vsel vm14, v33, v30;
	v37 =	vsel vm7, v3, v36  }
0x37: {  	v3 =	vsel vm7, v36, v3;
	vm11 =	vlt.s32 v0, v40;
	vm4 =	vlt.s32 v1, v45  }
0x38: {  	vm6 =	vlt.s32 v4, v35;
	vm8 =	vlt.s32 v7, v37;
	v42 =	vsel vm11, v0, v40  }
0x39: {  	v25 =	vld [tilespmem:s13+$0x1600];
	v0 =	vsel vm11, v40, v0;
	v47 =	vsel vm4, v1, v45;
	v1 =	vsel vm4, v45, v1  }
0x3a: {  	v10 =	vsel vm6, v35, v4;
	v4 =	vsel vm6, v4, v35;
	v39 =	vsel vm8, v7, v37  }
0x3b: {  	v6 =	vsel vm8, v37, v7;
	vm13 =	vlt.s32 v3, v42;
	vm9 =	vlt.s32 v0, v47  }
0x3c: {  	v33 =	vld [tilespmem:s13+$0x1680];
	vm3 =	vgt.s32 v4, $0x0;
	vm10 =	vlt.s32 v10, v39;
	v44 =	vsel vm13, v3, v42  }
0x3d: {  	v3 =	vsel vm13, v42, v3;
	v48 =	vsel vm9, v0, v47;
	v0 =	vsel vm9, v47, v0  }
0x3e: {  	v30 =	vand.u32 $0xFFFFFFC0, v25;
	v4 =	vnsel vm3, $0x0, v4;
	v41 =	vsel vm10, v10, v39  }
0x3f: {  	v9 =	vsel vm10, v39, v10;
	vm14 =	vlt.s32 v6, v44;
	vm11 =	vlt.s32 v3, v48  }
0x40: {  	vm12 =	vlt.s32 v4, v41;
	v46 =	vsel vm14, v6, v44;
	v6 =	vsel vm14, v44, v6  }
0x41: {  	v50 =	vsel vm11, v3, v48;
	v3 =	vsel vm11, v48, v3;
	v38 =	vand.u32 $0xFFFFFFC0, v33  }
0x42: {  	v43 =	vsel vm12, v41, v4;
	v4 =	vsel vm12, v4, v41;
	vm8 =	vlt.s32 v9, v46  }
0x43: {  	vm13 =	vlt.s32 v6, v50;
	vm15 =	vgt.s32 v4, $0x0;
	v12 =	vsel vm8, v9, v46  }
0x44: {  	v9 =	vsel vm8, v46, v9;
	v52 =	vsel vm13, v6, v50;
	v6 =	vsel vm13, v50, v6  }
0x45: {  	v4 =	vnsel vm15, $0x0, v4;
	vm10 =	vlt.s32 v43, v12;
	vm14 =	vlt.s32 v9, v52  }
0x46: {  	vm15 =	vlt.s32 v1, v53;
	v49 =	vsel vm10, v43, v12;
	v10 =	vsel vm10, v12, v43  }
0x47: {  	v54 =	vsel vm14, v9, v52;
	v55 =	vsel vm15, v1, v53;
	v8 =	vsel vm14, v52, v9  }
0x48: {  	v50 =	vld [tilespmem:s13+$0x1780];
	v1 =	vsel vm15, v53, v1;
	v9 =	vor.u32 $0x32, v38;
	vm12 =	vlt.s32 v4, v49  }
0x49: {  	vm5 =	vlt.s32 v10, v54;
	vm6 =	vlt.s32 v0, v55;
	v51 =	vsel vm12, v49, v4  }
0x4a: {  	v4 =	vsel vm12, v4, v49;
	v57 =	vsel vm5, v10, v54;
	v58 =	vsel vm6, v0, v55  }
0x4b: {  	v5 =	vsel vm5, v54, v10;
	v10 =	vor.u32 $0x35, v61;
	v0 =	vsel vm6, v55, v0  }
0x4c: {  	vm7 =	vlt.s32 v51, v57;
	vm8 =	vlt.s32 v3, v58;
	vm3 =	vlt.s32 v1, v10  }
0x4d: {  	v56 =	vand.u32 $0xFFFFFFC0, v50;
	v59 =	vsel vm7, v51, v57;
	v11 =	vsel vm7, v57, v51  }
0x4e: {  	v42 =	vld [tilespmem:s13+$0x1700];
	v60 =	vsel vm8, v3, v58;
	v3 =	vsel vm8, v58, v3;
	v16 =	vsel vm3, v1, v10  }
0x4f: {  	v1 =	vsel vm3, v10, v1;
	v10 =	vor.u32 $0x30, v56;
	vm9 =	vgt.s32 v4, v59  }
0x50: {  	vm10 =	vlt.s32 v6, v60;
	vm13 =	vlt.s32 v0, v16;
	vm3 =	vlt.s32 v1, v13  }
0x51: {  	v4 =	vsel vm9, v4, v59;
	v62 =	vsel vm10, v6, v60;
	v6 =	vsel vm10, v60, v6  }
0x52: {  	v19 =	vsel vm13, v0, v16;
	v0 =	vsel vm13, v16, v0;
	v24 =	vsel vm3, v1, v13  }
0x53: {  	v1 =	vsel vm3, v13, v1;
	v13 =	vand.u32 $0xFFFFFFC0, v42;
	vm11 =	vlt.s32 v8, v62  }
0x54: {  	vm15 =	vlt.s32 v3, v19;
	vm2 =	vlt.s32 v0, v24;
	v13 =	vor.u32 $0x31, v13  }
0x55: {  	v59 =	vld [tilespmem:s13+$0x2800];
	v63 =	vsel vm11, v8, v62;
	v2 =	vsel vm11, v62, v8;
	v21 =	vsel vm15, v3, v19  }
0x56: {  	v3 =	vsel vm15, v19, v3;
	v14 =	vsel vm2, v0, v24;
	vm12 =	vlt.s32 v5, v63  }
0x57: {  	v0 =	vsel vm2, v24, v0;
	vm8 =	vlt.s32 v6, v21;
	v18 =	vsel vm12, v5, v63  }
0x58: {  	v5 =	vsel vm12, v63, v5;
	v22 =	vsel vm8, v6, v21;
	v6 =	vsel vm8, v21, v6  }
0x59: {  	vm12 =	vlt.s32 v3, v14;
	vm14 =	vlt.s32 v11, v18;
	vm9 =	vlt.s32 v2, v22  }
0x5a: {  	v28 =	vsel vm12, v3, v14;
	v3 =	vsel vm12, v14, v3;
	v16 =	vand.u32 $0xFFFFFFC0, v59  }
0x5b: {  	v20 =	vsel vm14, v18, v11;
	v8 =	vsel vm14, v11, v18;
	v23 =	vsel vm9, v2, v22  }
0x5c: {  	v2 =	vsel vm9, v22, v2;
	vm14 =	vlt.s32 v6, v28;
	v11 =	vor.u32 $0x33, v30  }
0x5d: {  	vm0 =	vgt.s32 v4, v8;
	vm10 =	vlt.s32 v5, v23;
	v29 =	vsel vm14, v6, v28  }
0x5e: {  	vm6 =	vlt.s32 v1, v11;
	v6 =	vsel vm14, v28, v6;
	v4 =	vsel vm0, v4, v8  }
0x5f: {  	v26 =	vsel vm10, v5, v23;
	v5 =	vsel vm10, v23, v5;
	vm15 =	vlt.s32 v2, v29  }
0x60: {  	v32 =	vsel vm6, v1, v11;
	v1 =	vsel vm6, v11, v1;
	v11 =	vor.u32 $0x2F, v16  }
0x61: {  	vm11 =	vlt.s32 v20, v26;
	v31 =	vsel vm15, v2, v29;
	vm8 =	vlt.s32 v0, v32  }
0x62: {  	v2 =	vsel vm15, v29, v2;
	vm2 =	vlt.s32 v1, v9;
	v27 =	vsel vm11, v20, v26  }
0x63: {  	v7 =	vsel vm11, v26, v20;
	vm7 =	vlt.s32 v5, v31;
	v35 =	vsel vm8, v0, v32  }
0x64: {  	v0 =	vsel vm8, v32, v0;
	v41 =	vsel vm2, v1, v9;
	v1 =	vsel vm2, v9, v1  }
0x65: {  	vm13 =	vgt.s32 v4, v27;
	v34 =	vsel vm7, v5, v31;
	v5 =	vsel vm7, v31, v5  }
0x66: {  	v28 =	vld [tilespmem:s13+$0x2900];
	vm10 =	vlt.s32 v3, v35;
	vm15 =	vlt.s32 v0, v41;
	vm2 =	vlt.s32 v1, v13  }
0x67: {  	v4 =	vsel vm13, v4, v27;
	vm9 =	vlt.s32 v7, v34;
	v37 =	vsel vm10, v3, v35  }
0x68: {  	v3 =	vsel vm10, v35, v3;
	v44 =	vsel vm15, v0, v41;
	v0 =	vsel vm15, v41, v0  }
0x69: {  	v49 =	vsel vm2, v1, v13;
	v1 =	vsel vm2, v13, v1;
	v36 =	vsel vm9, v7, v34  }
0x6a: {  	v7 =	vsel vm9, v34, v7;
	vm12 =	vlt.s32 v6, v37;
	vm8 =	vlt.s32 v3, v44  }
0x6b: {  	vm3 =	vlt.s32 v0, v49;
	vm2 =	vlt.s32 v1, v10;
	v34 =	vand.u32 $0xFFFFFFC0, v28  }
0x6c: {  	v20 =	vld [tilespmem:s13+$0x2880];
	vm11 =	vgt.s32 v4, v36;
	v39 =	vsel vm12, v6, v37;
	v6 =	vsel vm12, v37, v6  }
0x6d: {  	v46 =	vsel vm8, v3, v44;
	v3 =	vsel vm8, v44, v3;
	v52 =	vsel vm3, v0, v49  }
0x6e: {  	v0 =	vsel vm3, v49, v0;
	v58 =	vsel vm2, v1, v10;
	v1 =	vsel vm2, v10, v1  }
0x6f: {  	v9 =	vor.u32 $0x2D, v34;
	v4 =	vsel vm11, v4, v36;
	vm13 =	vlt.s32 v2, v39  }
0x70: {  	vm9 =	vlt.s32 v6, v46;
	vm8 =	vlt.s32 v0, v58;
	vm2 =	vlt.s32 v1, v11  }
0x71: {  	v13 =	vand.u32 $0xFFFFFFC0, v20;
	v40 =	vsel vm13, v2, v39;
	v2 =	vsel vm13, v39, v2  }
0x72: {  	v47 =	vsel vm9, v6, v46;
	v6 =	vsel vm9, v46, v6;
	vm13 =	vlt.s32 v3, v52  }
0x73: {  	v61 =	vsel vm8, v0, v58;
	v0 =	vsel vm8, v58, v0;
	v19 =	vsel vm2, v1, v11  }
0x74: {  	v1 =	vsel vm2, v11, v1;
	v13 =	vor.u32 $0x2E, v13;
	vm14 =	vlt.s32 v5, v40  }
0x75: {  	vm10 =	vlt.s32 v2, v47;
	v54 =	vsel vm13, v3, v52;
	v3 =	vsel vm13, v52, v3  }
0x76: {  	v37 =	vld [tilespmem:s13+$0x2980];
	vm2 =	vlt.s32 v1, v13;
	v43 =	vsel vm14, v5, v40;
	v5 =	vsel vm14, v40, v5  }
0x77: {  	v48 =	vsel vm10, v2, v47;
	v2 =	vsel vm10, v47, v2;
	vm15 =	vlt.s32 v6, v54  }
0x78: {  	vm10 =	vlt.s32 v3, v61;
	v27 =	vsel vm2, v1, v13;
	v1 =	vsel vm2, v13, v1  }
0x79: {  	vm7 =	vlt.s32 v7, v43;
	vm11 =	vlt.s32 v5, v48;
	v55 =	vsel vm15, v6, v54  }
0x7a: {  	v6 =	vsel vm15, v54, v6;
	v63 =	vsel vm10, v3, v61;
	v3 =	vsel vm10, v61, v3  }
0x7b: {  	vm15 =	vlt.s32 v0, v19;
	vm2 =	vlt.s32 v1, v9;
	v42 =	vand.u32 $0xFFFFFFC0, v37  }
0x7c: {  	v46 =	vld [tilespmem:s13+$0x2A00];
	v45 =	vsel vm7, v43, v7;
	v7 =	vsel vm7, v7, v43;
	v51 =	vsel vm11, v5, v48  }
0x7d: {  	v5 =	vsel vm11, v48, v5;
	vm6 =	vlt.s32 v2, v55;
	v22 =	vsel vm15, v0, v19  }
0x7e: {  	v0 =	vsel vm15, v19, v0;
	v36 =	vsel vm2, v1, v9;
	v1 =	vsel vm2, v9, v1  }
0x7f: {  	v10 =	vor.u32 $0x2C, v42;
	vm0 =	vgt.s32 v4, v7;
	vm12 =	vlt.s32 v45, v51  }
0x80: {  	v57 =	vsel vm6, v2, v55;
	v2 =	vsel vm6, v55, v2;
	vm8 =	vlt.s32 v3, v22  }
0x81: {  	vm3 =	vlt.s32 v0, v27;
	vm2 =	vlt.s32 v1, v10;
	v13 =	vand.u32 $0xFFFFFFC0, v46  }
0x82: {  	v4 =	vsel vm0, v4, v7;
	v53 =	vsel vm12, v45, v51;
	v8 =	vsel vm12, v51, v45  }
0x83: {  	vm7 =	vlt.s32 v5, v57;
	vm12 =	vlt.s32 v6, v63;
	v24 =	vsel vm8, v3, v22  }
0x84: {  	v3 =	vsel vm8, v22, v3;
	v30 =	vsel vm3, v0, v27;
	v0 =	vsel vm3, v27, v0  }
0x85: {  	v45 =	vsel vm2, v1, v10;
	v1 =	vsel vm2, v10, v1;
	v13 =	vor.u32 $0x2B, v13  }
0x86: {  	vm14 =	vgt.s32 v4, v53;
	v60 =	vsel vm7, v5, v57;
	v5 =	vsel vm7, v57, v5  }
0x87: {  	v54 =	vld [tilespmem:s13+$0x2A80];
	v17 =	vsel vm12, v6, v63;
	v6 =	vsel vm12, v63, v6;
	vm8 =	vlt.s32 v0, v36  }
0x88: {  	vm2 =	vlt.s32 v1, v13;
	v4 =	vsel vm14, v4, v53;
	vm9 =	vlt.s32 v8, v60  }
0x89: {  	vm13 =	vlt.s32 v2, v17;
	v39 =	vsel vm8, v0, v36;
	v0 =	vsel vm8, v36, v0  }
0x8a: {  	v53 =	vsel vm2, v1, v13;
	v1 =	vsel vm2, v13, v1;
	v62 =	vsel vm9, v8, v60  }
0x8b: {  	v8 =	vsel vm9, v60, v8;
	v18 =	vsel vm13, v2, v17;
	v2 =	vsel vm13, v17, v2  }
0x8c: {  	vm9 =	vlt.s32 v6, v24;
	vm13 =	vlt.s32 v3, v30;
	v60 =	vand.u32 $0xFFFFFFC0, v54  }
0x8d: {  	vm11 =	vgt.s32 v4, v62;
	vm14 =	vlt.s32 v5, v18;
	v25 =	vsel vm9, v6, v24  }
0x8e: {  	v6 =	vsel vm9, v24, v6;
	v32 =	vsel vm13, v3, v30;
	v3 =	vsel vm13, v30, v3  }
0x8f: {  	v63 =	vld [tilespmem:s13+$0x2B00];
	v9 =	vor.u32 $0x2A, v60;
	v4 =	vsel vm11, v4, v62;
	v21 =	vsel vm14, v5, v18  }
0x90: {  	v5 =	vsel vm14, v18, v5;
	vm10 =	vlt.s32 v2, v25;
	vm15 =	vlt.s32 v6, v32  }
0x91: {  	vm2 =	vlt.s32 v1, v9;
	vm7 =	vlt.s32 v8, v21;
	v26 =	vsel vm10, v2, v25  }
0x92: {  	v2 =	vsel vm10, v25, v2;
	v33 =	vsel vm15, v6, v32;
	v6 =	vsel vm15, v32, v6  }
0x93: {  	vm10 =	vlt.s32 v3, v39;
	vm15 =	vlt.s32 v0, v45;
	v62 =	vsel vm2, v1, v9  }
0x94: {  	v20 =	vand.u32 $0xFFFFFFC0, v63;
	v1 =	vsel vm2, v9, v1;
	v23 =	vsel vm7, v21, v8  }
0x95: {  	v8 =	vsel vm7, v8, v21;
	vm11 =	vlt.s32 v5, v26;
	vm6 =	vlt.s32 v2, v33  }
0x96: {  	v41 =	vsel vm10, v3, v39;
	v3 =	vsel vm10, v39, v3;
	v48 =	vsel vm15, v0, v45  }
0x97: {  	v24 =	vld [tilespmem:s13+$0x2B80];
	v0 =	vsel vm15, v45, v0;
	v11 =	vor.u32 $0x29, v20;
	vm0 =	vgt.s32 v4, v8  }
0x98: {  	v29 =	vsel vm11, v5, v26;
	v5 =	vsel vm11, v26, v5;
	v35 =	vsel vm6, v2, v33  }
0x99: {  	v2 =	vsel vm6, v33, v2;
	vm8 =	vlt.s32 v3, v48;
	vm3 =	vlt.s32 v0, v53  }
0x9a: {  	vm2 =	vlt.s32 v1, v11;
	v4 =	vsel vm0, v4, v8;
	vm12 =	vlt.s32 v23, v29  }
0x9b: {  	vm7 =	vlt.s32 v5, v35;
	v50 =	vsel vm8, v3, v48;
	v3 =	vsel vm8, v48, v3  }
0x9c: {  	v56 =	vsel vm3, v0, v53;
	v0 =	vsel vm3, v53, v0;
	v13 =	vand.u32 $0xFFFFFFC0, v24  }
0x9d: {  	v31 =	vsel vm12, v23, v29;
	v7 =	vsel vm12, v29, v23;
	v38 =	vsel vm7, v5, v35  }
0x9e: {  	v5 =	vsel vm7, v35, v5;
	vm12 =	vlt.s32 v6, v41;
	vm8 =	vlt.s32 v0, v62  }
0x9f: {  	v32 =	vld [tilespmem:s13+$0x3C00];
	v23 =	vsel vm2, v1, v11;
	v1 =	vsel vm2, v11, v1;
	v13 =	vor.u32 $0x28, v13  }
0xa0: {  	vm14 =	vgt.s32 v4, v31;
	vm9 =	vlt.s32 v7, v38;
	v43 =	vsel vm12, v6, v41  }
0xa1: {  	v6 =	vsel vm12, v41, v6;
	v17 =	vsel vm8, v0, v62;
	v0 =	vsel vm8, v62, v0  }
0xa2: {  	vm2 =	vlt.s32 v1, v13;
	v4 =	vsel vm14, v4, v31;
	v40 =	vsel vm9, v7, v38  }
0xa3: {  	v7 =	vsel vm9, v38, v7;
	vm13 =	vlt.s32 v2, v43;
	vm9 =	vlt.s32 v6, v50  }
0xa4: {  	v31 =	vsel vm2, v1, v13;
	v38 =	vand.u32 $0xFFFFFFC0, v32;
	v1 =	vsel vm2, v13, v1  }
0xa5: {  	vm11 =	vgt.s32 v4, v40;
	v44 =	vsel vm13, v2, v43;
	v2 =	vsel vm13, v43, v2  }
0xa6: {  	v51 =	vsel vm9, v6, v50;
	v6 =	vsel vm9, v50, v6;
	vm13 =	vlt.s32 v3, v56  }
0xa7: {  	v9 =	vor.u32 $0x27, v38;
	v4 =	vsel vm11, v4, v40;
	vm14 =	vlt.s32 v5, v44  }
0xa8: {  	vm10 =	vlt.s32 v2, v51;
	v58 =	vsel vm13, v3, v56;
	v3 =	vsel vm13, v56, v3  }
0xa9: {  	v41 =	vld [tilespmem:s13+$0x3C80];
	vm2 =	vlt.s32 v1, v9;
	v47 =	vsel vm14, v5, v44;
	v5 =	vsel vm14, v44, v5  }
0xaa: {  	v52 =	vsel vm10, v2, v51;
	v2 =	vsel vm10, v51, v2;
	vm15 =	vlt.s32 v6, v58  }
0xab: {  	vm10 =	vlt.s32 v3, v17;
	v40 =	vsel vm2, v1, v9;
	v1 =	vsel vm2, v9, v1  }
0xac: {  	vm7 =	vlt.s32 v7, v47;
	vm11 =	vlt.s32 v5, v52;
	v59 =	vsel vm15, v6, v58  }
0xad: {  	v6 =	vsel vm15, v58, v6;
	v19 =	vsel vm10, v3, v17;
	v3 =	vsel vm10, v17, v3  }
0xae: {  	v50 =	vld [tilespmem:s13+$0x3D00];
	vm15 =	vlt.s32 v0, v23;
	v46 =	vand.u32 $0xFFFFFFC0, v41;
	v49 =	vsel vm7, v47, v7  }
0xaf: {  	v7 =	vsel vm7, v7, v47;
	v55 =	vsel vm11, v5, v52;
	v5 =	vsel vm11, v52, v5  }
0xb0: {  	vm6 =	vlt.s32 v2, v59;
	v26 =	vsel vm15, v0, v23;
	v0 =	vsel vm15, v23, v0  }
0xb1: {  	v10 =	vor.u32 $0x26, v46;
	vm0 =	vgt.s32 v4, v7;
	vm12 =	vlt.s32 v49, v55  }
0xb2: {  	v61 =	vsel vm6, v2, v59;
	v2 =	vsel vm6, v59, v2;
	vm8 =	vlt.s32 v3, v26  }
0xb3: {  	vm3 =	vlt.s32 v0, v31;
	vm2 =	vlt.s32 v1, v10;
	v13 =	vand.u32 $0xFFFFFFC0, v50  }
0xb4: {  	v4 =	vsel vm0, v4, v7;
	v57 =	vsel vm12, v49, v55;
	v8 =	vsel vm12, v55, v49  }
0xb5: {  	vm7 =	vlt.s32 v5, v61;
	vm12 =	vlt.s32 v6, v19;
	v28 =	vsel vm8, v3, v26  }
0xb6: {  	v3 =	vsel vm8, v26, v3;
	v34 =	vsel vm3, v0, v31;
	v0 =	vsel vm3, v31, v0  }
0xb7: {  	v58 =	vld [tilespmem:s13+$0x3D80];
	v49 =	vsel vm2, v1, v10;
	v1 =	vsel vm2, v10, v1;
	v13 =	vor.u32 $0x25, v13  }
0xb8: {  	vm14 =	vgt.s32 v4, v57;
	v16 =	vsel vm7, v5, v61;
	v5 =	vsel vm7, v61, v5  }
0xb9: {  	v21 =	vsel vm12, v6, v19;
	v6 =	vsel vm12, v19, v6;
	vm8 =	vlt.s32 v0, v40  }
0xba: {  	vm2 =	vlt.s32 v1, v13;
	v4 =	vsel vm14, v4, v57;
	vm9 =	vlt.s32 v8, v16  }
0xbb: {  	vm13 =	vlt.s32 v2, v21;
	v43 =	vsel vm8, v0, v40;
	v0 =	vsel vm8, v40, v0  }
0xbc: {  	v57 =	vsel vm2, v1, v13;
	v15 =	vand.u32 $0xFFFFFFC0, v58;
	v1 =	vsel vm2, v13, v1  }
0xbd: {  	v18 =	vsel vm9, v8, v16;
	v8 =	vsel vm9, v16, v8;
	v22 =	vsel vm13, v2, v21  }
0xbe: {  	v2 =	vsel vm13, v21, v2;
	vm9 =	vlt.s32 v6, v28;
	vm13 =	vlt.s32 v3, v34  }
0xbf: {  	v9 =	vor.u32 $0x24, v15;
	vm11 =	vgt.s32 v4, v18;
	vm14 =	vlt.s32 v5, v22  }
0xc0: {  	v29 =	vsel vm9, v6, v28;
	v6 =	vsel vm9, v28, v6;
	v36 =	vsel vm13, v3, v34  }
0xc1: {  	v3 =	vsel vm13, v34, v3;
	vm2 =	vlt.s32 v1, v9;
	v4 =	vsel vm11, v4, v18  }
0xc2: {  	v25 =	vsel vm14, v5, v22;
	v5 =	vsel vm14, v22, v5;
	vm10 =	vlt.s32 v2, v29  }
0xc3: {  	vm15 =	vlt.s32 v6, v36;
	v17 =	vsel vm2, v1, v9;
	v1 =	vsel vm2, v9, v1  }
0xc4: {  	vm7 =	vlt.s32 v8, v25;
	v30 =	vsel vm10, v2, v29;
	v2 =	vsel vm10, v29, v2  }
0xc5: {  	v37 =	vsel vm15, v6, v36;
	v6 =	vsel vm15, v36, v6;
	vm10 =	vlt.s32 v3, v43  }
0xc6: {  	vm15 =	vlt.s32 v0, v49;
	v27 =	vsel vm7, v25, v8;
	v8 =	vsel vm7, v8, v25  }
0xc7: {  	vm11 =	vlt.s32 v5, v30;
	vm6 =	vlt.s32 v2, v37;
	v45 =	vsel vm10, v3, v43  }
0xc8: {  	v3 =	vsel vm10, v43, v3;
	v52 =	vsel vm15, v0, v49;
	v0 =	vsel vm15, v49, v0  }
0xc9: {  	vm0 =	vgt.s32 v4, v8;
	v33 =	vsel vm11, v5, v30;
	v5 =	vsel vm11, v30, v5  }
0xca: {  	v18 =	vld [tilespmem:s13+$0x3E00];
	v39 =	vsel vm6, v2, v37;
	v2 =	vsel vm6, v37, v2;
	vm8 =	vlt.s32 v3, v52  }
0xcb: {  	vm3 =	vlt.s32 v0, v57;
	v4 =	vsel vm0, v4, v8;
	vm12 =	vlt.s32 v27, v33  }
0xcc: {  	vm7 =	vlt.s32 v5, v39;
	v54 =	vsel vm8, v3, v52;
	v3 =	vsel vm8, v52, v3  }
0xcd: {  	v60 =	vsel vm3, v0, v57;
	v0 =	vsel vm3, v57, v0;
	v35 =	vsel vm12, v27, v33  }
0xce: {  	v7 =	vsel vm12, v33, v27;
	v42 =	vsel vm7, v5, v39;
	v5 =	vsel vm7, v39, v5  }
0xcf: {  	vm12 =	vlt.s32 v6, v45;
	vm8 =	vlt.s32 v0, v17;
	v23 =	vand.u32 $0xFFFFFFC0, v18  }
0xd0: {  	vm14 =	vgt.s32 v4, v35;
	vm9 =	vlt.s32 v7, v42;
	v47 =	vsel vm12, v6, v45  }
0xd1: {  	v6 =	vsel vm12, v45, v6;
	v20 =	vsel vm8, v0, v17;
	v11 =	vor.u32 $0x23, v23  }
0xd2: {  	v0 =	vsel vm8, v17, v0;
	v4 =	vsel vm14, v4, v35;
	v44 =	vsel vm9, v7, v42  }
0xd3: {  	v7 =	vsel vm9, v42, v7;
	vm13 =	vlt.s32 v2, v47;
	vm9 =	vlt.s32 v6, v54  }
0xd4: {  	vm2 =	vlt.s32 v1, v11;
	vm11 =	vgt.s32 v4, v44;
	v48 =	vsel vm13, v2, v47  }
0xd5: {  	v27 =	vld [tilespmem:s13+$0x3E80];
	v2 =	vsel vm13, v47, v2;
	v55 =	vsel vm9, v6, v54;
	v6 =	vsel vm9, v54, v6  }
0xd6: {  	vm13 =	vlt.s32 v3, v60;
	v26 =	vsel vm2, v1, v11;
	v1 =	vsel vm2, v11, v1  }
0xd7: {  	v4 =	vsel vm11, v4, v44;
	vm14 =	vlt.s32 v5, v48;
	vm10 =	vlt.s32 v2, v55  }
0xd8: {  	v62 =	vsel vm13, v3, v60;
	v3 =	vsel vm13, v60, v3;
	v51 =	vsel vm14, v5, v48  }
0xd9: {  	v5 =	vsel vm14, v48, v5;
	v56 =	vsel vm10, v2, v55;
	v2 =	vsel vm10, v55, v2  }
0xda: {  	vm15 =	vlt.s32 v6, v62;
	vm10 =	vlt.s32 v3, v20;
	v13 =	vand.u32 $0xFFFFFFC0, v27  }
0xdb: {  	v35 =	vld [tilespmem:s13+$0x3F00];
	vm7 =	vlt.s32 v7, v51;
	vm11 =	vlt.s32 v5, v56;
	v63 =	vsel vm15, v6, v62  }
0xdc: {  	v6 =	vsel vm15, v62, v6;
	v22 =	vsel vm10, v3, v20;
	v3 =	vsel vm10, v20, v3  }
0xdd: {  	vm15 =	vlt.s32 v0, v26;
	v13 =	vor.u32 $0x22, v13;
	v53 =	vsel vm7, v51, v7  }
0xde: {  	v7 =	vsel vm7, v7, v51;
	v59 =	vsel vm11, v5, v56;
	v5 =	vsel vm11, v56, v5  }
0xdf: {  	vm6 =	vlt.s32 v2, v63;
	v29 =	vsel vm15, v0, v26;
	vm2 =	vlt.s32 v1, v13  }
0xe0: {  	v0 =	vsel vm15, v26, v0;
	v41 =	vand.u32 $0xFFFFFFC0, v35;
	vm0 =	vgt.s32 v4, v7  }
0xe1: {  	v44 =	vld [tilespmem:s13+$0x3F80];
	vm12 =	vlt.s32 v53, v59;
	v16 =	vsel vm6, v2, v63;
	v2 =	vsel vm6, v63, v2  }
0xe2: {  	vm8 =	vlt.s32 v3, v29;
	v34 =	vsel vm2, v1, v13;
	v1 =	vsel vm2, v13, v1  }
0xe3: {  	v9 =	vor.u32 $0x21, v41;
	v4 =	vsel vm0, v4, v7;
	v61 =	vsel vm12, v53, v59  }
0xe4: {  	v8 =	vsel vm12, v59, v53;
	vm7 =	vlt.s32 v5, v16;
	vm12 =	vlt.s32 v6, v22  }
0xe5: {  	v31 =	vsel vm8, v3, v29;
	v3 =	vsel vm8, v29, v3;
	vm3 =	vlt.s32 v0, v34  }
0xe6: {  	vm2 =	vlt.s32 v1, v9;
	v49 =	vand.u32 $0xFFFFFFC0, v44;
	vm14 =	vgt.s32 v4, v61  }
0xe7: {  	v19 =	vsel vm7, v5, v16;
	v5 =	vsel vm7, v16, v5;
	v24 =	vsel vm12, v6, v22  }
0xe8: {  	v6 =	vsel vm12, v22, v6;
	v37 =	vsel vm3, v0, v34;
	v0 =	vsel vm3, v34, v0  }
0xe9: {  	v43 =	vsel vm2, v1, v9;
	v1 =	vsel vm2, v9, v1;
	v10 =	vor.u32 $0x20, v49  }
0xea: {  	v4 =	vsel vm14, v4, v61;
	vm9 =	vlt.s32 v8, v19;
	vm13 =	vlt.s32 v2, v24  }
0xeb: {  	vm8 =	vlt.s32 v0, v43;
	vm2 =	vlt.s32 v1, v10;
	v21 =	vsel vm9, v8, v19  }
0xec: {  	v8 =	vsel vm9, v19, v8;
	v25 =	vsel vm13, v2, v24;
	v2 =	vsel vm13, v24, v2  }
0xed: {  	v53 =	vld [tilespmem:s13+$0x5000];
	vm9 =	vlt.s32 v6, v31;
	vm13 =	vlt.s32 v3, v37;
	v46 =	vsel vm8, v0, v43  }
0xee: {  	v0 =	vsel vm8, v43, v0;
	v52 =	vsel vm2, v1, v10;
	v1 =	vsel vm2, v10, v1  }
0xef: {  	vm11 =	vgt.s32 v4, v21;
	vm14 =	vlt.s32 v5, v25;
	v32 =	vsel vm9, v6, v31  }
0xf0: {  	v6 =	vsel vm9, v31, v6;
	v39 =	vsel vm13, v3, v37;
	v3 =	vsel vm13, v37, v3  }
0xf1: {  	v4 =	vsel vm11, v4, v21;
	v28 =	vsel vm14, v5, v25;
	v5 =	vsel vm14, v25, v5  }
0xf2: {  	vm10 =	vlt.s32 v2, v32;
	vm15 =	vlt.s32 v6, v39;
	v13 =	vand.u32 $0xFFFFFFC0, v53  }
0xf3: {  	v61 =	vld [tilespmem:s13+$0x5080];
	vm7 =	vlt.s32 v8, v28;
	v33 =	vsel vm10, v2, v32;
	v2 =	vsel vm10, v32, v2  }
0xf4: {  	v40 =	vsel vm15, v6, v39;
	v6 =	vsel vm15, v39, v6;
	vm10 =	vlt.s32 v3, v46  }
0xf5: {  	vm15 =	vlt.s32 v0, v52;
	v13 =	vor.u32 $0x1F, v13;
	v30 =	vsel vm7, v28, v8  }
0xf6: {  	v8 =	vsel vm7, v8, v28;
	vm11 =	vlt.s32 v5, v33;
	vm6 =	vlt.s32 v2, v40  }
0xf7: {  	v48 =	vsel vm10, v3, v46;
	v3 =	vsel vm10, v46, v3;
	v55 =	vsel vm15, v0, v52  }
0xf8: {  	vm2 =	vlt.s32 v1, v13;
	v0 =	vsel vm15, v52, v0;
	v18 =	vand.u32 $0xFFFFFFC0, v61  }
0xf9: {  	vm0 =	vgt.s32 v4, v8;
	v36 =	vsel vm11, v5, v33;
	v5 =	vsel vm11, v33, v5  }
0xfa: {  	v42 =	vsel vm6, v2, v40;
	v2 =	vsel vm6, v40, v2;
	vm8 =	vlt.s32 v3, v55  }
0xfb: {  	v60 =	vsel vm2, v1, v13;
	v1 =	vsel vm2, v13, v1;
	v9 =	vor.u32 $0x1E, v18  }
0xfc: {  	v21 =	vld [tilespmem:s13+$0x5100];
	v4 =	vsel vm0, v4, v8;
	vm12 =	vlt.s32 v30, v36;
	vm7 =	vlt.s32 v5, v42  }
0xfd: {  	v57 =	vsel vm8, v3, v55;
	v3 =	vsel vm8, v55, v3;
	vm3 =	vlt.s32 v0, v60  }
0xfe: {  	vm2 =	vlt.s32 v1, v9;
	v38 =	vsel vm12, v30, v36;
	v7 =	vsel vm12, v36, v30  }
0xff: {  	v45 =	vsel vm7, v5, v42;
	v5 =	vsel vm7, v42, v5;
	vm12 =	vlt.s32 v6, v48  }
0x100: {  	v63 =	vsel vm3, v0, v60;
	v0 =	vsel vm3, v60, v0;
	v20 =	vsel vm2, v1, v9  }
0x101: {  	v26 =	vand.u32 $0xFFFFFFC0, v21;
	v1 =	vsel vm2, v9, v1;
	vm14 =	vgt.s32 v4, v38  }
0x102: {  	vm9 =	vlt.s32 v7, v45;
	v50 =	vsel vm12, v6, v48;
	v6 =	vsel vm12, v48, v6  }
0x103: {  	vm8 =	vlt.s32 v0, v20;
	v11 =	vor.u32 $0x1D, v26;
	v4 =	vsel vm14, v4, v38  }
0x104: {  	v47 =	vsel vm9, v7, v45;
	v7 =	vsel vm9, v45, v7;
	vm13 =	vlt.s32 v2, v50  }
0x105: {  	vm9 =	vlt.s32 v6, v57;
	v23 =	vsel vm8, v0, v20;
	v0 =	vsel vm8, v20, v0  }
0x106: {  	vm2 =	vlt.s32 v1, v11;
	vm11 =	vgt.s32 v4, v47;
	v51 =	vsel vm13, v2, v50  }
0x107: {  	v30 =	vld [tilespmem:s13+$0x5180];
	v2 =	vsel vm13, v50, v2;
	v58 =	vsel vm9, v6, v57;
	v6 =	vsel vm9, v57, v6  }
0x108: {  	vm13 =	vlt.s32 v3, v63;
	v29 =	vsel vm2, v1, v11;
	v1 =	vsel vm2, v11, v1  }
0x109: {  	v4 =	vsel vm11, v4, v47;
	vm14 =	vlt.s32 v5, v51;
	vm10 =	vlt.s32 v2, v58  }
0x10a: {  	v16 =	vsel vm13, v3, v63;
	v3 =	vsel vm13, v63, v3;
	v54 =	vsel vm14, v5, v51  }
0x10b: {  	v5 =	vsel vm14, v51, v5;
	v59 =	vsel vm10, v2, v58;
	v2 =	vsel vm10, v58, v2  }
0x10c: {  	vm15 =	vlt.s32 v6, v16;
	vm10 =	vlt.s32 v3, v23;
	v13 =	vand.u32 $0xFFFFFFC0, v30  }
0x10d: {  	v38 =	vld [tilespmem:s13+$0x5200];
	vm7 =	vlt.s32 v7, v54;
	vm11 =	vlt.s32 v5, v59;
	v17 =	vsel vm15, v6, v16  }
0x10e: {  	v6 =	vsel vm15, v16, v6;
	v25 =	vsel vm10, v3, v23;
	v3 =	vsel vm10, v23, v3  }
0x10f: {  	vm15 =	vlt.s32 v0, v29;
	v13 =	vor.u32 $0x1C, v13;
	v56 =	vsel vm7, v54, v7  }
0x110: {  	v7 =	vsel vm7, v7, v54;
	v62 =	vsel vm11, v5, v59;
	v5 =	vsel vm11, v59, v5  }
0x111: {  	vm6 =	vlt.s32 v2, v17;
	v32 =	vsel vm15, v0, v29;
	vm2 =	vlt.s32 v1, v13  }
0x112: {  	v0 =	vsel vm15, v29, v0;
	v44 =	vand.u32 $0xFFFFFFC0, v38;
	vm0 =	vgt.s32 v4, v7  }
0x113: {  	v47 =	vld [tilespmem:s13+$0x5280];
	vm12 =	vlt.s32 v56, v62;
	v19 =	vsel vm6, v2, v17;
	v2 =	vsel vm6, v17, v2  }
0x114: {  	vm8 =	vlt.s32 v3, v32;
	v37 =	vsel vm2, v1, v13;
	v1 =	vsel vm2, v13, v1  }
0x115: {  	v9 =	vor.u32 $0x1B, v44;
	v4 =	vsel vm0, v4, v7;
	v15 =	vsel vm12, v56, v62  }
0x116: {  	v8 =	vsel vm12, v62, v56;
	vm7 =	vlt.s32 v5, v19;
	vm12 =	vlt.s32 v6, v25  }
0x117: {  	v34 =	vsel vm8, v3, v32;
	v3 =	vsel vm8, v32, v3;
	vm3 =	vlt.s32 v0, v37  }
0x118: {  	vm2 =	vlt.s32 v1, v9;
	v52 =	vand.u32 $0xFFFFFFC0, v47;
	vm14 =	vgt.s32 v4, v15  }
0x119: {  	v22 =	vsel vm7, v5, v19;
	v5 =	vsel vm7, v19, v5;
	v27 =	vsel vm12, v6, v25  }
0x11a: {  	v6 =	vsel vm12, v25, v6;
	v40 =	vsel vm3, v0, v37;
	v0 =	vsel vm3, v37, v0  }
0x11b: {  	v46 =	vsel vm2, v1, v9;
	v1 =	vsel vm2, v9, v1;
	v10 =	vor.u32 $0x1A, v52  }
0x11c: {  	v16 =	vld [tilespmem:s13+$0x5380];
	v4 =	vsel vm14, v4, v15;
	vm9 =	vlt.s32 v8, v22;
	vm13 =	vlt.s32 v2, v27  }
0x11d: {  	vm8 =	vlt.s32 v0, v46;
	vm2 =	vlt.s32 v1, v10;
	v24 =	vsel vm9, v8, v22  }
0x11e: {  	v8 =	vsel vm9, v22, v8;
	v28 =	vsel vm13, v2, v27;
	v2 =	vsel vm13, v27, v2  }
0x11f: {  	vm9 =	vlt.s32 v6, v34;
	vm13 =	vlt.s32 v3, v40;
	v49 =	vsel vm8, v0, v46  }
0x120: {  	v56 =	vld [tilespmem:s13+$0x5300];
	v0 =	vsel vm8, v46, v0;
	v55 =	vsel vm2, v1, v10;
	v1 =	vsel vm2, v10, v1  }
0x121: {  	v22 =	vand.u32 $0xFFFFFFC0, v16;
	vm11 =	vgt.s32 v4, v24;
	vm14 =	vlt.s32 v5, v28  }
0x122: {  	v35 =	vsel vm9, v6, v34;
	v6 =	vsel vm9, v34, v6;
	v42 =	vsel vm13, v3, v40  }
0x123: {  	v25 =	vld [tilespmem:s13+$0x6400];
	v3 =	vsel vm13, v40, v3;
	v9 =	vor.u32 $0x18, v22;
	v4 =	vsel vm11, v4, v24  }
0x124: {  	v31 =	vsel vm14, v5, v28;
	v5 =	vsel vm14, v28, v5;
	vm10 =	vlt.s32 v2, v35  }
0x125: {  	vm15 =	vlt.s32 v6, v42;
	v13 =	vand.u32 $0xFFFFFFC0, v56;
	vm7 =	vlt.s32 v8, v31  }
0x126: {  	v36 =	vsel vm10, v2, v35;
	v2 =	vsel vm10, v35, v2;
	v43 =	vsel vm15, v6, v42  }
0x127: {  	v6 =	vsel vm15, v42, v6;
	vm10 =	vlt.s32 v3, v49;
	vm15 =	vlt.s32 v0, v55  }
0x128: {  	v13 =	vor.u32 $0x19, v13;
	v30 =	vand.u32 $0xFFFFFFC0, v25;
	v33 =	vsel vm7, v31, v8  }
0x129: {  	v8 =	vsel vm7, v8, v31;
	vm11 =	vlt.s32 v5, v36;
	vm6 =	vlt.s32 v2, v43  }
0x12a: {  	v51 =	vsel vm10, v3, v49;
	v3 =	vsel vm10, v49, v3;
	v58 =	vsel vm15, v0, v55  }
0x12b: {  	vm2 =	vlt.s32 v1, v13;
	v0 =	vsel vm15, v55, v0;
	v11 =	vor.u32 $0x17, v30  }
0x12c: {  	v34 =	vld [tilespmem:s13+$0x6480];
	vm0 =	vgt.s32 v4, v8;
	v39 =	vsel vm11, v5, v36;
	v5 =	vsel vm11, v36, v5  }
0x12d: {  	v45 =	vsel vm6, v2, v43;
	v2 =	vsel vm6, v43, v2;
	vm8 =	vlt.s32 v3, v58  }
0x12e: {  	v63 =	vsel vm2, v1, v13;
	v1 =	vsel vm2, v13, v1;
	v4 =	vsel vm0, v4, v8  }
0x12f: {  	vm12 =	vlt.s32 v33, v39;
	vm7 =	vlt.s32 v5, v45;
	v60 =	vsel vm8, v3, v58  }
0x130: {  	v3 =	vsel vm8, v58, v3;
	vm3 =	vlt.s32 v0, v63;
	vm2 =	vlt.s32 v1, v9  }
0x131: {  	v13 =	vand.u32 $0xFFFFFFC0, v34;
	v41 =	vsel vm12, v33, v39;
	v7 =	vsel vm12, v39, v33  }
0x132: {  	v48 =	vsel vm7, v5, v45;
	v5 =	vsel vm7, v45, v5;
	vm12 =	vlt.s32 v6, v51  }
0x133: {  	v18 =	vsel vm3, v0, v63;
	v0 =	vsel vm3, v63, v0;
	v24 =	vsel vm2, v1, v9  }
0x134: {  	v42 =	vld [tilespmem:s13+$0x6500];
	v1 =	vsel vm2, v9, v1;
	v13 =	vor.u32 $0x16, v13;
	vm14 =	vgt.s32 v4, v41  }
0x135: {  	vm9 =	vlt.s32 v7, v48;
	v53 =	vsel vm12, v6, v51;
	v6 =	vsel vm12, v51, v6  }
0x136: {  	vm8 =	vlt.s32 v0, v24;
	vm2 =	vlt.s32 v1, v11;
	v4 =	vsel vm14, v4, v41  }
0x137: {  	v50 =	vsel vm9, v7, v48;
	v7 =	vsel vm9, v48, v7;
	vm13 =	vlt.s32 v2, v53  }
0x138: {  	vm9 =	vlt.s32 v6, v60;
	v27 =	vsel vm8, v0, v24;
	v0 =	vsel vm8, v24, v0  }
0x139: {  	v33 =	vsel vm2, v1, v11;
	v1 =	vsel vm2, v11, v1;
	v48 =	vand.u32 $0xFFFFFFC0, v42  }
0x13a: {  	vm11 =	vgt.s32 v4, v50;
	v54 =	vsel vm13, v2, v53;
	v2 =	vsel vm13, v53, v2  }
0x13b: {  	v61 =	vsel vm9, v6, v60;
	v6 =	vsel vm9, v60, v6;
	vm13 =	vlt.s32 v3, v18  }
0x13c: {  	vm2 =	vlt.s32 v1, v13;
	v9 =	vor.u32 $0x15, v48;
	v4 =	vsel vm11, v4, v50  }
0x13d: {  	vm14 =	vlt.s32 v5, v54;
	vm10 =	vlt.s32 v2, v61;
	v20 =	vsel vm13, v3, v18  }
0x13e: {  	v3 =	vsel vm13, v18, v3;
	v41 =	vsel vm2, v1, v13;
	v1 =	vsel vm2, v13, v1  }
0x13f: {  	v51 =	vld [tilespmem:s13+$0x6580];
	v57 =	vsel vm14, v5, v54;
	v5 =	vsel vm14, v54, v5;
	v62 =	vsel vm10, v2, v61  }
0x140: {  	v2 =	vsel vm10, v61, v2;
	vm15 =	vlt.s32 v6, v20;
	vm10 =	vlt.s32 v3, v27  }
0x141: {  	vm2 =	vlt.s32 v1, v9;
	vm7 =	vlt.s32 v7, v57;
	vm11 =	vlt.s32 v5, v62  }
0x142: {  	v21 =	vsel vm15, v6, v20;
	v6 =	vsel vm15, v20, v6;
	v29 =	vsel vm10, v3, v27  }
0x143: {  	v3 =	vsel vm10, v27, v3;
	vm15 =	vlt.s32 v0, v33;
	v50 =	vsel vm2, v1, v9  }
0x144: {  	v60 =	vld [tilespmem:s13+$0x6600];
	v56 =	vand.u32 $0xFFFFFFC0, v51;
	v1 =	vsel vm2, v9, v1;
	v59 =	vsel vm7, v57, v7  }
0x145: {  	v7 =	vsel vm7, v7, v57;
	v17 =	vsel vm11, v5, v62;
	v5 =	vsel vm11, v62, v5  }
0x146: {  	vm6 =	vlt.s32 v2, v21;
	v36 =	vsel vm15, v0, v33;
	v0 =	vsel vm15, v33, v0  }
0x147: {  	v10 =	vor.u32 $0x14, v56;
	vm0 =	vgt.s32 v4, v7;
	vm12 =	vlt.s32 v59, v17  }
0x148: {  	v23 =	vsel vm6, v2, v21;
	v2 =	vsel vm6, v21, v2;
	vm8 =	vlt.s32 v3, v36  }
0x149: {  	vm3 =	vlt.s32 v0, v41;
	vm2 =	vlt.s32 v1, v10;
	v13 =	vand.u32 $0xFFFFFFC0, v60  }
0x14a: {  	v4 =	vsel vm0, v4, v7;
	v19 =	vsel vm12, v59, v17;
	v8 =	vsel vm12, v17, v59  }
0x14b: {  	vm7 =	vlt.s32 v5, v23;
	vm12 =	vlt.s32 v6, v29;
	v38 =	vsel vm8, v3, v36  }
0x14c: {  	v3 =	vsel vm8, v36, v3;
	v44 =	vsel vm3, v0, v41;
	v0 =	vsel vm3, v41, v0  }
0x14d: {  	v59 =	vsel vm2, v1, v10;
	v1 =	vsel vm2, v10, v1;
	v13 =	vor.u32 $0x13, v13  }
0x14e: {  	vm14 =	vgt.s32 v4, v19;
	v26 =	vsel vm7, v5, v23;
	v5 =	vsel vm7, v23, v5  }
0x14f: {  	v20 =	vld [tilespmem:s13+$0x6680];
	v31 =	vsel vm12, v6, v29;
	v6 =	vsel vm12, v29, v6;
	vm8 =	vlt.s32 v0, v50  }
0x150: {  	vm2 =	vlt.s32 v1, v13;
	v4 =	vsel vm14, v4, v19;
	vm9 =	vlt.s32 v8, v26  }
0x151: {  	vm13 =	vlt.s32 v2, v31;
	v53 =	vsel vm8, v0, v50;
	v0 =	vsel vm8, v50, v0  }
0x152: {  	v19 =	vsel vm2, v1, v13;
	v1 =	vsel vm2, v13, v1;
	v28 =	vsel vm9, v8, v26  }
0x153: {  	v8 =	vsel vm9, v26, v8;
	v32 =	vsel vm13, v2, v31;
	v2 =	vsel vm13, v31, v2  }
0x154: {  	vm9 =	vlt.s32 v6, v38;
	vm13 =	vlt.s32 v3, v44;
	v26 =	vand.u32 $0xFFFFFFC0, v20  }
0x155: {  	vm11 =	vgt.s32 v4, v28;
	vm14 =	vlt.s32 v5, v32;
	v39 =	vsel vm9, v6, v38  }
0x156: {  	v6 =	vsel vm9, v38, v6;
	v46 =	vsel vm13, v3, v44;
	v3 =	vsel vm13, v44, v3  }
0x157: {  	v29 =	vld [tilespmem:s13+$0x6700];
	v9 =	vor.u32 $0x12, v26;
	v4 =	vsel vm11, v4, v28;
	v35 =	vsel vm14, v5, v32  }
0x158: {  	v5 =	vsel vm14, v32, v5;
	vm10 =	vlt.s32 v2, v39;
	vm15 =	vlt.s32 v6, v46  }
0x159: {  	vm2 =	vlt.s32 v1, v9;
	vm7 =	vlt.s32 v8, v35;
	v40 =	vsel vm10, v2, v39  }
0x15a: {  	v2 =	vsel vm10, v39, v2;
	v47 =	vsel vm15, v6, v46;
	v6 =	vsel vm15, v46, v6  }
0x15b: {  	vm10 =	vlt.s32 v3, v53;
	vm15 =	vlt.s32 v0, v59;
	v28 =	vsel vm2, v1, v9  }
0x15c: {  	v34 =	vand.u32 $0xFFFFFFC0, v29;
	v1 =	vsel vm2, v9, v1;
	v37 =	vsel vm7, v35, v8  }
0x15d: {  	v8 =	vsel vm7, v8, v35;
	vm11 =	vlt.s32 v5, v40;
	vm6 =	vlt.s32 v2, v47  }
0x15e: {  	v55 =	vsel vm10, v3, v53;
	v3 =	vsel vm10, v53, v3;
	v62 =	vsel vm15, v0, v59  }
0x15f: {  	v38 =	vld [tilespmem:s13+$0x6780];
	v0 =	vsel vm15, v59, v0;
	v11 =	vor.u32 $0x11, v34;
	vm0 =	vgt.s32 v4, v8  }
0x160: {  	v43 =	vsel vm11, v5, v40;
	v5 =	vsel vm11, v40, v5;
	v49 =	vsel vm6, v2, v47  }
0x161: {  	v2 =	vsel vm6, v47, v2;
	vm8 =	vlt.s32 v3, v62;
	vm3 =	vlt.s32 v0, v19  }
0x162: {  	vm2 =	vlt.s32 v1, v11;
	v4 =	vsel vm0, v4, v8;
	vm12 =	vlt.s32 v37, v43  }
0x163: {  	vm7 =	vlt.s32 v5, v49;
	v16 =	vsel vm8, v3, v62;
	v3 =	vsel vm8, v62, v3  }
0x164: {  	v22 =	vsel vm3, v0, v19;
	v0 =	vsel vm3, v19, v0;
	v13 =	vand.u32 $0xFFFFFFC0, v38  }
0x165: {  	v45 =	vsel vm12, v37, v43;
	v7 =	vsel vm12, v43, v37;
	v52 =	vsel vm7, v5, v49  }
0x166: {  	v5 =	vsel vm7, v49, v5;
	vm12 =	vlt.s32 v6, v55;
	vm8 =	vlt.s32 v0, v28  }
0x167: {  	v46 =	vld [tilespmem:s13+$0x7800];
	v37 =	vsel vm2, v1, v11;
	v1 =	vsel vm2, v11, v1;
	v13 =	vor.u32 $0x10, v13  }
0x168: {  	vm14 =	vgt.s32 v4, v45;
	vm9 =	vlt.s32 v7, v52;
	v57 =	vsel vm12, v6, v55  }
0x169: {  	v6 =	vsel vm12, v55, v6;
	v31 =	vsel vm8, v0, v28;
	v0 =	vsel vm8, v28, v0  }
0x16a: {  	vm2 =	vlt.s32 v1, v13;
	v4 =	vsel vm14, v4, v45;
	v54 =	vsel vm9, v7, v52  }
0x16b: {  	v7 =	vsel vm9, v52, v7;
	vm13 =	vlt.s32 v2, v57;
	vm9 =	vlt.s32 v6, v16  }
0x16c: {  	v45 =	vsel vm2, v1, v13;
	v52 =	vand.u32 $0xFFFFFFC0, v46;
	v1 =	vsel vm2, v13, v1  }
0x16d: {  	vm11 =	vgt.s32 v4, v54;
	v58 =	vsel vm13, v2, v57;
	v2 =	vsel vm13, v57, v2  }
0x16e: {  	v17 =	vsel vm9, v6, v16;
	v6 =	vsel vm9, v16, v6;
	vm13 =	vlt.s32 v3, v22  }
0x16f: {  	v9 =	vor.u32 $0xF, v52;
	v4 =	vsel vm11, v4, v54;
	vm14 =	vlt.s32 v5, v58  }
0x170: {  	vm10 =	vlt.s32 v2, v17;
	v24 =	vsel vm13, v3, v22;
	v3 =	vsel vm13, v22, v3  }
0x171: {  	v55 =	vld [tilespmem:s13+$0x7880];
	vm2 =	vlt.s32 v1, v9;
	v61 =	vsel vm14, v5, v58;
	v5 =	vsel vm14, v58, v5  }
0x172: {  	v18 =	vsel vm10, v2, v17;
	v2 =	vsel vm10, v17, v2;
	vm15 =	vlt.s32 v6, v24  }
0x173: {  	vm10 =	vlt.s32 v3, v31;
	v54 =	vsel vm2, v1, v9;
	v1 =	vsel vm2, v9, v1  }
0x174: {  	vm7 =	vlt.s32 v7, v61;
	vm11 =	vlt.s32 v5, v18;
	v25 =	vsel vm15, v6, v24  }
0x175: {  	v6 =	vsel vm15, v24, v6;
	v33 =	vsel vm10, v3, v31;
	v3 =	vsel vm10, v31, v3  }
0x176: {  	v16 =	vld [tilespmem:s13+$0x7900];
	vm15 =	vlt.s32 v0, v37;
	v60 =	vand.u32 $0xFFFFFFC0, v55;
	v63 =	vsel vm7, v61, v7  }
0x177: {  	v7 =	vsel vm7, v7, v61;
	v21 =	vsel vm11, v5, v18;
	v5 =	vsel vm11, v18, v5  }
0x178: {  	vm6 =	vlt.s32 v2, v25;
	v40 =	vsel vm15, v0, v37;
	v0 =	vsel vm15, v37, v0  }
0x179: {  	v10 =	vor.u32 $0xE, v60;
	vm0 =	vgt.s32 v4, v7;
	vm12 =	vlt.s32 v63, v21  }
0x17a: {  	v27 =	vsel vm6, v2, v25;
	v2 =	vsel vm6, v25, v2;
	vm8 =	vlt.s32 v3, v40  }
0x17b: {  	vm3 =	vlt.s32 v0, v45;
	vm2 =	vlt.s32 v1, v10;
	v13 =	vand.u32 $0xFFFFFFC0, v16  }
0x17c: {  	v4 =	vsel vm0, v4, v7;
	v23 =	vsel vm12, v63, v21;
	v8 =	vsel vm12, v21, v63  }
0x17d: {  	vm7 =	vlt.s32 v5, v27;
	vm12 =	vlt.s32 v6, v33;
	v42 =	vsel vm8, v3, v40  }
0x17e: {  	v3 =	vsel vm8, v40, v3;
	v48 =	vsel vm3, v0, v45;
	v0 =	vsel vm3, v45, v0  }
0x17f: {  	v63 =	vsel vm2, v1, v10;
	v1 =	vsel vm2, v10, v1;
	v13 =	vor.u32 $0xD, v13  }
0x180: {  	vm14 =	vgt.s32 v4, v23;
	v30 =	vsel vm7, v5, v27;
	v5 =	vsel vm7, v27, v5  }
0x181: {  	v24 =	vld [tilespmem:s13+$0x7980];
	v35 =	vsel vm12, v6, v33;
	v6 =	vsel vm12, v33, v6;
	vm8 =	vlt.s32 v0, v54  }
0x182: {  	vm2 =	vlt.s32 v1, v13;
	v4 =	vsel vm14, v4, v23;
	vm9 =	vlt.s32 v8, v30  }
0x183: {  	vm13 =	vlt.s32 v2, v35;
	v57 =	vsel vm8, v0, v54;
	v0 =	vsel vm8, v54, v0  }
0x184: {  	v23 =	vsel vm2, v1, v13;
	v1 =	vsel vm2, v13, v1;
	v32 =	vsel vm9, v8, v30  }
0x185: {  	v8 =	vsel vm9, v30, v8;
	v36 =	vsel vm13, v2, v35;
	v2 =	vsel vm13, v35, v2  }
0x186: {  	vm9 =	vlt.s32 v6, v42;
	vm13 =	vlt.s32 v3, v48;
	v30 =	vand.u32 $0xFFFFFFC0, v24  }
0x187: {  	vm11 =	vgt.s32 v4, v32;
	vm14 =	vlt.s32 v5, v36;
	v43 =	vsel vm9, v6, v42  }
0x188: {  	v6 =	vsel vm9, v42, v6;
	v50 =	vsel vm13, v3, v48;
	v3 =	vsel vm13, v48, v3  }
0x189: {  	v33 =	vld [tilespmem:s13+$0x7A00];
	v9 =	vor.u32 $0xC, v30;
	v4 =	vsel vm11, v4, v32;
	v39 =	vsel vm14, v5, v36  }
0x18a: {  	v5 =	vsel vm14, v36, v5;
	vm10 =	vlt.s32 v2, v43;
	vm15 =	vlt.s32 v6, v50  }
0x18b: {  	vm2 =	vlt.s32 v1, v9;
	vm7 =	vlt.s32 v8, v39;
	v44 =	vsel vm10, v2, v43  }
0x18c: {  	v2 =	vsel vm10, v43, v2;
	v51 =	vsel vm15, v6, v50;
	v6 =	vsel vm15, v50, v6  }
0x18d: {  	vm10 =	vlt.s32 v3, v57;
	vm15 =	vlt.s32 v0, v63;
	v32 =	vsel vm2, v1, v9  }
0x18e: {  	v38 =	vand.u32 $0xFFFFFFC0, v33;
	v1 =	vsel vm2, v9, v1;
	v41 =	vsel vm7, v39, v8  }
0x18f: {  	v8 =	vsel vm7, v8, v39;
	vm11 =	vlt.s32 v5, v44;
	vm6 =	vlt.s32 v2, v51  }
0x190: {  	v59 =	vsel vm10, v3, v57;
	v3 =	vsel vm10, v57, v3;
	v18 =	vsel vm15, v0, v63  }
0x191: {  	v42 =	vld [tilespmem:s13+$0x7A80];
	v0 =	vsel vm15, v63, v0;
	v11 =	vor.u32 $0xB, v38;
	vm0 =	vgt.s32 v4, v8  }
0x192: {  	v47 =	vsel vm11, v5, v44;
	v5 =	vsel vm11, v44, v5;
	v53 =	vsel vm6, v2, v51  }
0x193: {  	v2 =	vsel vm6, v51, v2;
	vm8 =	vlt.s32 v3, v18;
	vm3 =	vlt.s32 v0, v23  }
0x194: {  	vm2 =	vlt.s32 v1, v11;
	v4 =	vsel vm0, v4, v8;
	vm12 =	vlt.s32 v41, v47  }
0x195: {  	vm7 =	vlt.s32 v5, v53;
	v20 =	vsel vm8, v3, v18;
	v3 =	vsel vm8, v18, v3  }
0x196: {  	v26 =	vsel vm3, v0, v23;
	v0 =	vsel vm3, v23, v0;
	v13 =	vand.u32 $0xFFFFFFC0, v42  }
0x197: {  	v49 =	vsel vm12, v41, v47;
	v7 =	vsel vm12, v47, v41;
	v56 =	vsel vm7, v5, v53  }
0x198: {  	v5 =	vsel vm7, v53, v5;
	vm12 =	vlt.s32 v6, v59;
	vm8 =	vlt.s32 v0, v32  }
0x199: {  	v50 =	vld [tilespmem:s13+$0x7B00];
	v41 =	vsel vm2, v1, v11;
	v1 =	vsel vm2, v11, v1;
	v13 =	vor.u32 $0xA, v13  }
0x19a: {  	vm14 =	vgt.s32 v4, v49;
	vm9 =	vlt.s32 v7, v56;
	v61 =	vsel vm12, v6, v59  }
0x19b: {  	v6 =	vsel vm12, v59, v6;
	v35 =	vsel vm8, v0, v32;
	v0 =	vsel vm8, v32, v0  }
0x19c: {  	vm2 =	vlt.s32 v1, v13;
	v4 =	vsel vm14, v4, v49;
	v58 =	vsel vm9, v7, v56  }
0x19d: {  	v7 =	vsel vm9, v56, v7;
	vm13 =	vlt.s32 v2, v61;
	vm9 =	vlt.s32 v6, v20  }
0x19e: {  	v49 =	vsel vm2, v1, v13;
	v56 =	vand.u32 $0xFFFFFFC0, v50;
	v1 =	vsel vm2, v13, v1  }
0x19f: {  	vm11 =	vgt.s32 v4, v58;
	v62 =	vsel vm13, v2, v61;
	v2 =	vsel vm13, v61, v2  }
0x1a0: {  	v21 =	vsel vm9, v6, v20;
	v6 =	vsel vm9, v20, v6;
	vm13 =	vlt.s32 v3, v26  }
0x1a1: {  	v9 =	vor.u32 $0x9, v56;
	v4 =	vsel vm11, v4, v58;
	vm14 =	vlt.s32 v5, v62  }
0x1a2: {  	vm10 =	vlt.s32 v2, v21;
	v28 =	vsel vm13, v3, v26;
	v3 =	vsel vm13, v26, v3  }
0x1a3: {  	v59 =	vld [tilespmem:s13+$0x7B80];
	vm2 =	vlt.s32 v1, v9;
	v17 =	vsel vm14, v5, v62;
	v5 =	vsel vm14, v62, v5  }
0x1a4: {  	v22 =	vsel vm10, v2, v21;
	v2 =	vsel vm10, v21, v2;
	vm15 =	vlt.s32 v6, v28  }
0x1a5: {  	vm10 =	vlt.s32 v3, v35;
	v58 =	vsel vm2, v1, v9;
	v1 =	vsel vm2, v9, v1  }
0x1a6: {  	vm7 =	vlt.s32 v7, v17;
	vm11 =	vlt.s32 v5, v22;
	v29 =	vsel vm15, v6, v28  }
0x1a7: {  	v6 =	vsel vm15, v28, v6;
	v37 =	vsel vm10, v3, v35;
	v3 =	vsel vm10, v35, v3  }
0x1a8: {  	vm15 =	vlt.s32 v0, v41;
	v15 =	vand.u32 $0xFFFFFFC0, v59;
	v19 =	vsel vm7, v17, v7  }
0x1a9: {  	v7 =	vsel vm7, v7, v17;
	v25 =	vsel vm11, v5, v22;
	v5 =	vsel vm11, v22, v5  }
0x1aa: {  	vm6 =	vlt.s32 v2, v29;
	v44 =	vsel vm15, v0, v41;
	v0 =	vsel vm15, v41, v0  }
0x1ab: {  	v10 =	vor.u32 $0x8, v15;
	vm0 =	vgt.s32 v4, v7;
	vm12 =	vlt.s32 v19, v25  }
0x1ac: {  	v31 =	vsel vm6, v2, v29;
	v2 =	vsel vm6, v29, v2;
	vm8 =	vlt.s32 v3, v44  }
0x1ad: {  	vm3 =	vlt.s32 v0, v49;
	vm2 =	vlt.s32 v1, v10;
	v4 =	vsel vm0, v4, v7  }
0x1ae: {  	v27 =	vsel vm12, v19, v25;
	v8 =	vsel vm12, v25, v19;
	vm7 =	vlt.s32 v5, v31  }
0x1af: {  	vm12 =	vlt.s32 v6, v37;
	v46 =	vsel vm8, v3, v44;
	v3 =	vsel vm8, v44, v3  }
0x1b0: {  	v52 =	vsel vm3, v0, v49;
	v0 =	vsel vm3, v49, v0;
	v18 =	vsel vm2, v1, v10  }
0x1b1: {  	v1 =	vsel vm2, v10, v1;
	vm14 =	vgt.s32 v4, v27;
	v34 =	vsel vm7, v5, v31  }
0x1b2: {  	v5 =	vsel vm7, v31, v5;
	v39 =	vsel vm12, v6, v37;
	v6 =	vsel vm12, v37, v6  }
0x1b3: {  	vm8 =	vlt.s32 v0, v58;
	v4 =	vsel vm14, v4, v27;
	vm9 =	vlt.s32 v8, v34  }
0x1b4: {  	vm13 =	vlt.s32 v2, v39;
	v61 =	vsel vm8, v0, v58;
	v0 =	vsel vm8, v58, v0  }
0x1b5: {  	v19 =	vld [tilespmem:s13+$0x8C00];
	v36 =	vsel vm9, v8, v34;
	v8 =	vsel vm9, v34, v8;
	v40 =	vsel vm13, v2, v39  }
0x1b6: {  	v2 =	vsel vm13, v39, v2;
	vm9 =	vlt.s32 v6, v46;
	vm13 =	vlt.s32 v3, v52  }
0x1b7: {  	vm11 =	vgt.s32 v4, v36;
	vm14 =	vlt.s32 v5, v40;
	v47 =	vsel vm9, v6, v46  }
0x1b8: {  	v6 =	vsel vm9, v46, v6;
	v54 =	vsel vm13, v3, v52;
	v3 =	vsel vm13, v52, v3  }
0x1b9: {  	v4 =	vsel vm11, v4, v36;
	v43 =	vsel vm14, v5, v40;
	v5 =	vsel vm14, v40, v5  }
0x1ba: {  	vm10 =	vlt.s32 v2, v47;
	vm15 =	vlt.s32 v6, v54;
	v13 =	vand.u32 $0xFFFFFFC0, v19  }
0x1bb: {  	v27 =	vld [tilespmem:s13+$0x8C80];
	vm7 =	vlt.s32 v8, v43;
	v48 =	vsel vm10, v2, v47;
	v2 =	vsel vm10, v47, v2  }
0x1bc: {  	v55 =	vsel vm15, v6, v54;
	v6 =	vsel vm15, v54, v6;
	vm10 =	vlt.s32 v3, v61  }
0x1bd: {  	vm15 =	vlt.s32 v0, v18;
	v13 =	vor.u32 $0x7, v13;
	v45 =	vsel vm7, v43, v8  }
0x1be: {  	v8 =	vsel vm7, v8, v43;
	vm11 =	vlt.s32 v5, v48;
	vm6 =	vlt.s32 v2, v55  }
0x1bf: {  	v63 =	vsel vm10, v3, v61;
	v3 =	vsel vm10, v61, v3;
	v21 =	vsel vm15, v0, v18  }
0x1c0: {  	vm2 =	vlt.s32 v1, v13;
	v0 =	vsel vm15, v18, v0;
	v33 =	vand.u32 $0xFFFFFFC0, v27  }
0x1c1: {  	vm0 =	vgt.s32 v4, v8;
	v51 =	vsel vm11, v5, v48;
	v5 =	vsel vm11, v48, v5  }
0x1c2: {  	v57 =	vsel vm6, v2, v55;
	v2 =	vsel vm6, v55, v2;
	vm8 =	vlt.s32 v3, v21  }
0x1c3: {  	v26 =	vsel vm2, v1, v13;
	v1 =	vsel vm2, v13, v1;
	v9 =	vor.u32 $0x6, v33  }
0x1c4: {  	v36 =	vld [tilespmem:s13+$0x8D00];
	v4 =	vsel vm0, v4, v8;
	vm12 =	vlt.s32 v45, v51;
	vm7 =	vlt.s32 v5, v57  }
0x1c5: {  	v23 =	vsel vm8, v3, v21;
	v3 =	vsel vm8, v21, v3;
	vm3 =	vlt.s32 v0, v26  }
0x1c6: {  	vm2 =	vlt.s32 v1, v9;
	v53 =	vsel vm12, v45, v51;
	v7 =	vsel vm12, v51, v45  }
0x1c7: {  	v60 =	vsel vm7, v5, v57;
	v5 =	vsel vm7, v57, v5;
	vm12 =	vlt.s32 v6, v63  }
0x1c8: {  	v29 =	vsel vm3, v0, v26;
	v0 =	vsel vm3, v26, v0;
	v35 =	vsel vm2, v1, v9  }
0x1c9: {  	v41 =	vand.u32 $0xFFFFFFC0, v36;
	v1 =	vsel vm2, v9, v1;
	vm14 =	vgt.s32 v4, v53  }
0x1ca: {  	vm9 =	vlt.s32 v7, v60;
	v16 =	vsel vm12, v6, v63;
	v6 =	vsel vm12, v63, v6  }
0x1cb: {  	vm8 =	vlt.s32 v0, v35;
	v11 =	vor.u32 $0x5, v41;
	v4 =	vsel vm14, v4, v53  }
0x1cc: {  	v62 =	vsel vm9, v7, v60;
	v7 =	vsel vm9, v60, v7;
	vm13 =	vlt.s32 v2, v16  }
0x1cd: {  	vm9 =	vlt.s32 v6, v23;
	v38 =	vsel vm8, v0, v35;
	v0 =	vsel vm8, v35, v0  }
0x1ce: {  	vm2 =	vlt.s32 v1, v11;
	vm11 =	vgt.s32 v4, v62;
	v17 =	vsel vm13, v2, v16  }
0x1cf: {  	v45 =	vld [tilespmem:s13+$0x8D80];
	v2 =	vsel vm13, v16, v2;
	v24 =	vsel vm9, v6, v23;
	v6 =	vsel vm9, v23, v6  }
0x1d0: {  	vm13 =	vlt.s32 v3, v29;
	v44 =	vsel vm2, v1, v11;
	v1 =	vsel vm2, v11, v1  }
0x1d1: {  	v4 =	vsel vm11, v4, v62;
	vm14 =	vlt.s32 v5, v17;
	vm10 =	vlt.s32 v2, v24  }
0x1d2: {  	v31 =	vsel vm13, v3, v29;
	v3 =	vsel vm13, v29, v3;
	v20 =	vsel vm14, v5, v17  }
0x1d3: {  	v5 =	vsel vm14, v17, v5;
	v25 =	vsel vm10, v2, v24;
	v2 =	vsel vm10, v24, v2  }
0x1d4: {  	vm15 =	vlt.s32 v6, v31;
	vm10 =	vlt.s32 v3, v38;
	v13 =	vand.u32 $0xFFFFFFC0, v45  }
0x1d5: {  	v53 =	vld [tilespmem:s13+$0x8E00];
	vm7 =	vlt.s32 v7, v20;
	vm11 =	vlt.s32 v5, v25;
	v32 =	vsel vm15, v6, v31  }
0x1d6: {  	v6 =	vsel vm15, v31, v6;
	v40 =	vsel vm10, v3, v38;
	v3 =	vsel vm10, v38, v3  }
0x1d7: {  	vm15 =	vlt.s32 v0, v44;
	v13 =	vor.u32 $0x4, v13;
	v22 =	vsel vm7, v20, v7  }
0x1d8: {  	v21 =	vld [tilespmem:s13+$0x8F00];
	v7 =	vsel vm7, v7, v20;
	v28 =	vsel vm11, v5, v25;
	v5 =	vsel vm11, v25, v5  }
0x1d9: {  	vm6 =	vlt.s32 v2, v32;
	v47 =	vsel vm15, v0, v44;
	vm2 =	vlt.s32 v1, v13  }
0x1da: {  	v0 =	vsel vm15, v44, v0;
	v59 =	vand.u32 $0xFFFFFFC0, v53;
	vm0 =	vgt.s32 v4, v7  }
0x1db: {  	v62 =	vld [tilespmem:s13+$0x8E80];
	vm12 =	vlt.s32 v22, v28;
	v34 =	vsel vm6, v2, v32;
	v2 =	vsel vm6, v32, v2  }
0x1dc: {  	vm8 =	vlt.s32 v3, v47;
	v52 =	vsel vm2, v1, v13;
	v1 =	vsel vm2, v13, v1  }
0x1dd: {  	v9 =	vor.u32 $0x3, v59;
	v13 =	vand.u32 $0xFFFFFFC0, v21;
	v4 =	vsel vm0, v4, v7  }
0x1de: {  	v30 =	vsel vm12, v22, v28;
	v8 =	vsel vm12, v28, v22;
	vm7 =	vlt.s32 v5, v34  }
0x1df: {  	vm12 =	vlt.s32 v6, v40;
	v49 =	vsel vm8, v3, v47;
	v3 =	vsel vm8, v47, v3  }
0x1e0: {  	vm3 =	vlt.s32 v0, v52;
	vm2 =	vlt.s32 v1, v9;
	v17 =	vand.u32 $0xFFFFFFC0, v62  }
0x1e1: {  	v31 =	vld [tilespmem:s13+$0x8F80];
	v13 =	vor.u32 $0x1, v13;
	vm14 =	vgt.s32 v4, v30;
	v37 =	vsel vm7, v5, v34  }
0x1e2: {  	v5 =	vsel vm7, v34, v5;
	v42 =	vsel vm12, v6, v40;
	v6 =	vsel vm12, v40, v6  }
0x1e3: {  	v55 =	vsel vm3, v0, v52;
	v0 =	vsel vm3, v52, v0;
	v61 =	vsel vm2, v1, v9  }
0x1e4: {  	v1 =	vsel vm2, v9, v1;
	v10 =	vor.u32 $0x2, v17;
	v4 =	vsel vm14, v4, v30  }
0x1e5: {  	vm9 =	vlt.s32 v8, v37;
	vm13 =	vlt.s32 v2, v42;
	vm8 =	vlt.s32 v0, v61  }
0x1e6: {  	vm2 =	vlt.s32 v1, v10;
	v35 =	vand.u32 $0xFFFFFFC0, v31;
	v39 =	vsel vm9, v8, v37  }
0x1e7: {  	v8 =	vsel vm9, v37, v8;
	v43 =	vsel vm13, v2, v42;
	v2 =	vsel vm13, v42, v2  }
0x1e8: {  	vm9 =	vlt.s32 v6, v49;
	vm13 =	vlt.s32 v3, v55;
	v14 =	vsel vm8, v0, v61  }
0x1e9: {  	v0 =	vsel vm8, v61, v0;
	v20 =	vsel vm2, v1, v10;
	v1 =	vsel vm2, v10, v1  }
0x1ea: {  	vm11 =	vgt.s32 v4, v39;
	vm14 =	vlt.s32 v5, v43;
	v50 =	vsel vm9, v6, v49  }
0x1eb: {  	v6 =	vsel vm9, v49, v6;
	v57 =	vsel vm13, v3, v55;
	v3 =	vsel vm13, v55, v3  }
0x1ec: {  	vm2 =	vlt.s32 v1, v13;
	v4 =	vsel vm11, v4, v39;
	v46 =	vsel vm14, v5, v43  }
0x1ed: {  	v5 =	vsel vm14, v43, v5;
	vm10 =	vlt.s32 v2, v50;
	vm15 =	vlt.s32 v6, v57  }
0x1ee: {  	v28 =	vsel vm2, v1, v13;
	v1 =	vsel vm2, v13, v1;
	vm7 =	vlt.s32 v8, v46  }
0x1ef: {  	v51 =	vsel vm10, v2, v50;
	v2 =	vsel vm10, v50, v2;
	v58 =	vsel vm15, v6, v57  }
0x1f0: {  	v6 =	vsel vm15, v57, v6;
	vm10 =	vlt.s32 v3, v14;
	vm15 =	vlt.s32 v0, v20  }
0x1f1: {  	vm2 =	vlt.s32 v1, v35;
	v48 =	vsel vm7, v46, v8;
	v8 =	vsel vm7, v8, v46  }
0x1f2: {  	vm11 =	vlt.s32 v5, v51;
	vm6 =	vlt.s32 v2, v58;
	v16 =	vsel vm10, v3, v14  }
0x1f3: {  	v3 =	vsel vm10, v14, v3;
	v23 =	vsel vm15, v0, v20;
	v0 =	vsel vm15, v20, v0  }
0x1f4: {  	v37 =	vsel vm2, v1, v35;
	v1 =	vsel vm2, v35, v1;
	vm0 =	vgt.s32 v4, v8  }
0x1f5: {  	v54 =	vsel vm11, v5, v51;
	v5 =	vsel vm11, v51, v5;
	v60 =	vsel vm6, v2, v58  }
0x1f6: {  	v2 =	vsel vm6, v58, v2;
	vm3 =	vlt.s32 v0, v28;
	v40 =	vandn.u32 $0x3F, v1  }
0x1f7: {  	v1 =	vand.u32 $0xFFFFFFC0, v1;
	v4 =	vsel vm0, v4, v8;
	vm12 =	vlt.s32 v48, v54  }
0x1f8: {  	vm7 =	vlt.s32 v5, v60;
	v30 =	vsel vm3, v0, v28;
	v0 =	vsel vm3, v28, v0  }
0x1f9: {  	v56 =	vsel vm12, v48, v54;
	v7 =	vsel vm12, v54, v48;
	v63 =	vsel vm7, v5, v60  }
0x1fa: {  	v5 =	vsel vm7, v60, v5;
	vm12 =	vlt.s32 v6, v16;
	vm14 =	vgt.s32 v4, v56  }
0x1fb: {  	vm9 =	vlt.s32 v7, v63;
	v18 =	vsel vm12, v6, v16;
	v6 =	vsel vm12, v16, v6  }
0x1fc: {  	v4 =	vsel vm14, v4, v56;
	v15 =	vsel vm9, v7, v63;
	v7 =	vsel vm9, v63, v7  }
0x1fd: {  	vm13 =	vlt.s32 v2, v18;
	vm9 =	vlt.s32 v3, v23;
	vm11 =	vgt.s32 v4, v15  }
0x1fe: {  	v19 =	vsel vm13, v2, v18;
	v2 =	vsel vm13, v18, v2;
	v25 =	vsel vm9, v3, v23  }
0x1ff: {  	v3 =	vsel vm9, v23, v3;
	v4 =	vsel vm11, v4, v15;
	vm14 =	vlt.s32 v5, v19  }
0x200: {  	vm10 =	vlt.s32 v6, v25;
	v22 =	vsel vm14, v5, v19;
	v5 =	vsel vm14, v19, v5  }
0x201: {  	v26 =	vsel vm10, v6, v25;
	v6 =	vsel vm10, v25, v6;
	vm14 =	vlt.s32 v3, v30  }
0x202: {  	vm8 =	vlt.s32 v7, v22;
	vm11 =	vlt.s32 v2, v26;
	v33 =	vsel vm14, v3, v30  }
0x203: {  	v3 =	vsel vm14, v30, v3;
	v24 =	vsel vm8, v22, v7;
	v7 =	vsel vm8, v7, v22  }
0x204: {  	v27 =	vsel vm11, v2, v26;
	v2 =	vsel vm11, v26, v2;
	vm5 =	vlt.s32 v6, v33  }
0x205: {  	vm8 =	vlt.s32 v0, v37;
	vm0 =	vgt.s32 v4, v7;
	vm12 =	vlt.s32 v5, v27  }
0x206: {  	v34 =	vsel vm5, v6, v33;
	v6 =	vsel vm5, v33, v6;
	v39 =	vsel vm8, v0, v37  }
0x207: {  	v0 =	vsel vm8, v37, v0;
	v4 =	vsel vm0, v4, v7;
	v29 =	vsel vm12, v5, v27  }
0x208: {  	v5 =	vsel vm12, v27, v5;
	vm6 =	vlt.s32 v2, v34;
	vm9 =	vlt.s32 v3, v39  }
0x209: {  	v42 =	vandn.u32 $0x3F, v0;
	v0 =	vand.u32 $0xFFFFFFC0, v0;
	vm13 =	vlt.s32 v24, v29  }
0x20a: {  	v36 =	vsel vm6, v2, v34;
	v2 =	vsel vm6, v34, v2;
	v41 =	vsel vm9, v3, v39  }
0x20b: {  	v3 =	vsel vm9, v39, v3;
	v32 =	vsel vm13, v24, v29;
	v8 =	vsel vm13, v29, v24  }
0x20c: {  	[tilespmem:s13+$0xB400] =	vst v40;
	vm7 =	vlt.s32 v5, v36;
	vm10 =	vlt.s32 v6, v41;
	v45 =	vandn.u32 $0x3F, v3  }
0x20d: {  	[tilespmem:s13+$0xA000] =	vst v1;
	v47 =	vand.u32 $0xFFFFFFC0, v3;
	vm15 =	vgt.s32 v4, v32;
	v38 =	vsel vm7, v36, v5  }
0x20e: {  	[tilespmem:s13+$0xB480] =	vst v42;
	v5 =	vsel vm7, v5, v36;
	v44 =	vsel vm10, v6, v41;
	v6 =	vsel vm10, v41, v6  }
0x20f: {  	[tilespmem:s13+$0xA080] =	vst v0;
	v4 =	vsel vm15, v4, v32;
	vm1 =	vlt.s32 v8, v5;
	vm11 =	vlt.s32 v2, v44  }
0x210: {  	[tilespmem:s13+$0xB500] =	vst v45;
	v48 =	vandn.u32 $0x3F, v6;
	v50 =	vand.u32 $0xFFFFFFC0, v6;
	v46 =	vsel vm11, v2, v44  }
0x211: {  	[tilespmem:s13+$0xA100] =	vst v47;
	v43 =	vsel vm1, v5, v8;
	v5 =	vsel vm1, v8, v5;
	vm12 =	vlt.s32 v38, v46  }
0x212: {  	v1 =	vsel vm11, v44, v2;
	[tilespmem:s13+$0xB580] =	vst v48;
	vm13 =	vgt.s32 v4, v5;
	v49 =	vsel vm12, v38, v46  }
0x213: {  	[tilespmem:s13+$0xA180] =	vst v50;
	v52 =	vandn.u32 $0x3F, v1;
	v55 =	vand.u32 $0xFFFFFFC0, v1;
	vm14 =	vlt.s32 v43, v49  }
0x214: {  	v51 =	vsel vm13, v4, v5;
	v53 =	vsel vm12, v46, v38;
	[tilespmem:s13+$0xB600] =	vst v52;
	v54 =	vsel vm14, v43, v49  }
0x215: {  	[tilespmem:s13+$0xA200] =	vst v55;
	v56 =	vandn.u32 $0x3F, v53;
	vm15 =	vgt.s32 v51, v54  }
0x216: {  	p0 =	sne.s32 s12, $0x230;
	v59 =	vand.u32 $0xFFFFFFC0, v53;
	v57 =	vsel vm14, v49, v43;
	[tilespmem:s13+$0xB680] =	vst v56;
	v58 =	vsel vm15, v51, v54  }
.Ltmp0:
0x217: {  	[tilespmem:s13+$0xA280] =	vst v59;
	v60 =	vandn.u32 $0x3F, v57;
	vm0 =	vgt.s32 v58, $0x0;
	(pc) =	sbr.rel @p0 .LBB2_2-.Ltmp0, $4  }
0x218: {  	v61 =	vand.u32 $0xFFFFFFC0, v57;
	[tilespmem:s13+$0xB700] =	vst v60;
	v2 =	vnsel vm0, $0x0, v58  }
0x219: {  	[tilespmem:s13+$0xA300] =	vst v61;
	v62 =	vandn.u32 $0x3F, v2  }
0x21a: {  	v63 =	vand.u32 $0x7FFFFFC0, v2;
	[tilespmem:s14+$0xB400] =	vst v62  }
0x21b: {  	s11 =	sadd.s32 $0x80, s11;
	s12 =	sadd.s32 $0x10, s12;
	[tilespmem:s14+$0xA000] =	vst v63  }
0x21c: {  	[hbm4b:s4+s2] =	stream.linear.scatter [tilespmem:s8], [sflag:$0x1], $0x1400, $0x38;
	[tilespmem:$0xC800] =	vst v63  }
0x21d: {  	s10 =	sadd.s32 $0x1, s10;
	_ =	swait.ge [sflag:s7], $0x1400  }
0x21e: {  	p0 =	sne.s32 s10, s6;
	[sflag:s7] =	ssyncset.done $0x0  }
.Ltmp1:
0x21f: {  	[sflag:s7] =	ssyncadd.s32 $0xFFFFEC00;
	(pc) =	sbr.rel @p0 .LBB2_1-.Ltmp1, $4  }
0x220: {  	[hbm4b:s5+s2] =	stream.linear.scatter [tilespmem:s9], [sflag:$0x1], $0x1400, $0x38;
	[tilespmem:$0xC800] =	vst v63  }
0x221: {  	_ =	swait.ge [sflag:s7], $0x1400  }
0x222: {  	[sflag:s7] =	ssyncset.done $0x0  }
0x223: {  	[sflag:s7] =	ssyncadd.s32 $0xFFFFEC00  }
0x224: {  	_ =	sfence.sel $0x180000  }
0x225: {  	[bflag:$0x0] =	sbarrier.arrive $0xFFFF  }
0x226: {  	p0 =	sne.s32 s0, $0x0;
	_ =	strace $0x90000047  }
0x227: {  	s0 =	sadd.s32 @!p0 $0x100000, s1;
	[bflag:$0x2] =	sbarrier.arrive $0xFFFF  }
0x228: {  	[sflag:s0] =	ssyncadd.tile.s32 @!p0 $0x1;
	_ =	shalt  }
.Lfunc_end2:
_tile_overlayer_lowered:
.L_overlay_start_2:
0x229: {  	(tag) =	ssettag $0x2  }
0x22a: {  	s0 =	rddreg [dreg:$0x0];
	s2 =	stileid.u32  }
0x22b: {  	s1 =	rddreg [dreg:$0x1];
	p0 =	sne.s32 s2, $0x0  }
0x22c: {  	s3 =	rddreg [dreg:$0x2];
	[bflag:$0x3] =	sbarrier.arrive $0xFFFF;
	s2 =	simm.s32 @!p0 $0x1C01  }
0x22d: {  	[timem:s3], [sflag:s2] =	dma.local @!p0 [hbm:s0], s1  }
0x22e: {  	s0 =	simm.s32 @!p0 $0x1  }
0x22f: {  	_ =	swait.ge @!p0 [sflag:s0], s1  }
0x230: {  	s1 =	ssub.s32 @!p0 $0x0, s1;
	[sflag:s0] =	ssyncset.done @!p0 $0x0  }
0x231: {  	[sflag:s0] =	ssyncadd.s32 @!p0 s1  }
0x232: {  	[bflag:$0x3] =	sbarrier.arrive $0xFFFF  }
0x233: {  	_ =	shalt  }

</sc_bundles>
